<compile_context>
chip_gen: v7x
topology: tpu7x:2x2x1
jax: 0.10.2.dev20260603
libtpu: 0.0.44.dev20260713+nightly
codegen_flags: <defaults>
</compile_context>

<pallas_src>
import functools

import jax
import jax.numpy as jnp
from jax import lax
from jax.experimental import pallas as pl
from jax.experimental.pallas import tpu as pltpu
from jax.experimental.pallas import tpu_sc as plsc

F32 = jnp.float32
I32 = jnp.int32

NWORK = 32



def _dotf(a, b):
    return jnp.dot(a, b, preferred_element_type=F32)


def _tc_node_pre(x, Wd, Ws, Gx):
    N, D = x.shape
    BN = 512
    grid = (N + BN - 1) // BN

    def body(x_ref, wd_ref, ws_ref, gx_ref, a_ref, b_ref, g_ref):
        xb = x_ref[...]
        a_ref[...] = _dotf(xb, wd_ref[...])
        b_ref[...] = _dotf(xb, ws_ref[...])
        g_ref[...] = _dotf(xb, gx_ref[...])

    out64 = jax.ShapeDtypeStruct((N, 64), F32)
    wspec = pl.BlockSpec((D, 64), lambda i: (0, 0))
    ospec = pl.BlockSpec((BN, 64), lambda i: (i, 0))
    return pl.pallas_call(
        body,
        grid=(grid,),
        in_specs=[pl.BlockSpec((BN, D), lambda i: (i, 0)), wspec, wspec, wspec],
        out_specs=[ospec, ospec, ospec],
        out_shape=[out64, out64, out64],
    )(x, Wd, Ws, Gx)


def _tc_edge_pre(ea, We1, b1, We2, b2):
    E, DE = ea.shape
    BE = 512
    grid = E // BE

    def body(e_ref, w1_ref, bb1_ref, w2_ref, bb2_ref, c1_ref, c2_ref):
        eb = e_ref[...]
        c1_ref[...] = _dotf(eb, w1_ref[...]) + bb1_ref[...]
        c2_ref[...] = _dotf(eb, w2_ref[...]) + bb2_ref[...]

    out = jax.ShapeDtypeStruct((E, 64), F32)
    wspec = pl.BlockSpec((DE, 64), lambda i: (0, 0))
    bspec = pl.BlockSpec((1, 64), lambda i: (0, 0))
    ospec = pl.BlockSpec((BE, 64), lambda i: (i, 0))
    return pl.pallas_call(
        body,
        grid=(grid,),
        in_specs=[pl.BlockSpec((BE, DE), lambda i: (i, 0)), wspec, bspec,
                  wspec, bspec],
        out_specs=[ospec, ospec],
        out_shape=[out, out],
    )(ea, We1, b1.reshape(1, 64), We2, b2.reshape(1, 64))


SUB = 800
NSUB = 8


def _tc_edge_mlp(Od, Os, C, W2, b2, W3T, b3):
    E = Od.shape[0]
    BE = SUB * NSUB
    grid = E // BE

    def body(a_ref, b_ref, c_ref, w2_ref, bb2_ref, w3t_ref, bb3_ref, o_ref):
        for j in range(NSUB):
            s = slice(j * SUB, (j + 1) * SUB)
            g = a_ref[s, 0:64] + b_ref[s, 64:128] + c_ref[s, :]
            h1 = jnp.maximum(g, 0.0)
            h2 = jnp.maximum(_dotf(h1, w2_ref[...]) + bb2_ref[...], 0.0)
            mt = lax.dot_general(w3t_ref[...], h2, (((1,), (1,)), ((), ())),
                                 preferred_element_type=F32)
            o_ref[:, j, :] = mt + bb3_ref[...]

    gspec = pl.BlockSpec((BE, 128), lambda i: (i, 0))
    espec = pl.BlockSpec((BE, 64), lambda i: (i, 0))
    wspec = pl.BlockSpec((64, 64), lambda i: (0, 0))
    return pl.pallas_call(
        body,
        grid=(grid,),
        in_specs=[gspec, gspec, espec, wspec,
                  pl.BlockSpec((1, 64), lambda i: (0, 0)), wspec,
                  pl.BlockSpec((64, 1), lambda i: (0, 0))],
        out_specs=pl.BlockSpec((64, NSUB, SUB), lambda i: (0, i, 0)),
        out_shape=jax.ShapeDtypeStruct((64, E // SUB, SUB), F32),
    )(Od, Os, C, W2, b2.reshape(1, 64), W3T, b3.reshape(64, 1))


def _agg_dot(agg_ref, gae_ref, gao_ref):
    a0 = agg_ref[:, 0, :]
    a1 = agg_ref[:, 1, :]
    r0 = lax.dot_general(a0, gae_ref[...], (((0,), (0,)), ((), ())),
                         preferred_element_type=F32)
    r1 = lax.dot_general(a1, gao_ref[...], (((0,), (0,)), ((), ())),
                         preferred_element_type=F32)
    return r0 + r1


def _tc_gam1(aggS, xG, GaE, GaO, c1, G2, c2, G3, c3, Wd2, Ws2, Gh2):
    N = xG.shape[0]
    BN = 512
    grid = (N + BN - 1) // BN

    def body(agg_ref, xg_ref, gae_ref, gao_ref, cc1_ref, g2_ref, cc2_ref,
             g3_ref, cc3_ref, wd_ref, ws_ref, gh_ref,
             a2_ref, b2_ref, hg_ref):
        agg = _agg_dot(agg_ref, gae_ref, gao_ref)
        g1 = jnp.maximum(agg + xg_ref[...] + cc1_ref[...], 0.0)
        g2 = jnp.maximum(_dotf(g1, g2_ref[...]) + cc2_ref[...], 0.0)
        h = jnp.maximum(_dotf(g2, g3_ref[...]) + cc3_ref[...], 0.0)
        a2_ref[...] = _dotf(h, wd_ref[...])
        b2_ref[...] = _dotf(h, ws_ref[...])
        hg_ref[...] = _dotf(h, gh_ref[...])

    out64 = jax.ShapeDtypeStruct((N, 64), F32)
    hwspec = pl.BlockSpec((32, 64), lambda i: (0, 0))
    wspec = pl.BlockSpec((64, 64), lambda i: (0, 0))
    bspec = pl.BlockSpec((1, 64), lambda i: (0, 0))
    nspec = pl.BlockSpec((BN, 64), lambda i: (i, 0))
    return pl.pallas_call(
        body,
        grid=(grid,),
        in_specs=[pl.BlockSpec((32, 2, BN), lambda i: (0, 0, i)), nspec,
                  hwspec, hwspec, bspec, wspec, bspec, wspec, bspec,
                  wspec, wspec, wspec],
        out_specs=[nspec, nspec, nspec],
        out_shape=[out64, out64, out64],
    )(aggS, xG, GaE, GaO, c1.reshape(1, 64), G2, c2.reshape(1, 64), G3,
      c3.reshape(1, 64), Wd2, Ws2, Gh2)


def _tc_gam2_head(aggS, hG, GaE, GaO, c1, G2, c2, G3, c3,
                  H1, d1, H2, d2, H3, d3):
    N = hG.shape[0]
    BN = 512
    grid = (N + BN - 1) // BN

    def body(agg_ref, hg_ref, gae_ref, gao_ref, cc1_ref, g2_ref, cc2_ref,
             g3_ref, cc3_ref, h1_ref, dd1_ref, h2_ref, dd2_ref, h3_ref,
             dd3_ref, o_ref):
        agg = _agg_dot(agg_ref, gae_ref, gao_ref)
        g1 = jnp.maximum(agg + hg_ref[...] + cc1_ref[...], 0.0)
        g2 = jnp.maximum(_dotf(g1, g2_ref[...]) + cc2_ref[...], 0.0)
        h = _dotf(g2, g3_ref[...]) + cc3_ref[...]
        y = jnp.maximum(_dotf(h, h1_ref[...]) + dd1_ref[...], 0.0)
        y = jnp.maximum(_dotf(y, h2_ref[...]) + dd2_ref[...], 0.0)
        o_ref[...] = _dotf(y, h3_ref[...]) + dd3_ref[...]

    hwspec = pl.BlockSpec((32, 64), lambda i: (0, 0))
    wspec = pl.BlockSpec((64, 64), lambda i: (0, 0))
    bspec = pl.BlockSpec((1, 64), lambda i: (0, 0))
    nspec = pl.BlockSpec((BN, 64), lambda i: (i, 0))
    return pl.pallas_call(
        body,
        grid=(grid,),
        in_specs=[pl.BlockSpec((32, 2, BN), lambda i: (0, 0, i)), nspec,
                  hwspec, hwspec, bspec, wspec, bspec, wspec, bspec,
                  wspec, bspec, wspec, bspec,
                  pl.BlockSpec((64, 1), lambda i: (0, 0)),
                  pl.BlockSpec((1, 1), lambda i: (0, 0))],
        out_specs=pl.BlockSpec((BN, 1), lambda i: (i, 0)),
        out_shape=jax.ShapeDtypeStruct((N, 1), F32),
    )(aggS, hG, GaE, GaO, c1.reshape(1, 64), G2, c2.reshape(1, 64), G3,
      c3.reshape(1, 64), H1, d1.reshape(1, 64), H2, d2.reshape(1, 64),
      H3, d3.reshape(1, 1))



def _sc_gather(T, dstI, srcI):
    E = dstI.shape[0]
    CH = 128
    nchunk = E // CH
    trips = (nchunk + NWORK - 1) // NWORK
    mesh = plsc.VectorSubcoreMesh(core_axis_name="c", subcore_axis_name="s")

    out = jax.ShapeDtypeStruct((E, 128), F32)

    @functools.partial(
        pl.kernel,
        out_type=[out, out],
        mesh=mesh,
        scratch_types=[
            pltpu.VMEM((CH,), I32), pltpu.VMEM((CH,), I32),
            pltpu.VMEM((CH, 128), F32), pltpu.VMEM((CH, 128), F32),
            pltpu.SemaphoreType.DMA, pltpu.SemaphoreType.DMA,
        ],
        compiler_params=pltpu.CompilerParams(needs_layout_passes=False),
    )
    def k(t_hbm, d_hbm, s_hbm, oa_hbm, ob_hbm,
          idxa, idxb, bufa, bufb, sema, semb):
        wid = lax.axis_index("s") * 2 + lax.axis_index("c")

        def step(i, carry):
            c = wid + i * NWORK

            @pl.when(c < nchunk)
            def _():
                base = c * CH
                pltpu.sync_copy(d_hbm.at[pl.ds(base, CH)], idxa)
                pltpu.sync_copy(s_hbm.at[pl.ds(base, CH)], idxb)
                cpa = pltpu.async_copy(t_hbm.at[idxa], bufa, sema)
                cpb = pltpu.async_copy(t_hbm.at[idxb], bufb, semb)
                cpa.wait()
                cpb.wait()
                pltpu.sync_copy(bufa, oa_hbm.at[pl.ds(base, CH)])
                pltpu.sync_copy(bufb, ob_hbm.at[pl.ds(base, CH)])

            return carry

        lax.fori_loop(0, trips, step, 0)

    return k(T, dstI, srcI)


def _sc_segmax(mT3, dstI, N):
    E = dstI.shape[0]
    CH = SUB * NSUB
    nch = E // CH
    ngrp = CH // 16
    NP = ((N + 15) // 16) * 16
    ninit = NP // 16
    mesh = plsc.VectorSubcoreMesh(core_axis_name="c", subcore_axis_name="s")

    @functools.partial(
        pl.kernel,
        out_type=jax.ShapeDtypeStruct((NWORK, 2, N), F32),
        mesh=mesh,
        scratch_types=[
            pltpu.VMEM((CH,), I32),
            pltpu.VMEM((NSUB, SUB), F32), pltpu.VMEM((NSUB, SUB), F32),
            pltpu.VMEM((NP,), F32), pltpu.VMEM((NP,), F32),
            pltpu.VMEM((2, NP), F32),
            pltpu.VMEM((NP,), I32),
        ],
        compiler_params=pltpu.CompilerParams(needs_layout_passes=False),
    )
    def k(m_hbm, d_hbm, agg_hbm, dbuf, va, vb, acca, accb, accab, sids):
        wid = lax.axis_index("s") * 2 + lax.axis_index("c")
        f0 = wid * 2
        neg = jnp.full((16,), -jnp.inf, F32)

        def init(i, carry):
            acca[pl.ds(i * 16, 16)] = neg
            accb[pl.ds(i * 16, 16)] = neg
            return carry

        lax.fori_loop(0, ninit, init, 0)

        ids = lax.iota(I32, 16)
        gps = SUB // 16

        def chunk(c, carry):
            base = c * CH
            pltpu.sync_copy(d_hbm.at[pl.ds(base, CH)], dbuf)
            pltpu.sync_copy(m_hbm.at[f0, pl.ds(c * NSUB, NSUB)], va)
            pltpu.sync_copy(m_hbm.at[f0 + 1, pl.ds(c * NSUB, NSUB)], vb)

            def group(g, carry2):
                o = g * 16
                d16 = dbuf[pl.ds(o, 16)]
                row = g // gps
                col = (g % gps) * 16
                va16 = va[row, pl.ds(col, 16)]
                vb16 = vb[row, pl.ds(col, 16)]
                plsc.store_scatter(sids, [d16], ids)
                back = plsc.load_gather(sids, [d16])
                allu = jnp.all(back == ids)

                def fast():
                    cura = plsc.load_gather(acca, [d16])
                    plsc.store_scatter(acca, [d16], jnp.maximum(cura, va16))
                    curb = plsc.load_gather(accb, [d16])
                    plsc.store_scatter(accb, [d16], jnp.maximum(curb, vb16))

                def slow():
                    def one(acc, v):
                        def cond(pend):
                            return jnp.any(pend)

                        def body(pend):
                            cur = plsc.load_gather(acc, [d16], mask=pend)
                            new = jnp.maximum(cur, v)
                            plsc.store_scatter(acc, [d16], new, mask=pend)
                            chk = plsc.load_gather(acc, [d16], mask=pend)
                            return pend & (chk < new)

                        lax.while_loop(cond, body, d16 == d16)

                    one(acca, va16)
                    one(accb, vb16)

                lax.cond(allu, fast, slow)
                return carry2

            lax.fori_loop(0, ngrp, group, 0)
            return carry

        lax.fori_loop(0, nch, chunk, 0)

        def fin(i, carry):
            s = pl.ds(i * 16, 16)
            a = acca[s]
            accab[0, s] = jnp.where(a == neg, 0.0, a)
            b = accb[s]
            accab[1, s] = jnp.where(b == neg, 0.0, b)
            return carry

        lax.fori_loop(0, ninit, fin, 0)
        pltpu.sync_copy(accab.at[:, pl.ds(0, N)], agg_hbm.at[wid])

    return k(mT3, dstI)



def kernel(x, edge_attr, params, edge_index):
    D = x.shape[1]

    (W1a, b1a), (W2a, b2a), (W3a, b3a) = params['l1_phi']
    (G1a, c1a), (G2a, c2a), (G3a, c3a) = params['l1_gam']
    (W1b, b1b), (W2b, b2b), (W3b, b3b) = params['l2_phi']
    (G1b, c1b), (G2b, c2b), (G3b, c3b) = params['l2_gam']
    (H1, d1), (H2, d2), (H3, d3) = params['head']

    Wd1, Ws1, We1 = W1a[:D], W1a[D:2 * D], W1a[2 * D:]
    Ga1, Gx1 = G1a[:64], G1a[64:]
    Wd2, Ws2, We2 = W1b[:64], W1b[64:128], W1b[128:]
    Ga2, Gh2 = G1b[:64], G1b[64:]
    Ga1E, Ga1O = Ga1[0::2], Ga1[1::2]
    Ga2E, Ga2O = Ga2[0::2], Ga2[1::2]

    src = edge_index[0].astype(I32)
    dst = edge_index[1].astype(I32)
    N = x.shape[0]

    A1, B1, xG = _tc_node_pre(x, Wd1, Ws1, Gx1)
    C1, C2 = _tc_edge_pre(edge_attr, We1, b1a, We2, b1b)

    Od1, Os1 = _sc_gather(jnp.concatenate([A1, B1], axis=1), dst, src)
    mT1 = _tc_edge_mlp(Od1, Os1, C1, W2a, b2a, W3a.T, b3a)
    aggS1 = _sc_segmax(mT1, dst, N)
    A2, B2, hG = _tc_gam1(aggS1, xG, Ga1E, Ga1O, c1a, G2a, c2a, G3a, c3a,
                          Wd2, Ws2, Gh2)

    Od2, Os2 = _sc_gather(jnp.concatenate([A2, B2], axis=1), dst, src)
    mT2 = _tc_edge_mlp(Od2, Os2, C2, W2b, b2b, W3b.T, b3b)
    aggS2 = _sc_segmax(mT2, dst, N)
    return _tc_gam2_head(aggS2, hG, Ga2E, Ga2O, c1b, G2b, c2b, G3b, c3b,
                         H1, d1, H2, d2, H3, d3)

# --- scband reference (transcript-rebuilt; emitter-appended) ---
"""Pipeline reference for scband-cbfgnn-8821862826348 (READ-ONLY COPY).

The authoritative reference and input builder live on the scoring server;
editing this copy changes nothing except your own understanding.
"""

import jax, jax.numpy as jnp
import numpy as np

N = 10000
E = 320000
NODE_DIM = 128
EDGE_DIM = 16
PHI_DIM = 64
HID = 64
OUT = 64


def _mk_mlp(key, dims):
    layers = []
    for i in range(len(dims) - 1):
        key, k1, k2 = jax.random.split(key, 3)
        s = 1.0 / np.sqrt(dims[i])
        w = jax.random.uniform(k1, (dims[i], dims[i + 1]), minval=-s, maxval=s, dtype=jnp.float32)
        b = jax.random.uniform(k2, (dims[i + 1],), minval=-s, maxval=s, dtype=jnp.float32)
        layers.append((w, b))
    return layers


def _mlp_apply(layers, x):
    for i, (w, b) in enumerate(layers):
        x = x @ w + b
        if i < len(layers) - 1:
            x = jax.nn.relu(x)
    return x


def _cbf_gnn_layer(x, edge_attr, edge_index, phi, gam, n):
    # PyG MessagePassing(aggr='max'), flow source_to_target:
    # x_j = x[edge_index[0]] (source), x_i = x[edge_index[1]] (target)
    src = edge_index[0]
    dst = edge_index[1]
    msg_in = jnp.concatenate([x[dst], x[src], edge_attr], axis=1)
    m = _mlp_apply(phi, msg_in)
    agg = jax.ops.segment_max(m, dst, num_segments=n)
    agg = jnp.where(jnp.isfinite(agg), agg, 0.0)  # empty segments -> 0 like PyG
    return _mlp_apply(gam, jnp.concatenate([agg, x], axis=1))


def _forward(x, edge_attr, params, edge_index):
    n = x.shape[0]
    h = _cbf_gnn_layer(x, edge_attr, edge_index, params['l1_phi'], params['l1_gam'], n)
    h = jax.nn.relu(h)
    h = _cbf_gnn_layer(h, edge_attr, edge_index, params['l2_phi'], params['l2_gam'], n)
    return _mlp_apply(params['head'], h)


def setup_inputs(seed: int = 0) -> dict:
    key = jax.random.key(seed)
    kx, ka, ke, k1, k2, k3, k4, k5 = jax.random.split(key, 8)
    x = jax.random.normal(kx, (N, NODE_DIM), dtype=jnp.float32)
    edge_attr = jax.random.normal(ka, (E, EDGE_DIM), dtype=jnp.float32)
    edge_index = jax.random.randint(ke, (2, E), 0, N)
    params = {
        'l1_phi': _mk_mlp(k1, [2 * NODE_DIM + EDGE_DIM, HID, HID, PHI_DIM]),
        'l1_gam': _mk_mlp(k2, [PHI_DIM + NODE_DIM, HID, HID, OUT]),
        'l2_phi': _mk_mlp(k3, [2 * OUT + EDGE_DIM, HID, HID, PHI_DIM]),
        'l2_gam': _mk_mlp(k4, [PHI_DIM + OUT, HID, HID, OUT]),
        'head': _mk_mlp(k5, [OUT, 64, 64, 1]),
    }
    return {'x': x, 'edge_attr': edge_attr, 'params': params, 'edge_index': edge_index}


def reference(x, edge_attr, params, edge_index):
    return _forward(x, edge_attr, params, edge_index)

if __name__ == "__main__":
    import jax
    _d = setup_inputs()
    print(jax.jit(kernel)(*tuple(_d.values())))

</pallas_src>

<mosaic_0001>
#map = affine_map<(d0, d1) -> (0, 0)>
#map1 = affine_map<(d0, d1) -> (0)>
module attributes {stable_mosaic.version = 14 : i64} {
  func.func @k(%arg0: i32, %arg1: i32, %arg2: memref<10000x128xf32, #tpu.memory_space<hbm>>, %arg3: memref<320000xi32, #tpu.memory_space<hbm>>, %arg4: memref<320000xi32, #tpu.memory_space<hbm>>, %arg5: memref<320000x128xf32, #tpu.memory_space<hbm>>, %arg6: memref<320000x128xf32, #tpu.memory_space<hbm>>, %arg7: memref<128xi32, #tpu.memory_space<vmem>>, %arg8: memref<128xi32, #tpu.memory_space<vmem>>, %arg9: memref<128x128xf32, #tpu.memory_space<vmem>>, %arg10: memref<128x128xf32, #tpu.memory_space<vmem>>, %arg11: memref<!tpu.dma_semaphore, #tpu.memory_space<semaphore_mem>>, %arg12: memref<!tpu.dma_semaphore, #tpu.memory_space<semaphore_mem>>) attributes {dimension_semantics = [#tpu.dimension_semantics<core_parallel>, #tpu.dimension_semantics<subcore_parallel>], iteration_bounds = array<i64: 2, 16>, scalar_prefetch = 0 : i64, scratch_operands = 6 : i64, tpu.core_type = #tpu.core_type<sc_vector_subcore>, window_params = [{transform_indices = #map}, {transform_indices = #map1}, {transform_indices = #map1}, {transform_indices = #map}, {transform_indices = #map}]} {
    %mul3A = arith.constant 2 : i32
    %mul3A_0 = arith.muli %arg1, %mul3A : i32
    %add3A = arith.addi %mul3A_0, %arg0 : i32
    %scan3A = arith.constant 0 : i32
    %scan3A_1 = arith.constant 0 : i32
    %scan3A_2 = arith.constant 79 : i32
    %scan3A_3 = arith.addi %scan3A_1, %scan3A_2 : i32
    %scan3A_4 = arith.constant 1 : i32
    scf.for %scan3A_6 = %scan3A_1 to %scan3A_3 step %scan3A_4  : i32 {
      %mul3A_7 = arith.constant 32 : i32
      %mul3A_8 = arith.muli %scan3A_6, %mul3A_7 : i32
      %add3A_9 = arith.addi %add3A, %mul3A_8 : i32
      %lt3A = arith.constant 2500 : i32
      %lt3A_10 = arith.cmpi slt, %add3A_9, %lt3A : i32
      %convert_element_type3A = arith.extui %lt3A_10 : i1 to i32
      %cond3A = arith.constant 0 : i32
      %cond3A_11 = arith.cmpi ne, %convert_element_type3A, %cond3A : i32
      scf.if %cond3A_11 {
        %mul3A_12 = arith.constant 128 : i32
        %mul3A_13 = arith.muli %add3A_9, %mul3A_12 : i32
        "tpu.region"() ({
          %run_scoped3A = tpu.sem_alloc : memref<!tpu.dma_semaphore, #tpu.memory_space<semaphore_mem>>
          %dma_start3A_24 = tpu.memref_slice %arg3[%mul3A_13] : memref<320000xi32, #tpu.memory_space<hbm>> -> memref<128xi32, #tpu.memory_space<hbm>>
          %dma_start3A_25 = tpu.memref_slice %arg3[%mul3A_13] : memref<320000xi32, #tpu.memory_space<hbm>> -> memref<128xi32, #tpu.memory_space<hbm>>
          tpu.enqueue_dma source(%dma_start3A_25 : memref<128xi32, #tpu.memory_space<hbm>>) target(%arg7 : memref<128xi32, #tpu.memory_space<vmem>>) target_semaphore(%run_scoped3A : memref<!tpu.dma_semaphore, #tpu.memory_space<semaphore_mem>>)
          %dma_wait3A_26 = tpu.memref_slice %arg3[%mul3A_13] : memref<320000xi32, #tpu.memory_space<hbm>> -> memref<128xi32, #tpu.memory_space<hbm>>
          %dma_wait3A_27 = tpu.memref_slice %arg3[%mul3A_13] : memref<320000xi32, #tpu.memory_space<hbm>> -> memref<128xi32, #tpu.memory_space<hbm>>
          tpu.wait_dma2 semaphore(%run_scoped3A : memref<!tpu.dma_semaphore, #tpu.memory_space<semaphore_mem>>) src(%dma_wait3A_27 : memref<128xi32, #tpu.memory_space<hbm>>) dst(%arg7 : memref<128xi32, #tpu.memory_space<vmem>>)
          tpu.yield
        }) : () -> ()
        "tpu.region"() ({
          %run_scoped3A = tpu.sem_alloc : memref<!tpu.dma_semaphore, #tpu.memory_space<semaphore_mem>>
          %dma_start3A_24 = tpu.memref_slice %arg4[%mul3A_13] : memref<320000xi32, #tpu.memory_space<hbm>> -> memref<128xi32, #tpu.memory_space<hbm>>
          %dma_start3A_25 = tpu.memref_slice %arg4[%mul3A_13] : memref<320000xi32, #tpu.memory_space<hbm>> -> memref<128xi32, #tpu.memory_space<hbm>>
          tpu.enqueue_dma source(%dma_start3A_25 : memref<128xi32, #tpu.memory_space<hbm>>) target(%arg8 : memref<128xi32, #tpu.memory_space<vmem>>) target_semaphore(%run_scoped3A : memref<!tpu.dma_semaphore, #tpu.memory_space<semaphore_mem>>)
          %dma_wait3A_26 = tpu.memref_slice %arg4[%mul3A_13] : memref<320000xi32, #tpu.memory_space<hbm>> -> memref<128xi32, #tpu.memory_space<hbm>>
          %dma_wait3A_27 = tpu.memref_slice %arg4[%mul3A_13] : memref<320000xi32, #tpu.memory_space<hbm>> -> memref<128xi32, #tpu.memory_space<hbm>>
          tpu.wait_dma2 semaphore(%run_scoped3A : memref<!tpu.dma_semaphore, #tpu.memory_space<semaphore_mem>>) src(%dma_wait3A_27 : memref<128xi32, #tpu.memory_space<hbm>>) dst(%arg8 : memref<128xi32, #tpu.memory_space<vmem>>)
          tpu.yield
        }) : () -> ()
        %dma_start3A = arith.constant 0 : i32
        %dma_start3A_14 = arith.constant 0 : i32
        %dma_start3A_15 = tpu.memref_slice %arg2[%dma_start3A, %dma_start3A_14] : memref<10000x128xf32, #tpu.memory_space<hbm>> -> memref<10000x128xf32, #tpu.memory_space<hbm>>
        tpu.enqueue_indirect_dma source(%dma_start3A_15 : memref<10000x128xf32, #tpu.memory_space<hbm>>) target(%arg9 : memref<128x128xf32, #tpu.memory_space<vmem>>) offsets(%arg7 : memref<128xi32, #tpu.memory_space<vmem>>) semaphore(%arg11 : memref<!tpu.dma_semaphore, #tpu.memory_space<semaphore_mem>>)
        %dma_start3A_16 = arith.constant 0 : i32
        %dma_start3A_17 = arith.constant 0 : i32
        %dma_start3A_18 = tpu.memref_slice %arg2[%dma_start3A_16, %dma_start3A_17] : memref<10000x128xf32, #tpu.memory_space<hbm>> -> memref<10000x128xf32, #tpu.memory_space<hbm>>
        tpu.enqueue_indirect_dma source(%dma_start3A_18 : memref<10000x128xf32, #tpu.memory_space<hbm>>) target(%arg10 : memref<128x128xf32, #tpu.memory_space<vmem>>) offsets(%arg8 : memref<128xi32, #tpu.memory_space<vmem>>) semaphore(%arg12 : memref<!tpu.dma_semaphore, #tpu.memory_space<semaphore_mem>>)
        %dma_wait3A = arith.constant 0 : i32
        %dma_wait3A_19 = arith.constant 0 : i32
        %dma_wait3A_20 = tpu.memref_slice %arg2[%dma_wait3A, %dma_wait3A_19] : memref<10000x128xf32, #tpu.memory_space<hbm>> -> memref<10000x128xf32, #tpu.memory_space<hbm>>
        tpu.wait_indirect_dma semaphore(%arg11 : memref<!tpu.dma_semaphore, #tpu.memory_space<semaphore_mem>>) src(%dma_wait3A_20 : memref<10000x128xf32, #tpu.memory_space<hbm>>) dst(%arg9 : memref<128x128xf32, #tpu.memory_space<vmem>>)
        %dma_wait3A_21 = arith.constant 0 : i32
        %dma_wait3A_22 = arith.constant 0 : i32
        %dma_wait3A_23 = tpu.memref_slice %arg2[%dma_wait3A_21, %dma_wait3A_22] : memref<10000x128xf32, #tpu.memory_space<hbm>> -> memref<10000x128xf32, #tpu.memory_space<hbm>>
        tpu.wait_indirect_dma semaphore(%arg12 : memref<!tpu.dma_semaphore, #tpu.memory_space<semaphore_mem>>) src(%dma_wait3A_23 : memref<10000x128xf32, #tpu.memory_space<hbm>>) dst(%arg10 : memref<128x128xf32, #tpu.memory_space<vmem>>)
        "tpu.region"() ({
          %run_scoped3A = tpu.sem_alloc : memref<!tpu.dma_semaphore, #tpu.memory_space<semaphore_mem>>
          %dma_start3A_24 = arith.constant 0 : i32
          %dma_start3A_25 = tpu.memref_slice %arg5[%mul3A_13, %dma_start3A_24] : memref<320000x128xf32, #tpu.memory_space<hbm>> -> memref<128x128xf32, #tpu.memory_space<hbm>>
          %dma_start3A_26 = arith.constant 0 : i32
          %dma_start3A_27 = tpu.memref_slice %arg5[%mul3A_13, %dma_start3A_26] : memref<320000x128xf32, #tpu.memory_space<hbm>> -> memref<128x128xf32, #tpu.memory_space<hbm>>
          tpu.enqueue_dma source(%arg9 : memref<128x128xf32, #tpu.memory_space<vmem>>) target(%dma_start3A_27 : memref<128x128xf32, #tpu.memory_space<hbm>>) target_semaphore(%run_scoped3A : memref<!tpu.dma_semaphore, #tpu.memory_space<semaphore_mem>>)
          %dma_wait3A_28 = arith.constant 0 : i32
          %dma_wait3A_29 = tpu.memref_slice %arg5[%mul3A_13, %dma_wait3A_28] : memref<320000x128xf32, #tpu.memory_space<hbm>> -> memref<128x128xf32, #tpu.memory_space<hbm>>
          %dma_wait3A_30 = arith.constant 0 : i32
          %dma_wait3A_31 = tpu.memref_slice %arg5[%mul3A_13, %dma_wait3A_30] : memref<320000x128xf32, #tpu.memory_space<hbm>> -> memref<128x128xf32, #tpu.memory_space<hbm>>
          tpu.wait_dma2 semaphore(%run_scoped3A : memref<!tpu.dma_semaphore, #tpu.memory_space<semaphore_mem>>) src(%arg9 : memref<128x128xf32, #tpu.memory_space<vmem>>) dst(%dma_wait3A_31 : memref<128x128xf32, #tpu.memory_space<hbm>>)
          tpu.yield
        }) : () -> ()
        "tpu.region"() ({
          %run_scoped3A = tpu.sem_alloc : memref<!tpu.dma_semaphore, #tpu.memory_space<semaphore_mem>>
          %dma_start3A_24 = arith.constant 0 : i32
          %dma_start3A_25 = tpu.memref_slice %arg6[%mul3A_13, %dma_start3A_24] : memref<320000x128xf32, #tpu.memory_space<hbm>> -> memref<128x128xf32, #tpu.memory_space<hbm>>
          %dma_start3A_26 = arith.constant 0 : i32
          %dma_start3A_27 = tpu.memref_slice %arg6[%mul3A_13, %dma_start3A_26] : memref<320000x128xf32, #tpu.memory_space<hbm>> -> memref<128x128xf32, #tpu.memory_space<hbm>>
          tpu.enqueue_dma source(%arg10 : memref<128x128xf32, #tpu.memory_space<vmem>>) target(%dma_start3A_27 : memref<128x128xf32, #tpu.memory_space<hbm>>) target_semaphore(%run_scoped3A : memref<!tpu.dma_semaphore, #tpu.memory_space<semaphore_mem>>)
          %dma_wait3A_28 = arith.constant 0 : i32
          %dma_wait3A_29 = tpu.memref_slice %arg6[%mul3A_13, %dma_wait3A_28] : memref<320000x128xf32, #tpu.memory_space<hbm>> -> memref<128x128xf32, #tpu.memory_space<hbm>>
          %dma_wait3A_30 = arith.constant 0 : i32
          %dma_wait3A_31 = tpu.memref_slice %arg6[%mul3A_13, %dma_wait3A_30] : memref<320000x128xf32, #tpu.memory_space<hbm>> -> memref<128x128xf32, #tpu.memory_space<hbm>>
          tpu.wait_dma2 semaphore(%run_scoped3A : memref<!tpu.dma_semaphore, #tpu.memory_space<semaphore_mem>>) src(%arg10 : memref<128x128xf32, #tpu.memory_space<vmem>>) dst(%dma_wait3A_31 : memref<128x128xf32, #tpu.memory_space<hbm>>)
          tpu.yield
        }) : () -> ()
      } else {
      }
    }
    %scan3A_5 = arith.constant 79 : i32
    return
  }
}

#map = affine_map<(d0, d1) -> (0, 0, 0)>
#map1 = affine_map<(d0, d1) -> (0)>
module attributes {stable_mosaic.version = 14 : i64} {
  func.func @k(%arg0: i32, %arg1: i32, %arg2: memref<64x400x800xf32, #tpu.memory_space<hbm>>, %arg3: memref<320000xi32, #tpu.memory_space<hbm>>, %arg4: memref<32x2x10000xf32, #tpu.memory_space<hbm>>, %arg5: memref<6400xi32, #tpu.memory_space<vmem>>, %arg6: memref<8x800xf32, #tpu.memory_space<vmem>>, %arg7: memref<8x800xf32, #tpu.memory_space<vmem>>, %arg8: memref<10000xf32, #tpu.memory_space<vmem>>, %arg9: memref<10000xf32, #tpu.memory_space<vmem>>, %arg10: memref<2x10000xf32, #tpu.memory_space<vmem>>, %arg11: memref<10000xi32, #tpu.memory_space<vmem>>) attributes {dimension_semantics = [#tpu.dimension_semantics<core_parallel>, #tpu.dimension_semantics<subcore_parallel>], iteration_bounds = array<i64: 2, 16>, scalar_prefetch = 0 : i64, scratch_operands = 7 : i64, tpu.core_type = #tpu.core_type<sc_vector_subcore>, window_params = [{transform_indices = #map}, {transform_indices = #map1}, {transform_indices = #map}]} {
    %mul3A = arith.constant 2 : i32
    %mul3A_0 = arith.muli %arg1, %mul3A : i32
    %add3A = arith.addi %mul3A_0, %arg0 : i32
    %mul3A_1 = arith.constant 2 : i32
    %mul3A_2 = arith.muli %add3A, %mul3A_1 : i32
    %broadcast_in_dim3A = arith.constant 0xFF800000 : f32
    %broadcast_in_dim3A_3 = vector.broadcast %broadcast_in_dim3A : f32 to vector<16xf32>
    %scan3A = arith.constant 0 : i32
    %scan3A_4 = arith.constant 0 : i32
    %scan3A_5 = arith.constant 625 : i32
    %scan3A_6 = arith.addi %scan3A_4, %scan3A_5 : i32
    %scan3A_7 = arith.constant 1 : i32
    scf.for %scan3A_21 = %scan3A_4 to %scan3A_6 step %scan3A_7  : i32 {
      %mul3A_22 = arith.constant 16 : i32
      %mul3A_23 = arith.muli %scan3A_21, %mul3A_22 : i32
      %swap3A = arith.index_cast %mul3A_23 : i32 to index
      %swap3A_24 = tpu.vector_load %arg8[%swap3A] {strides = array<i32>} : memref<10000xf32, #tpu.memory_space<vmem>>, vector<16xf32>,
      tpu.vector_store %arg8[%swap3A], %broadcast_in_dim3A_3 {strides = array<i32>} : memref<10000xf32, #tpu.memory_space<vmem>>, vector<16xf32>,
      %mul3A_25 = arith.constant 16 : i32
      %mul3A_26 = arith.muli %scan3A_21, %mul3A_25 : i32
      %swap3A_27 = arith.index_cast %mul3A_26 : i32 to index
      %swap3A_28 = tpu.vector_load %arg9[%swap3A_27] {strides = array<i32>} : memref<10000xf32, #tpu.memory_space<vmem>>, vector<16xf32>,
      tpu.vector_store %arg9[%swap3A_27], %broadcast_in_dim3A_3 {strides = array<i32>} : memref<10000xf32, #tpu.memory_space<vmem>>, vector<16xf32>,
    }
    %scan3A_8 = arith.constant 625 : i32
    %iota3A = tpu.iota {dimensions = array<i32: 0>} : vector<16xi32>
    %scan3A_9 = arith.constant 0 : i32
    %scan3A_10 = arith.constant 0 : i32
    %scan3A_11 = arith.constant 50 : i32
    %scan3A_12 = arith.addi %scan3A_10, %scan3A_11 : i32
    %scan3A_13 = arith.constant 1 : i32
    scf.for %scan3A_21 = %scan3A_10 to %scan3A_12 step %scan3A_13  : i32 {
      %mul3A_22 = arith.constant 6400 : i32
      %mul3A_23 = arith.muli %scan3A_21, %mul3A_22 : i32
      "tpu.region"() ({
        %run_scoped3A = tpu.sem_alloc : memref<!tpu.dma_semaphore, #tpu.memory_space<semaphore_mem>>
        %dma_start3A = tpu.memref_slice %arg3[%mul3A_23] : memref<320000xi32, #tpu.memory_space<hbm>> -> memref<6400xi32, #tpu.memory_space<hbm>>
        %dma_start3A_36 = tpu.memref_slice %arg3[%mul3A_23] : memref<320000xi32, #tpu.memory_space<hbm>> -> memref<6400xi32, #tpu.memory_space<hbm>>
        tpu.enqueue_dma source(%dma_start3A_36 : memref<6400xi32, #tpu.memory_space<hbm>>) target(%arg5 : memref<6400xi32, #tpu.memory_space<vmem>>) target_semaphore(%run_scoped3A : memref<!tpu.dma_semaphore, #tpu.memory_space<semaphore_mem>>)
        %dma_wait3A = tpu.memref_slice %arg3[%mul3A_23] : memref<320000xi32, #tpu.memory_space<hbm>> -> memref<6400xi32, #tpu.memory_space<hbm>>
        %dma_wait3A_37 = tpu.memref_slice %arg3[%mul3A_23] : memref<320000xi32, #tpu.memory_space<hbm>> -> memref<6400xi32, #tpu.memory_space<hbm>>
        tpu.wait_dma2 semaphore(%run_scoped3A : memref<!tpu.dma_semaphore, #tpu.memory_space<semaphore_mem>>) src(%dma_wait3A_37 : memref<6400xi32, #tpu.memory_space<hbm>>) dst(%arg5 : memref<6400xi32, #tpu.memory_space<vmem>>)
        tpu.yield
      }) : () -> ()
      %mul3A_24 = arith.constant 8 : i32
      %mul3A_25 = arith.muli %scan3A_21, %mul3A_24 : i32
      "tpu.region"() ({
        %run_scoped3A = tpu.sem_alloc : memref<!tpu.dma_semaphore, #tpu.memory_space<semaphore_mem>>
        %dma_start3A = arith.constant 0 : i32
        %dma_start3A_36 = tpu.memref_slice %arg2[%mul3A_2, %mul3A_25, %dma_start3A] : memref<64x400x800xf32, #tpu.memory_space<hbm>> -> memref<1x8x800xf32, #tpu.memory_space<hbm>>
        %dma_start3A_37 = tpu.memref_squeeze %dma_start3A_36 : memref<1x8x800xf32, #tpu.memory_space<hbm>> -> memref<8x800xf32, #tpu.memory_space<hbm>>
        %dma_start3A_38 = arith.constant 0 : i32
        %dma_start3A_39 = tpu.memref_slice %arg2[%mul3A_2, %mul3A_25, %dma_start3A_38] : memref<64x400x800xf32, #tpu.memory_space<hbm>> -> memref<1x8x800xf32, #tpu.memory_space<hbm>>
        %dma_start3A_40 = tpu.memref_squeeze %dma_start3A_39 : memref<1x8x800xf32, #tpu.memory_space<hbm>> -> memref<8x800xf32, #tpu.memory_space<hbm>>
        tpu.enqueue_dma source(%dma_start3A_40 : memref<8x800xf32, #tpu.memory_space<hbm>>) target(%arg6 : memref<8x800xf32, #tpu.memory_space<vmem>>) target_semaphore(%run_scoped3A : memref<!tpu.dma_semaphore, #tpu.memory_space<semaphore_mem>>)
        %dma_wait3A = arith.constant 0 : i32
        %dma_wait3A_41 = tpu.memref_slice %arg2[%mul3A_2, %mul3A_25, %dma_wait3A] : memref<64x400x800xf32, #tpu.memory_space<hbm>> -> memref<1x8x800xf32, #tpu.memory_space<hbm>>
        %dma_wait3A_42 = tpu.memref_squeeze %dma_wait3A_41 : memref<1x8x800xf32, #tpu.memory_space<hbm>> -> memref<8x800xf32, #tpu.memory_space<hbm>>
        %dma_wait3A_43 = arith.constant 0 : i32
        %dma_wait3A_44 = tpu.memref_slice %arg2[%mul3A_2, %mul3A_25, %dma_wait3A_43] : memref<64x400x800xf32, #tpu.memory_space<hbm>> -> memref<1x8x800xf32, #tpu.memory_space<hbm>>
        %dma_wait3A_45 = tpu.memref_squeeze %dma_wait3A_44 : memref<1x8x800xf32, #tpu.memory_space<hbm>> -> memref<8x800xf32, #tpu.memory_space<hbm>>
        tpu.wait_dma2 semaphore(%run_scoped3A : memref<!tpu.dma_semaphore, #tpu.memory_space<semaphore_mem>>) src(%dma_wait3A_45 : memref<8x800xf32, #tpu.memory_space<hbm>>) dst(%arg6 : memref<8x800xf32, #tpu.memory_space<vmem>>)
        tpu.yield
      }) : () -> ()
      %add3A_26 = arith.constant 1 : i32
      %add3A_27 = arith.addi %mul3A_2, %add3A_26 : i32
      %mul3A_28 = arith.constant 8 : i32
      %mul3A_29 = arith.muli %scan3A_21, %mul3A_28 : i32
      "tpu.region"() ({
        %run_scoped3A = tpu.sem_alloc : memref<!tpu.dma_semaphore, #tpu.memory_space<semaphore_mem>>
        %dma_start3A = arith.constant 0 : i32
        %dma_start3A_36 = tpu.memref_slice %arg2[%add3A_27, %mul3A_29, %dma_start3A] : memref<64x400x800xf32, #tpu.memory_space<hbm>> -> memref<1x8x800xf32, #tpu.memory_space<hbm>>
        %dma_start3A_37 = tpu.memref_squeeze %dma_start3A_36 : memref<1x8x800xf32, #tpu.memory_space<hbm>> -> memref<8x800xf32, #tpu.memory_space<hbm>>
        %dma_start3A_38 = arith.constant 0 : i32
        %dma_start3A_39 = tpu.memref_slice %arg2[%add3A_27, %mul3A_29, %dma_start3A_38] : memref<64x400x800xf32, #tpu.memory_space<hbm>> -> memref<1x8x800xf32, #tpu.memory_space<hbm>>
        %dma_start3A_40 = tpu.memref_squeeze %dma_start3A_39 : memref<1x8x800xf32, #tpu.memory_space<hbm>> -> memref<8x800xf32, #tpu.memory_space<hbm>>
        tpu.enqueue_dma source(%dma_start3A_40 : memref<8x800xf32, #tpu.memory_space<hbm>>) target(%arg7 : memref<8x800xf32, #tpu.memory_space<vmem>>) target_semaphore(%run_scoped3A : memref<!tpu.dma_semaphore, #tpu.memory_space<semaphore_mem>>)
        %dma_wait3A = arith.constant 0 : i32
        %dma_wait3A_41 = tpu.memref_slice %arg2[%add3A_27, %mul3A_29, %dma_wait3A] : memref<64x400x800xf32, #tpu.memory_space<hbm>> -> memref<1x8x800xf32, #tpu.memory_space<hbm>>
        %dma_wait3A_42 = tpu.memref_squeeze %dma_wait3A_41 : memref<1x8x800xf32, #tpu.memory_space<hbm>> -> memref<8x800xf32, #tpu.memory_space<hbm>>
        %dma_wait3A_43 = arith.constant 0 : i32
        %dma_wait3A_44 = tpu.memref_slice %arg2[%add3A_27, %mul3A_29, %dma_wait3A_43] : memref<64x400x800xf32, #tpu.memory_space<hbm>> -> memref<1x8x800xf32, #tpu.memory_space<hbm>>
        %dma_wait3A_45 = tpu.memref_squeeze %dma_wait3A_44 : memref<1x8x800xf32, #tpu.memory_space<hbm>> -> memref<8x800xf32, #tpu.memory_space<hbm>>
        tpu.wait_dma2 semaphore(%run_scoped3A : memref<!tpu.dma_semaphore, #tpu.memory_space<semaphore_mem>>) src(%dma_wait3A_45 : memref<8x800xf32, #tpu.memory_space<hbm>>) dst(%arg7 : memref<8x800xf32, #tpu.memory_space<vmem>>)
        tpu.yield
      }) : () -> ()
      %scan3A_30 = arith.constant 0 : i32
      %scan3A_31 = arith.constant 0 : i32
      %scan3A_32 = arith.constant 400 : i32
      %scan3A_33 = arith.addi %scan3A_31, %scan3A_32 : i32
      %scan3A_34 = arith.constant 1 : i32
      scf.for %scan3A_36 = %scan3A_31 to %scan3A_33 step %scan3A_34  : i32 {
        %mul3A_37 = arith.constant 16 : i32
        %mul3A_38 = arith.muli %scan3A_36, %mul3A_37 : i32
        %get3A = arith.index_cast %mul3A_38 : i32 to index
        %get3A_39 = tpu.vector_load %arg5[%get3A] {strides = array<i32>} : memref<6400xi32, #tpu.memory_space<vmem>>, vector<16xi32>,
        %jit3A = arith.constant 50 : i32
        %div3A = arith.divsi %scan3A_36, %jit3A : i32
        %sign3A = arith.constant 0 : i32
        %sign3A_40 = arith.cmpi sgt, %scan3A_36, %sign3A : i32
        %sign3A_41 = arith.extui %sign3A_40 : i1 to i32
        %sign3A_42 = arith.constant 0 : i32
        %sign3A_43 = arith.cmpi slt, %scan3A_36, %sign3A_42 : i32
        %sign3A_44 = arith.extui %sign3A_43 : i1 to i32
        %sign3A_45 = arith.subi %sign3A_41, %sign3A_44 : i32
        %sign3A_46 = arith.constant 0 : i32
        %sign3A_47 = arith.cmpi sgt, %jit3A, %sign3A_46 : i32
        %sign3A_48 = arith.extui %sign3A_47 : i1 to i32
        %sign3A_49 = arith.constant 0 : i32
        %sign3A_50 = arith.cmpi slt, %jit3A, %sign3A_49 : i32
        %sign3A_51 = arith.extui %sign3A_50 : i1 to i32
        %sign3A_52 = arith.subi %sign3A_48, %sign3A_51 : i32
        %ne3A = arith.cmpi ne, %sign3A_45, %sign3A_52 : i32
        %rem3A = arith.remsi %scan3A_36, %jit3A : i32
        %ne3A_53 = arith.constant 0 : i32
        %ne3A_54 = arith.cmpi ne, %rem3A, %ne3A_53 : i32
        %and3A = arith.andi %ne3A, %ne3A_54 : i1
        %sub3A = arith.constant 1 : i32
        %sub3A_55 = arith.subi %div3A, %sub3A : i32
        %select_n3A = arith.select %and3A, %sub3A_55, %div3A : i32
        %jit3A_56 = arith.constant 50 : i32
        %eq3A = arith.constant 0 : i32
        %eq3A_57 = arith.cmpi eq, %jit3A_56, %eq3A : i32
        %jit3A_58 = arith.constant 1 : i32
        %select_n3A_59 = arith.select %eq3A_57, %jit3A_58, %jit3A_56 : i32
        %rem3A_60 = arith.remsi %scan3A_36, %select_n3A_59 : i32
        %ne3A_61 = arith.constant 0 : i32
        %ne3A_62 = arith.cmpi ne, %rem3A_60, %ne3A_61 : i32
        %lt3A = arith.constant 0 : i32
        %lt3A_63 = arith.cmpi slt, %rem3A_60, %lt3A : i32
        %lt3A_64 = arith.constant 0 : i32
        %lt3A_65 = arith.cmpi slt, %select_n3A_59, %lt3A_64 : i32
        %ne3A_66 = arith.xori %lt3A_63, %lt3A_65 : i1
        %and3A_67 = arith.andi %ne3A_66, %ne3A_62 : i1
        %add3A_68 = arith.addi %rem3A_60, %select_n3A_59 : i32
        %select_n3A_69 = arith.select %and3A_67, %add3A_68, %rem3A_60 : i32
        %mul3A_70 = arith.constant 16 : i32
        %mul3A_71 = arith.muli %select_n3A_69, %mul3A_70 : i32
        %get3A_72 = arith.index_cast %select_n3A : i32 to index
        %get3A_73 = arith.index_cast %mul3A_71 : i32 to index
        %get3A_74 = tpu.vector_load %arg6[%get3A_72, %get3A_73] {strides = array<i32>} : memref<8x800xf32, #tpu.memory_space<vmem>>, vector<16xf32>,
        %get3A_75 = arith.index_cast %select_n3A : i32 to index
        %get3A_76 = arith.index_cast %mul3A_71 : i32 to index
        %get3A_77 = tpu.vector_load %arg7[%get3A_75, %get3A_76] {strides = array<i32>} : memref<8x800xf32, #tpu.memory_space<vmem>>, vector<16xf32>,
        tpu.vector_store_idx %arg11[%get3A_39], %iota3A : memref<10000xi32, #tpu.memory_space<vmem>>[vector<16xi32>], vector<16xi32>,
        %gather3A = tpu.vector_load_idx %arg11[%get3A_39] : memref<10000xi32, #tpu.memory_space<vmem>>[vector<16xi32>], vector<16xi32>,
        %eq3A_78 = arith.cmpi eq, %gather3A, %iota3A : vector<16xi32>
        %reduce_and3A = arith.constant 1.000000e+00 : f32
        %reduce_and3A_79 = arith.constant 0.000000e+00 : f32
        %reduce_and3A_80 = vector.broadcast %reduce_and3A : f32 to vector<16xf32>
        %reduce_and3A_81 = vector.broadcast %reduce_and3A_79 : f32 to vector<16xf32>
        %reduce_and3A_82 = arith.select %eq3A_78, %reduce_and3A_80, %reduce_and3A_81 : vector<16xi1>, vector<16xf32>
        %reduce_and3A_83 = arith.constant true
        %reduce_and3A_84 = vector.broadcast %reduce_and3A_83 : i1 to vector<16xi1>
        %reduce_and3A_85 = tpu.scan <min>, %reduce_and3A_82 masked %reduce_and3A_84 : vector<16xf32>, vector<16xi1> -> vector<16xf32>
        %reduce_and3A_86 = vector.extract %reduce_and3A_85[15] : f32 from vector<16xf32>
        %reduce_and3A_87 = arith.constant 0.000000e+00 : f32
        %reduce_and3A_88 = arith.cmpf ogt, %reduce_and3A_86, %reduce_and3A_87 : f32
        %convert_element_type3A = arith.extui %reduce_and3A_88 : i1 to i32
        %cond3A = arith.constant 0 : i32
        %cond3A_89 = arith.cmpi ne, %convert_element_type3A, %cond3A : i32
        scf.if %cond3A_89 {
          %gather3A_90 = tpu.vector_load_idx %arg8[%get3A_39] : memref<10000xf32, #tpu.memory_space<vmem>>[vector<16xi32>], vector<16xf32>,
          %max3A = arith.maximumf %gather3A_90, %get3A_74 : vector<16xf32>
          tpu.vector_store_idx %arg8[%get3A_39], %max3A : memref<10000xf32, #tpu.memory_space<vmem>>[vector<16xi32>], vector<16xf32>,
          %gather3A_91 = tpu.vector_load_idx %arg9[%get3A_39] : memref<10000xf32, #tpu.memory_space<vmem>>[vector<16xi32>], vector<16xf32>,
          %max3A_92 = arith.maximumf %gather3A_91, %get3A_77 : vector<16xf32>
          tpu.vector_store_idx %arg9[%get3A_39], %max3A_92 : memref<10000xf32, #tpu.memory_space<vmem>>[vector<16xi32>], vector<16xf32>,
        } else {
          %eq3A_90 = arith.cmpi eq, %get3A_39, %get3A_39 : vector<16xi32>
          %while3A = scf.while (%while3A_93 = %eq3A_90) : (vector<16xi1>) -> vector<16xi1> {
            %reduce_or3A = arith.constant 1.000000e+00 : f32
            %reduce_or3A_94 = arith.constant 0.000000e+00 : f32
            %reduce_or3A_95 = vector.broadcast %reduce_or3A : f32 to vector<16xf32>
            %reduce_or3A_96 = vector.broadcast %reduce_or3A_94 : f32 to vector<16xf32>
            %reduce_or3A_97 = arith.select %while3A_93, %reduce_or3A_95, %reduce_or3A_96 : vector<16xi1>, vector<16xf32>
            %reduce_or3A_98 = arith.constant true
            %reduce_or3A_99 = vector.broadcast %reduce_or3A_98 : i1 to vector<16xi1>
            %reduce_or3A_100 = tpu.scan <max>, %reduce_or3A_97 masked %reduce_or3A_99 : vector<16xf32>, vector<16xi1> -> vector<16xf32>
            %reduce_or3A_101 = vector.extract %reduce_or3A_100[15] : f32 from vector<16xf32>
            %reduce_or3A_102 = arith.constant 0.000000e+00 : f32
            %reduce_or3A_103 = arith.cmpf ogt, %reduce_or3A_101, %reduce_or3A_102 : f32
            scf.condition(%reduce_or3A_103) %while3A_93 : vector<16xi1>
          } do {
          ^bb0(%while3A_93: vector<16xi1>):
            %gather3A_94 = tpu.vector_load_idx %arg8[%get3A_39] masked %while3A_93 : memref<10000xf32, #tpu.memory_space<vmem>>[vector<16xi32>], vector<16xf32>, vector<16xi1>
            %max3A = arith.maximumf %gather3A_94, %get3A_74 : vector<16xf32>
            tpu.vector_store_idx %arg8[%get3A_39], %max3A masked %while3A_93 : memref<10000xf32, #tpu.memory_space<vmem>>[vector<16xi32>], vector<16xf32>, vector<16xi1>
            %gather3A_95 = tpu.vector_load_idx %arg8[%get3A_39] masked %while3A_93 : memref<10000xf32, #tpu.memory_space<vmem>>[vector<16xi32>], vector<16xf32>, vector<16xi1>
            %lt3A_96 = arith.cmpf olt, %gather3A_95, %max3A : vector<16xf32>
            %and3A_97 = arith.andi %while3A_93, %lt3A_96 : vector<16xi1>
            scf.yield %and3A_97 : vector<16xi1>
          }
          %eq3A_91 = arith.cmpi eq, %get3A_39, %get3A_39 : vector<16xi32>
          %while3A_92 = scf.while (%while3A_93 = %eq3A_91) : (vector<16xi1>) -> vector<16xi1> {
            %reduce_or3A = arith.constant 1.000000e+00 : f32
            %reduce_or3A_94 = arith.constant 0.000000e+00 : f32
            %reduce_or3A_95 = vector.broadcast %reduce_or3A : f32 to vector<16xf32>
            %reduce_or3A_96 = vector.broadcast %reduce_or3A_94 : f32 to vector<16xf32>
            %reduce_or3A_97 = arith.select %while3A_93, %reduce_or3A_95, %reduce_or3A_96 : vector<16xi1>, vector<16xf32>
            %reduce_or3A_98 = arith.constant true
            %reduce_or3A_99 = vector.broadcast %reduce_or3A_98 : i1 to vector<16xi1>
            %reduce_or3A_100 = tpu.scan <max>, %reduce_or3A_97 masked %reduce_or3A_99 : vector<16xf32>, vector<16xi1> -> vector<16xf32>
            %reduce_or3A_101 = vector.extract %reduce_or3A_100[15] : f32 from vector<16xf32>
            %reduce_or3A_102 = arith.constant 0.000000e+00 : f32
            %reduce_or3A_103 = arith.cmpf ogt, %reduce_or3A_101, %reduce_or3A_102 : f32
            scf.condition(%reduce_or3A_103) %while3A_93 : vector<16xi1>
          } do {
          ^bb0(%while3A_93: vector<16xi1>):
            %gather3A_94 = tpu.vector_load_idx %arg9[%get3A_39] masked %while3A_93 : memref<10000xf32, #tpu.memory_space<vmem>>[vector<16xi32>], vector<16xf32>, vector<16xi1>
            %max3A = arith.maximumf %gather3A_94, %get3A_77 : vector<16xf32>
            tpu.vector_store_idx %arg9[%get3A_39], %max3A masked %while3A_93 : memref<10000xf32, #tpu.memory_space<vmem>>[vector<16xi32>], vector<16xf32>, vector<16xi1>
            %gather3A_95 = tpu.vector_load_idx %arg9[%get3A_39] masked %while3A_93 : memref<10000xf32, #tpu.memory_space<vmem>>[vector<16xi32>], vector<16xf32>, vector<16xi1>
            %lt3A_96 = arith.cmpf olt, %gather3A_95, %max3A : vector<16xf32>
            %and3A_97 = arith.andi %while3A_93, %lt3A_96 : vector<16xi1>
            scf.yield %and3A_97 : vector<16xi1>
          }
        }
      }
      %scan3A_35 = arith.constant 400 : i32
    }
    %scan3A_14 = arith.constant 50 : i32
    %scan3A_15 = arith.constant 0 : i32
    %scan3A_16 = arith.constant 0 : i32
    %scan3A_17 = arith.constant 625 : i32
    %scan3A_18 = arith.addi %scan3A_16, %scan3A_17 : i32
    %scan3A_19 = arith.constant 1 : i32
    scf.for %scan3A_21 = %scan3A_16 to %scan3A_18 step %scan3A_19  : i32 {
      %mul3A_22 = arith.constant 16 : i32
      %mul3A_23 = arith.muli %scan3A_21, %mul3A_22 : i32
      %get3A = arith.index_cast %mul3A_23 : i32 to index
      %get3A_24 = tpu.vector_load %arg8[%get3A] {strides = array<i32>} : memref<10000xf32, #tpu.memory_space<vmem>>, vector<16xf32>,
      %eq3A = arith.cmpf oeq, %get3A_24, %broadcast_in_dim3A_3 : vector<16xf32>
      %jit3A = arith.constant 0.000000e+00 : f32
      %broadcast_in_dim3A_25 = vector.broadcast %jit3A : f32 to vector<16xf32>
      %select_n3A = arith.select %eq3A, %broadcast_in_dim3A_25, %get3A_24 : vector<16xi1>, vector<16xf32>
      %swap3A = arith.constant 0 : i32
      %swap3A_26 = arith.index_cast %swap3A : i32 to index
      %swap3A_27 = arith.index_cast %mul3A_23 : i32 to index
      %swap3A_28 = tpu.vector_load %arg10[%swap3A_26, %swap3A_27] {strides = array<i32>} : memref<2x10000xf32, #tpu.memory_space<vmem>>, vector<16xf32>,
      tpu.vector_store %arg10[%swap3A_26, %swap3A_27], %select_n3A {strides = array<i32>} : memref<2x10000xf32, #tpu.memory_space<vmem>>, vector<16xf32>,
      %get3A_29 = arith.index_cast %mul3A_23 : i32 to index
      %get3A_30 = tpu.vector_load %arg9[%get3A_29] {strides = array<i32>} : memref<10000xf32, #tpu.memory_space<vmem>>, vector<16xf32>,
      %eq3A_31 = arith.cmpf oeq, %get3A_30, %broadcast_in_dim3A_3 : vector<16xf32>
      %jit3A_32 = arith.constant 0.000000e+00 : f32
      %broadcast_in_dim3A_33 = vector.broadcast %jit3A_32 : f32 to vector<16xf32>
      %select_n3A_34 = arith.select %eq3A_31, %broadcast_in_dim3A_33, %get3A_30 : vector<16xi1>, vector<16xf32>
      %swap3A_35 = arith.constant 1 : i32
      %swap3A_36 = arith.index_cast %swap3A_35 : i32 to index
      %swap3A_37 = arith.index_cast %mul3A_23 : i32 to index
      %swap3A_38 = tpu.vector_load %arg10[%swap3A_36, %swap3A_37] {strides = array<i32>} : memref<2x10000xf32, #tpu.memory_space<vmem>>, vector<16xf32>,
      tpu.vector_store %arg10[%swap3A_36, %swap3A_37], %select_n3A_34 {strides = array<i32>} : memref<2x10000xf32, #tpu.memory_space<vmem>>, vector<16xf32>,
    }
    %scan3A_20 = arith.constant 625 : i32
    "tpu.region"() ({
      %run_scoped3A = tpu.sem_alloc : memref<!tpu.dma_semaphore, #tpu.memory_space<semaphore_mem>>
      %dma_start3A = arith.constant 0 : i32
      %dma_start3A_21 = arith.constant 0 : i32
      %dma_start3A_22 = tpu.memref_slice %arg10[%dma_start3A, %dma_start3A_21] : memref<2x10000xf32, #tpu.memory_space<vmem>> -> memref<2x10000xf32, #tpu.memory_space<vmem>>
      %dma_start3A_23 = arith.constant 0 : i32
      %dma_start3A_24 = arith.constant 0 : i32
      %dma_start3A_25 = tpu.memref_slice %arg4[%add3A, %dma_start3A_23, %dma_start3A_24] : memref<32x2x10000xf32, #tpu.memory_space<hbm>> -> memref<1x2x10000xf32, #tpu.memory_space<hbm>>
      %dma_start3A_26 = tpu.memref_squeeze %dma_start3A_25 : memref<1x2x10000xf32, #tpu.memory_space<hbm>> -> memref<2x10000xf32, #tpu.memory_space<hbm>>
      %dma_start3A_27 = arith.constant 0 : i32
      %dma_start3A_28 = arith.constant 0 : i32
      %dma_start3A_29 = tpu.memref_slice %arg4[%add3A, %dma_start3A_27, %dma_start3A_28] : memref<32x2x10000xf32, #tpu.memory_space<hbm>> -> memref<1x2x10000xf32, #tpu.memory_space<hbm>>
      %dma_start3A_30 = tpu.memref_squeeze %dma_start3A_29 : memref<1x2x10000xf32, #tpu.memory_space<hbm>> -> memref<2x10000xf32, #tpu.memory_space<hbm>>
      %dma_start3A_31 = arith.constant 0 : i32
      %dma_start3A_32 = arith.constant 0 : i32
      %dma_start3A_33 = tpu.memref_slice %arg10[%dma_start3A_31, %dma_start3A_32] : memref<2x10000xf32, #tpu.memory_space<vmem>> -> memref<2x10000xf32, #tpu.memory_space<vmem>>
      tpu.enqueue_dma source(%dma_start3A_33 : memref<2x10000xf32, #tpu.memory_space<vmem>>) target(%dma_start3A_30 : memref<2x10000xf32, #tpu.memory_space<hbm>>) target_semaphore(%run_scoped3A : memref<!tpu.dma_semaphore, #tpu.memory_space<semaphore_mem>>)
      %dma_wait3A = arith.constant 0 : i32
      %dma_wait3A_34 = arith.constant 0 : i32
      %dma_wait3A_35 = tpu.memref_slice %arg10[%dma_wait3A, %dma_wait3A_34] : memref<2x10000xf32, #tpu.memory_space<vmem>> -> memref<2x10000xf32, #tpu.memory_space<vmem>>
      %dma_wait3A_36 = arith.constant 0 : i32
      %dma_wait3A_37 = arith.constant 0 : i32
      %dma_wait3A_38 = tpu.memref_slice %arg4[%add3A, %dma_wait3A_36, %dma_wait3A_37] : memref<32x2x10000xf32, #tpu.memory_space<hbm>> -> memref<1x2x10000xf32, #tpu.memory_space<hbm>>
      %dma_wait3A_39 = tpu.memref_squeeze %dma_wait3A_38 : memref<1x2x10000xf32, #tpu.memory_space<hbm>> -> memref<2x10000xf32, #tpu.memory_space<hbm>>
      %dma_wait3A_40 = arith.constant 0 : i32
      %dma_wait3A_41 = arith.constant 0 : i32
      %dma_wait3A_42 = tpu.memref_slice %arg4[%add3A, %dma_wait3A_40, %dma_wait3A_41] : memref<32x2x10000xf32, #tpu.memory_space<hbm>> -> memref<1x2x10000xf32, #tpu.memory_space<hbm>>
      %dma_wait3A_43 = tpu.memref_squeeze %dma_wait3A_42 : memref<1x2x10000xf32, #tpu.memory_space<hbm>> -> memref<2x10000xf32, #tpu.memory_space<hbm>>
      %dma_wait3A_44 = arith.constant 0 : i32
      %dma_wait3A_45 = arith.constant 0 : i32
      %dma_wait3A_46 = tpu.memref_slice %arg10[%dma_wait3A_44, %dma_wait3A_45] : memref<2x10000xf32, #tpu.memory_space<vmem>> -> memref<2x10000xf32, #tpu.memory_space<vmem>>
      tpu.wait_dma2 semaphore(%run_scoped3A : memref<!tpu.dma_semaphore, #tpu.memory_space<semaphore_mem>>) src(%dma_wait3A_46 : memref<2x10000xf32, #tpu.memory_space<vmem>>) dst(%dma_wait3A_43 : memref<2x10000xf32, #tpu.memory_space<hbm>>)
      tpu.yield
    }) : () -> ()
    return
  }
}

#map = affine_map<(d0, d1) -> (0, 0)>
#map1 = affine_map<(d0, d1) -> (0)>
module attributes {stable_mosaic.version = 14 : i64} {
  func.func @k(%arg0: i32, %arg1: i32, %arg2: memref<10000x128xf32, #tpu.memory_space<hbm>>, %arg3: memref<320000xi32, #tpu.memory_space<hbm>>, %arg4: memref<320000xi32, #tpu.memory_space<hbm>>, %arg5: memref<320000x128xf32, #tpu.memory_space<hbm>>, %arg6: memref<320000x128xf32, #tpu.memory_space<hbm>>, %arg7: memref<128xi32, #tpu.memory_space<vmem>>, %arg8: memref<128xi32, #tpu.memory_space<vmem>>, %arg9: memref<128x128xf32, #tpu.memory_space<vmem>>, %arg10: memref<128x128xf32, #tpu.memory_space<vmem>>, %arg11: memref<!tpu.dma_semaphore, #tpu.memory_space<semaphore_mem>>, %arg12: memref<!tpu.dma_semaphore, #tpu.memory_space<semaphore_mem>>) attributes {dimension_semantics = [#tpu.dimension_semantics<core_parallel>, #tpu.dimension_semantics<subcore_parallel>], iteration_bounds = array<i64: 2, 16>, scalar_prefetch = 0 : i64, scratch_operands = 6 : i64, tpu.core_type = #tpu.core_type<sc_vector_subcore>, window_params = [{transform_indices = #map}, {transform_indices = #map1}, {transform_indices = #map1}, {transform_indices = #map}, {transform_indices = #map}]} {
    %mul3A = arith.constant 2 : i32
    %mul3A_0 = arith.muli %arg1, %mul3A : i32
    %add3A = arith.addi %mul3A_0, %arg0 : i32
    %scan3A = arith.constant 0 : i32
    %scan3A_1 = arith.constant 0 : i32
    %scan3A_2 = arith.constant 79 : i32
    %scan3A_3 = arith.addi %scan3A_1, %scan3A_2 : i32
    %scan3A_4 = arith.constant 1 : i32
    scf.for %scan3A_6 = %scan3A_1 to %scan3A_3 step %scan3A_4  : i32 {
      %mul3A_7 = arith.constant 32 : i32
      %mul3A_8 = arith.muli %scan3A_6, %mul3A_7 : i32
      %add3A_9 = arith.addi %add3A, %mul3A_8 : i32
      %lt3A = arith.constant 2500 : i32
      %lt3A_10 = arith.cmpi slt, %add3A_9, %lt3A : i32
      %convert_element_type3A = arith.extui %lt3A_10 : i1 to i32
      %cond3A = arith.constant 0 : i32
      %cond3A_11 = arith.cmpi ne, %convert_element_type3A, %cond3A : i32
      scf.if %cond3A_11 {
        %mul3A_12 = arith.constant 128 : i32
        %mul3A_13 = arith.muli %add3A_9, %mul3A_12 : i32
        "tpu.region"() ({
          %run_scoped3A = tpu.sem_alloc : memref<!tpu.dma_semaphore, #tpu.memory_space<semaphore_mem>>
          %dma_start3A_24 = tpu.memref_slice %arg3[%mul3A_13] : memref<320000xi32, #tpu.memory_space<hbm>> -> memref<128xi32, #tpu.memory_space<hbm>>
          %dma_start3A_25 = tpu.memref_slice %arg3[%mul3A_13] : memref<320000xi32, #tpu.memory_space<hbm>> -> memref<128xi32, #tpu.memory_space<hbm>>
          tpu.enqueue_dma source(%dma_start3A_25 : memref<128xi32, #tpu.memory_space<hbm>>) target(%arg7 : memref<128xi32, #tpu.memory_space<vmem>>) target_semaphore(%run_scoped3A : memref<!tpu.dma_semaphore, #tpu.memory_space<semaphore_mem>>)
          %dma_wait3A_26 = tpu.memref_slice %arg3[%mul3A_13] : memref<320000xi32, #tpu.memory_space<hbm>> -> memref<128xi32, #tpu.memory_space<hbm>>
          %dma_wait3A_27 = tpu.memref_slice %arg3[%mul3A_13] : memref<320000xi32, #tpu.memory_space<hbm>> -> memref<128xi32, #tpu.memory_space<hbm>>
          tpu.wait_dma2 semaphore(%run_scoped3A : memref<!tpu.dma_semaphore, #tpu.memory_space<semaphore_mem>>) src(%dma_wait3A_27 : memref<128xi32, #tpu.memory_space<hbm>>) dst(%arg7 : memref<128xi32, #tpu.memory_space<vmem>>)
          tpu.yield
        }) : () -> ()
        "tpu.region"() ({
          %run_scoped3A = tpu.sem_alloc : memref<!tpu.dma_semaphore, #tpu.memory_space<semaphore_mem>>
          %dma_start3A_24 = tpu.memref_slice %arg4[%mul3A_13] : memref<320000xi32, #tpu.memory_space<hbm>> -> memref<128xi32, #tpu.memory_space<hbm>>
          %dma_start3A_25 = tpu.memref_slice %arg4[%mul3A_13] : memref<320000xi32, #tpu.memory_space<hbm>> -> memref<128xi32, #tpu.memory_space<hbm>>
          tpu.enqueue_dma source(%dma_start3A_25 : memref<128xi32, #tpu.memory_space<hbm>>) target(%arg8 : memref<128xi32, #tpu.memory_space<vmem>>) target_semaphore(%run_scoped3A : memref<!tpu.dma_semaphore, #tpu.memory_space<semaphore_mem>>)
          %dma_wait3A_26 = tpu.memref_slice %arg4[%mul3A_13] : memref<320000xi32, #tpu.memory_space<hbm>> -> memref<128xi32, #tpu.memory_space<hbm>>
          %dma_wait3A_27 = tpu.memref_slice %arg4[%mul3A_13] : memref<320000xi32, #tpu.memory_space<hbm>> -> memref<128xi32, #tpu.memory_space<hbm>>
          tpu.wait_dma2 semaphore(%run_scoped3A : memref<!tpu.dma_semaphore, #tpu.memory_space<semaphore_mem>>) src(%dma_wait3A_27 : memref<128xi32, #tpu.memory_space<hbm>>) dst(%arg8 : memref<128xi32, #tpu.memory_space<vmem>>)
          tpu.yield
        }) : () -> ()
        %dma_start3A = arith.constant 0 : i32
        %dma_start3A_14 = arith.constant 0 : i32
        %dma_start3A_15 = tpu.memref_slice %arg2[%dma_start3A, %dma_start3A_14] : memref<10000x128xf32, #tpu.memory_space<hbm>> -> memref<10000x128xf32, #tpu.memory_space<hbm>>
        tpu.enqueue_indirect_dma source(%dma_start3A_15 : memref<10000x128xf32, #tpu.memory_space<hbm>>) target(%arg9 : memref<128x128xf32, #tpu.memory_space<vmem>>) offsets(%arg7 : memref<128xi32, #tpu.memory_space<vmem>>) semaphore(%arg11 : memref<!tpu.dma_semaphore, #tpu.memory_space<semaphore_mem>>)
        %dma_start3A_16 = arith.constant 0 : i32
        %dma_start3A_17 = arith.constant 0 : i32
        %dma_start3A_18 = tpu.memref_slice %arg2[%dma_start3A_16, %dma_start3A_17] : memref<10000x128xf32, #tpu.memory_space<hbm>> -> memref<10000x128xf32, #tpu.memory_space<hbm>>
        tpu.enqueue_indirect_dma source(%dma_start3A_18 : memref<10000x128xf32, #tpu.memory_space<hbm>>) target(%arg10 : memref<128x128xf32, #tpu.memory_space<vmem>>) offsets(%arg8 : memref<128xi32, #tpu.memory_space<vmem>>) semaphore(%arg12 : memref<!tpu.dma_semaphore, #tpu.memory_space<semaphore_mem>>)
        %dma_wait3A = arith.constant 0 : i32
        %dma_wait3A_19 = arith.constant 0 : i32
        %dma_wait3A_20 = tpu.memref_slice %arg2[%dma_wait3A, %dma_wait3A_19] : memref<10000x128xf32, #tpu.memory_space<hbm>> -> memref<10000x128xf32, #tpu.memory_space<hbm>>
        tpu.wait_indirect_dma semaphore(%arg11 : memref<!tpu.dma_semaphore, #tpu.memory_space<semaphore_mem>>) src(%dma_wait3A_20 : memref<10000x128xf32, #tpu.memory_space<hbm>>) dst(%arg9 : memref<128x128xf32, #tpu.memory_space<vmem>>)
        %dma_wait3A_21 = arith.constant 0 : i32
        %dma_wait3A_22 = arith.constant 0 : i32
        %dma_wait3A_23 = tpu.memref_slice %arg2[%dma_wait3A_21, %dma_wait3A_22] : memref<10000x128xf32, #tpu.memory_space<hbm>> -> memref<10000x128xf32, #tpu.memory_space<hbm>>
        tpu.wait_indirect_dma semaphore(%arg12 : memref<!tpu.dma_semaphore, #tpu.memory_space<semaphore_mem>>) src(%dma_wait3A_23 : memref<10000x128xf32, #tpu.memory_space<hbm>>) dst(%arg10 : memref<128x128xf32, #tpu.memory_space<vmem>>)
        "tpu.region"() ({
          %run_scoped3A = tpu.sem_alloc : memref<!tpu.dma_semaphore, #tpu.memory_space<semaphore_mem>>
          %dma_start3A_24 = arith.constant 0 : i32
          %dma_start3A_25 = tpu.memref_slice %arg5[%mul3A_13, %dma_start3A_24] : memref<320000x128xf32, #tpu.memory_space<hbm>> -> memref<128x128xf32, #tpu.memory_space<hbm>>
          %dma_start3A_26 = arith.constant 0 : i32
          %dma_start3A_27 = tpu.memref_slice %arg5[%mul3A_13, %dma_start3A_26] : memref<320000x128xf32, #tpu.memory_space<hbm>> -> memref<128x128xf32, #tpu.memory_space<hbm>>
          tpu.enqueue_dma source(%arg9 : memref<128x128xf32, #tpu.memory_space<vmem>>) target(%dma_start3A_27 : memref<128x128xf32, #tpu.memory_space<hbm>>) target_semaphore(%run_scoped3A : memref<!tpu.dma_semaphore, #tpu.memory_space<semaphore_mem>>)
          %dma_wait3A_28 = arith.constant 0 : i32
          %dma_wait3A_29 = tpu.memref_slice %arg5[%mul3A_13, %dma_wait3A_28] : memref<320000x128xf32, #tpu.memory_space<hbm>> -> memref<128x128xf32, #tpu.memory_space<hbm>>
          %dma_wait3A_30 = arith.constant 0 : i32
          %dma_wait3A_31 = tpu.memref_slice %arg5[%mul3A_13, %dma_wait3A_30] : memref<320000x128xf32, #tpu.memory_space<hbm>> -> memref<128x128xf32, #tpu.memory_space<hbm>>
          tpu.wait_dma2 semaphore(%run_scoped3A : memref<!tpu.dma_semaphore, #tpu.memory_space<semaphore_mem>>) src(%arg9 : memref<128x128xf32, #tpu.memory_space<vmem>>) dst(%dma_wait3A_31 : memref<128x128xf32, #tpu.memory_space<hbm>>)
          tpu.yield
        }) : () -> ()
        "tpu.region"() ({
          %run_scoped3A = tpu.sem_alloc : memref<!tpu.dma_semaphore, #tpu.memory_space<semaphore_mem>>
          %dma_start3A_24 = arith.constant 0 : i32
          %dma_start3A_25 = tpu.memref_slice %arg6[%mul3A_13, %dma_start3A_24] : memref<320000x128xf32, #tpu.memory_space<hbm>> -> memref<128x128xf32, #tpu.memory_space<hbm>>
          %dma_start3A_26 = arith.constant 0 : i32
          %dma_start3A_27 = tpu.memref_slice %arg6[%mul3A_13, %dma_start3A_26] : memref<320000x128xf32, #tpu.memory_space<hbm>> -> memref<128x128xf32, #tpu.memory_space<hbm>>
          tpu.enqueue_dma source(%arg10 : memref<128x128xf32, #tpu.memory_space<vmem>>) target(%dma_start3A_27 : memref<128x128xf32, #tpu.memory_space<hbm>>) target_semaphore(%run_scoped3A : memref<!tpu.dma_semaphore, #tpu.memory_space<semaphore_mem>>)
          %dma_wait3A_28 = arith.constant 0 : i32
          %dma_wait3A_29 = tpu.memref_slice %arg6[%mul3A_13, %dma_wait3A_28] : memref<320000x128xf32, #tpu.memory_space<hbm>> -> memref<128x128xf32, #tpu.memory_space<hbm>>
          %dma_wait3A_30 = arith.constant 0 : i32
          %dma_wait3A_31 = tpu.memref_slice %arg6[%mul3A_13, %dma_wait3A_30] : memref<320000x128xf32, #tpu.memory_space<hbm>> -> memref<128x128xf32, #tpu.memory_space<hbm>>
          tpu.wait_dma2 semaphore(%run_scoped3A : memref<!tpu.dma_semaphore, #tpu.memory_space<semaphore_mem>>) src(%arg10 : memref<128x128xf32, #tpu.memory_space<vmem>>) dst(%dma_wait3A_31 : memref<128x128xf32, #tpu.memory_space<hbm>>)
          tpu.yield
        }) : () -> ()
      } else {
      }
    }
    %scan3A_5 = arith.constant 79 : i32
    return
  }
}

#map = affine_map<(d0, d1) -> (0, 0, 0)>
#map1 = affine_map<(d0, d1) -> (0)>
module attributes {stable_mosaic.version = 14 : i64} {
  func.func @k(%arg0: i32, %arg1: i32, %arg2: memref<64x400x800xf32, #tpu.memory_space<hbm>>, %arg3: memref<320000xi32, #tpu.memory_space<hbm>>, %arg4: memref<32x2x10000xf32, #tpu.memory_space<hbm>>, %arg5: memref<6400xi32, #tpu.memory_space<vmem>>, %arg6: memref<8x800xf32, #tpu.memory_space<vmem>>, %arg7: memref<8x800xf32, #tpu.memory_space<vmem>>, %arg8: memref<10000xf32, #tpu.memory_space<vmem>>, %arg9: memref<10000xf32, #tpu.memory_space<vmem>>, %arg10: memref<2x10000xf32, #tpu.memory_space<vmem>>, %arg11: memref<10000xi32, #tpu.memory_space<vmem>>) attributes {dimension_semantics = [#tpu.dimension_semantics<core_parallel>, #tpu.dimension_semantics<subcore_parallel>], iteration_bounds = array<i64: 2, 16>, scalar_prefetch = 0 : i64, scratch_operands = 7 : i64, tpu.core_type = #tpu.core_type<sc_vector_subcore>, window_params = [{transform_indices = #map}, {transform_indices = #map1}, {transform_indices = #map}]} {
    %mul3A = arith.constant 2 : i32
    %mul3A_0 = arith.muli %arg1, %mul3A : i32
    %add3A = arith.addi %mul3A_0, %arg0 : i32
    %mul3A_1 = arith.constant 2 : i32
    %mul3A_2 = arith.muli %add3A, %mul3A_1 : i32
    %broadcast_in_dim3A = arith.constant 0xFF800000 : f32
    %broadcast_in_dim3A_3 = vector.broadcast %broadcast_in_dim3A : f32 to vector<16xf32>
    %scan3A = arith.constant 0 : i32
    %scan3A_4 = arith.constant 0 : i32
    %scan3A_5 = arith.constant 625 : i32
    %scan3A_6 = arith.addi %scan3A_4, %scan3A_5 : i32
    %scan3A_7 = arith.constant 1 : i32
    scf.for %scan3A_21 = %scan3A_4 to %scan3A_6 step %scan3A_7  : i32 {
      %mul3A_22 = arith.constant 16 : i32
      %mul3A_23 = arith.muli %scan3A_21, %mul3A_22 : i32
      %swap3A = arith.index_cast %mul3A_23 : i32 to index
      %swap3A_24 = tpu.vector_load %arg8[%swap3A] {strides = array<i32>} : memref<10000xf32, #tpu.memory_space<vmem>>, vector<16xf32>,
      tpu.vector_store %arg8[%swap3A], %broadcast_in_dim3A_3 {strides = array<i32>} : memref<10000xf32, #tpu.memory_space<vmem>>, vector<16xf32>,
      %mul3A_25 = arith.constant 16 : i32
      %mul3A_26 = arith.muli %scan3A_21, %mul3A_25 : i32
      %swap3A_27 = arith.index_cast %mul3A_26 : i32 to index
      %swap3A_28 = tpu.vector_load %arg9[%swap3A_27] {strides = array<i32>} : memref<10000xf32, #tpu.memory_space<vmem>>, vector<16xf32>,
      tpu.vector_store %arg9[%swap3A_27], %broadcast_in_dim3A_3 {strides = array<i32>} : memref<10000xf32, #tpu.memory_space<vmem>>, vector<16xf32>,
    }
    %scan3A_8 = arith.constant 625 : i32
    %iota3A = tpu.iota {dimensions = array<i32: 0>} : vector<16xi32>
    %scan3A_9 = arith.constant 0 : i32
    %scan3A_10 = arith.constant 0 : i32
    %scan3A_11 = arith.constant 50 : i32
    %scan3A_12 = arith.addi %scan3A_10, %scan3A_11 : i32
    %scan3A_13 = arith.constant 1 : i32
    scf.for %scan3A_21 = %scan3A_10 to %scan3A_12 step %scan3A_13  : i32 {
      %mul3A_22 = arith.constant 6400 : i32
      %mul3A_23 = arith.muli %scan3A_21, %mul3A_22 : i32
      "tpu.region"() ({
        %run_scoped3A = tpu.sem_alloc : memref<!tpu.dma_semaphore, #tpu.memory_space<semaphore_mem>>
        %dma_start3A = tpu.memref_slice %arg3[%mul3A_23] : memref<320000xi32, #tpu.memory_space<hbm>> -> memref<6400xi32, #tpu.memory_space<hbm>>
        %dma_start3A_36 = tpu.memref_slice %arg3[%mul3A_23] : memref<320000xi32, #tpu.memory_space<hbm>> -> memref<6400xi32, #tpu.memory_space<hbm>>
        tpu.enqueue_dma source(%dma_start3A_36 : memref<6400xi32, #tpu.memory_space<hbm>>) target(%arg5 : memref<6400xi32, #tpu.memory_space<vmem>>) target_semaphore(%run_scoped3A : memref<!tpu.dma_semaphore, #tpu.memory_space<semaphore_mem>>)
        %dma_wait3A = tpu.memref_slice %arg3[%mul3A_23] : memref<320000xi32, #tpu.memory_space<hbm>> -> memref<6400xi32, #tpu.memory_space<hbm>>
        %dma_wait3A_37 = tpu.memref_slice %arg3[%mul3A_23] : memref<320000xi32, #tpu.memory_space<hbm>> -> memref<6400xi32, #tpu.memory_space<hbm>>
        tpu.wait_dma2 semaphore(%run_scoped3A : memref<!tpu.dma_semaphore, #tpu.memory_space<semaphore_mem>>) src(%dma_wait3A_37 : memref<6400xi32, #tpu.memory_space<hbm>>) dst(%arg5 : memref<6400xi32, #tpu.memory_space<vmem>>)
        tpu.yield
      }) : () -> ()
      %mul3A_24 = arith.constant 8 : i32
      %mul3A_25 = arith.muli %scan3A_21, %mul3A_24 : i32
      "tpu.region"() ({
        %run_scoped3A = tpu.sem_alloc : memref<!tpu.dma_semaphore, #tpu.memory_space<semaphore_mem>>
        %dma_start3A = arith.constant 0 : i32
        %dma_start3A_36 = tpu.memref_slice %arg2[%mul3A_2, %mul3A_25, %dma_start3A] : memref<64x400x800xf32, #tpu.memory_space<hbm>> -> memref<1x8x800xf32, #tpu.memory_space<hbm>>
        %dma_start3A_37 = tpu.memref_squeeze %dma_start3A_36 : memref<1x8x800xf32, #tpu.memory_space<hbm>> -> memref<8x800xf32, #tpu.memory_space<hbm>>
        %dma_start3A_38 = arith.constant 0 : i32
        %dma_start3A_39 = tpu.memref_slice %arg2[%mul3A_2, %mul3A_25, %dma_start3A_38] : memref<64x400x800xf32, #tpu.memory_space<hbm>> -> memref<1x8x800xf32, #tpu.memory_space<hbm>>
        %dma_start3A_40 = tpu.memref_squeeze %dma_start3A_39 : memref<1x8x800xf32, #tpu.memory_space<hbm>> -> memref<8x800xf32, #tpu.memory_space<hbm>>
        tpu.enqueue_dma source(%dma_start3A_40 : memref<8x800xf32, #tpu.memory_space<hbm>>) target(%arg6 : memref<8x800xf32, #tpu.memory_space<vmem>>) target_semaphore(%run_scoped3A : memref<!tpu.dma_semaphore, #tpu.memory_space<semaphore_mem>>)
        %dma_wait3A = arith.constant 0 : i32
        %dma_wait3A_41 = tpu.memref_slice %arg2[%mul3A_2, %mul3A_25, %dma_wait3A] : memref<64x400x800xf32, #tpu.memory_space<hbm>> -> memref<1x8x800xf32, #tpu.memory_space<hbm>>
        %dma_wait3A_42 = tpu.memref_squeeze %dma_wait3A_41 : memref<1x8x800xf32, #tpu.memory_space<hbm>> -> memref<8x800xf32, #tpu.memory_space<hbm>>
        %dma_wait3A_43 = arith.constant 0 : i32
        %dma_wait3A_44 = tpu.memref_slice %arg2[%mul3A_2, %mul3A_25, %dma_wait3A_43] : memref<64x400x800xf32, #tpu.memory_space<hbm>> -> memref<1x8x800xf32, #tpu.memory_space<hbm>>
        %dma_wait3A_45 = tpu.memref_squeeze %dma_wait3A_44 : memref<1x8x800xf32, #tpu.memory_space<hbm>> -> memref<8x800xf32, #tpu.memory_space<hbm>>
        tpu.wait_dma2 semaphore(%run_scoped3A : memref<!tpu.dma_semaphore, #tpu.memory_space<semaphore_mem>>) src(%dma_wait3A_45 : memref<8x800xf32, #tpu.memory_space<hbm>>) dst(%arg6 : memref<8x800xf32, #tpu.memory_space<vmem>>)
        tpu.yield
      }) : () -> ()
      %add3A_26 = arith.constant 1 : i32
      %add3A_27 = arith.addi %mul3A_2, %add3A_26 : i32
      %mul3A_28 = arith.constant 8 : i32
      %mul3A_29 = arith.muli %scan3A_21, %mul3A_28 : i32
      "tpu.region"() ({
        %run_scoped3A = tpu.sem_alloc : memref<!tpu.dma_semaphore, #tpu.memory_space<semaphore_mem>>
        %dma_start3A = arith.constant 0 : i32
        %dma_start3A_36 = tpu.memref_slice %arg2[%add3A_27, %mul3A_29, %dma_start3A] : memref<64x400x800xf32, #tpu.memory_space<hbm>> -> memref<1x8x800xf32, #tpu.memory_space<hbm>>
        %dma_start3A_37 = tpu.memref_squeeze %dma_start3A_36 : memref<1x8x800xf32, #tpu.memory_space<hbm>> -> memref<8x800xf32, #tpu.memory_space<hbm>>
        %dma_start3A_38 = arith.constant 0 : i32
        %dma_start3A_39 = tpu.memref_slice %arg2[%add3A_27, %mul3A_29, %dma_start3A_38] : memref<64x400x800xf32, #tpu.memory_space<hbm>> -> memref<1x8x800xf32, #tpu.memory_space<hbm>>
        %dma_start3A_40 = tpu.memref_squeeze %dma_start3A_39 : memref<1x8x800xf32, #tpu.memory_space<hbm>> -> memref<8x800xf32, #tpu.memory_space<hbm>>
        tpu.enqueue_dma source(%dma_start3A_40 : memref<8x800xf32, #tpu.memory_space<hbm>>) target(%arg7 : memref<8x800xf32, #tpu.memory_space<vmem>>) target_semaphore(%run_scoped3A : memref<!tpu.dma_semaphore, #tpu.memory_space<semaphore_mem>>)
        %dma_wait3A = arith.constant 0 : i32
        %dma_wait3A_41 = tpu.memref_slice %arg2[%add3A_27, %mul3A_29, %dma_wait3A] : memref<64x400x800xf32, #tpu.memory_space<hbm>> -> memref<1x8x800xf32, #tpu.memory_space<hbm>>
        %dma_wait3A_42 = tpu.memref_squeeze %dma_wait3A_41 : memref<1x8x800xf32, #tpu.memory_space<hbm>> -> memref<8x800xf32, #tpu.memory_space<hbm>>
        %dma_wait3A_43 = arith.constant 0 : i32
        %dma_wait3A_44 = tpu.memref_slice %arg2[%add3A_27, %mul3A_29, %dma_wait3A_43] : memref<64x400x800xf32, #tpu.memory_space<hbm>> -> memref<1x8x800xf32, #tpu.memory_space<hbm>>
        %dma_wait3A_45 = tpu.memref_squeeze %dma_wait3A_44 : memref<1x8x800xf32, #tpu.memory_space<hbm>> -> memref<8x800xf32, #tpu.memory_space<hbm>>
        tpu.wait_dma2 semaphore(%run_scoped3A : memref<!tpu.dma_semaphore, #tpu.memory_space<semaphore_mem>>) src(%dma_wait3A_45 : memref<8x800xf32, #tpu.memory_space<hbm>>) dst(%arg7 : memref<8x800xf32, #tpu.memory_space<vmem>>)
        tpu.yield
      }) : () -> ()
      %scan3A_30 = arith.constant 0 : i32
      %scan3A_31 = arith.constant 0 : i32
      %scan3A_32 = arith.constant 400 : i32
      %scan3A_33 = arith.addi %scan3A_31, %scan3A_32 : i32
      %scan3A_34 = arith.constant 1 : i32
      scf.for %scan3A_36 = %scan3A_31 to %scan3A_33 step %scan3A_34  : i32 {
        %mul3A_37 = arith.constant 16 : i32
        %mul3A_38 = arith.muli %scan3A_36, %mul3A_37 : i32
        %get3A = arith.index_cast %mul3A_38 : i32 to index
        %get3A_39 = tpu.vector_load %arg5[%get3A] {strides = array<i32>} : memref<6400xi32, #tpu.memory_space<vmem>>, vector<16xi32>,
        %jit3A = arith.constant 50 : i32
        %div3A = arith.divsi %scan3A_36, %jit3A : i32
        %sign3A = arith.constant 0 : i32
        %sign3A_40 = arith.cmpi sgt, %scan3A_36, %sign3A : i32
        %sign3A_41 = arith.extui %sign3A_40 : i1 to i32
        %sign3A_42 = arith.constant 0 : i32
        %sign3A_43 = arith.cmpi slt, %scan3A_36, %sign3A_42 : i32
        %sign3A_44 = arith.extui %sign3A_43 : i1 to i32
        %sign3A_45 = arith.subi %sign3A_41, %sign3A_44 : i32
        %sign3A_46 = arith.constant 0 : i32
        %sign3A_47 = arith.cmpi sgt, %jit3A, %sign3A_46 : i32
        %sign3A_48 = arith.extui %sign3A_47 : i1 to i32
        %sign3A_49 = arith.constant 0 : i32
        %sign3A_50 = arith.cmpi slt, %jit3A, %sign3A_49 : i32
        %sign3A_51 = arith.extui %sign3A_50 : i1 to i32
        %sign3A_52 = arith.subi %sign3A_48, %sign3A_51 : i32
        %ne3A = arith.cmpi ne, %sign3A_45, %sign3A_52 : i32
        %rem3A = arith.remsi %scan3A_36, %jit3A : i32
        %ne3A_53 = arith.constant 0 : i32
        %ne3A_54 = arith.cmpi ne, %rem3A, %ne3A_53 : i32
        %and3A = arith.andi %ne3A, %ne3A_54 : i1
        %sub3A = arith.constant 1 : i32
        %sub3A_55 = arith.subi %div3A, %sub3A : i32
        %select_n3A = arith.select %and3A, %sub3A_55, %div3A : i32
        %jit3A_56 = arith.constant 50 : i32
        %eq3A = arith.constant 0 : i32
        %eq3A_57 = arith.cmpi eq, %jit3A_56, %eq3A : i32
        %jit3A_58 = arith.constant 1 : i32
        %select_n3A_59 = arith.select %eq3A_57, %jit3A_58, %jit3A_56 : i32
        %rem3A_60 = arith.remsi %scan3A_36, %select_n3A_59 : i32
        %ne3A_61 = arith.constant 0 : i32
        %ne3A_62 = arith.cmpi ne, %rem3A_60, %ne3A_61 : i32
        %lt3A = arith.constant 0 : i32
        %lt3A_63 = arith.cmpi slt, %rem3A_60, %lt3A : i32
        %lt3A_64 = arith.constant 0 : i32
        %lt3A_65 = arith.cmpi slt, %select_n3A_59, %lt3A_64 : i32
        %ne3A_66 = arith.xori %lt3A_63, %lt3A_65 : i1
        %and3A_67 = arith.andi %ne3A_66, %ne3A_62 : i1
        %add3A_68 = arith.addi %rem3A_60, %select_n3A_59 : i32
        %select_n3A_69 = arith.select %and3A_67, %add3A_68, %rem3A_60 : i32
        %mul3A_70 = arith.constant 16 : i32
        %mul3A_71 = arith.muli %select_n3A_69, %mul3A_70 : i32
        %get3A_72 = arith.index_cast %select_n3A : i32 to index
        %get3A_73 = arith.index_cast %mul3A_71 : i32 to index
        %get3A_74 = tpu.vector_load %arg6[%get3A_72, %get3A_73] {strides = array<i32>} : memref<8x800xf32, #tpu.memory_space<vmem>>, vector<16xf32>,
        %get3A_75 = arith.index_cast %select_n3A : i32 to index
        %get3A_76 = arith.index_cast %mul3A_71 : i32 to index
        %get3A_77 = tpu.vector_load %arg7[%get3A_75, %get3A_76] {strides = array<i32>} : memref<8x800xf32, #tpu.memory_space<vmem>>, vector<16xf32>,
        tpu.vector_store_idx %arg11[%get3A_39], %iota3A : memref<10000xi32, #tpu.memory_space<vmem>>[vector<16xi32>], vector<16xi32>,
        %gather3A = tpu.vector_load_idx %arg11[%get3A_39] : memref<10000xi32, #tpu.memory_space<vmem>>[vector<16xi32>], vector<16xi32>,
        %eq3A_78 = arith.cmpi eq, %gather3A, %iota3A : vector<16xi32>
        %reduce_and3A = arith.constant 1.000000e+00 : f32
        %reduce_and3A_79 = arith.constant 0.000000e+00 : f32
        %reduce_and3A_80 = vector.broadcast %reduce_and3A : f32 to vector<16xf32>
        %reduce_and3A_81 = vector.broadcast %reduce_and3A_79 : f32 to vector<16xf32>
        %reduce_and3A_82 = arith.select %eq3A_78, %reduce_and3A_80, %reduce_and3A_81 : vector<16xi1>, vector<16xf32>
        %reduce_and3A_83 = arith.constant true
        %reduce_and3A_84 = vector.broadcast %reduce_and3A_83 : i1 to vector<16xi1>
        %reduce_and3A_85 = tpu.scan <min>, %reduce_and3A_82 masked %reduce_and3A_84 : vector<16xf32>, vector<16xi1> -> vector<16xf32>
        %reduce_and3A_86 = vector.extract %reduce_and3A_85[15] : f32 from vector<16xf32>
        %reduce_and3A_87 = arith.constant 0.000000e+00 : f32
        %reduce_and3A_88 = arith.cmpf ogt, %reduce_and3A_86, %reduce_and3A_87 : f32
        %convert_element_type3A = arith.extui %reduce_and3A_88 : i1 to i32
        %cond3A = arith.constant 0 : i32
        %cond3A_89 = arith.cmpi ne, %convert_element_type3A, %cond3A : i32
        scf.if %cond3A_89 {
          %gather3A_90 = tpu.vector_load_idx %arg8[%get3A_39] : memref<10000xf32, #tpu.memory_space<vmem>>[vector<16xi32>], vector<16xf32>,
          %max3A = arith.maximumf %gather3A_90, %get3A_74 : vector<16xf32>
          tpu.vector_store_idx %arg8[%get3A_39], %max3A : memref<10000xf32, #tpu.memory_space<vmem>>[vector<16xi32>], vector<16xf32>,
          %gather3A_91 = tpu.vector_load_idx %arg9[%get3A_39] : memref<10000xf32, #tpu.memory_space<vmem>>[vector<16xi32>], vector<16xf32>,
          %max3A_92 = arith.maximumf %gather3A_91, %get3A_77 : vector<16xf32>
          tpu.vector_store_idx %arg9[%get3A_39], %max3A_92 : memref<10000xf32, #tpu.memory_space<vmem>>[vector<16xi32>], vector<16xf32>,
        } else {
          %eq3A_90 = arith.cmpi eq, %get3A_39, %get3A_39 : vector<16xi32>
          %while3A = scf.while (%while3A_93 = %eq3A_90) : (vector<16xi1>) -> vector<16xi1> {
            %reduce_or3A = arith.constant 1.000000e+00 : f32
            %reduce_or3A_94 = arith.constant 0.000000e+00 : f32
            %reduce_or3A_95 = vector.broadcast %reduce_or3A : f32 to vector<16xf32>
            %reduce_or3A_96 = vector.broadcast %reduce_or3A_94 : f32 to vector<16xf32>
            %reduce_or3A_97 = arith.select %while3A_93, %reduce_or3A_95, %reduce_or3A_96 : vector<16xi1>, vector<16xf32>
            %reduce_or3A_98 = arith.constant true
            %reduce_or3A_99 = vector.broadcast %reduce_or3A_98 : i1 to vector<16xi1>
            %reduce_or3A_100 = tpu.scan <max>, %reduce_or3A_97 masked %reduce_or3A_99 : vector<16xf32>, vector<16xi1> -> vector<16xf32>
            %reduce_or3A_101 = vector.extract %reduce_or3A_100[15] : f32 from vector<16xf32>
            %reduce_or3A_102 = arith.constant 0.000000e+00 : f32
            %reduce_or3A_103 = arith.cmpf ogt, %reduce_or3A_101, %reduce_or3A_102 : f32
            scf.condition(%reduce_or3A_103) %while3A_93 : vector<16xi1>
          } do {
          ^bb0(%while3A_93: vector<16xi1>):
            %gather3A_94 = tpu.vector_load_idx %arg8[%get3A_39] masked %while3A_93 : memref<10000xf32, #tpu.memory_space<vmem>>[vector<16xi32>], vector<16xf32>, vector<16xi1>
            %max3A = arith.maximumf %gather3A_94, %get3A_74 : vector<16xf32>
            tpu.vector_store_idx %arg8[%get3A_39], %max3A masked %while3A_93 : memref<10000xf32, #tpu.memory_space<vmem>>[vector<16xi32>], vector<16xf32>, vector<16xi1>
            %gather3A_95 = tpu.vector_load_idx %arg8[%get3A_39] masked %while3A_93 : memref<10000xf32, #tpu.memory_space<vmem>>[vector<16xi32>], vector<16xf32>, vector<16xi1>
            %lt3A_96 = arith.cmpf olt, %gather3A_95, %max3A : vector<16xf32>
            %and3A_97 = arith.andi %while3A_93, %lt3A_96 : vector<16xi1>
            scf.yield %and3A_97 : vector<16xi1>
          }
          %eq3A_91 = arith.cmpi eq, %get3A_39, %get3A_39 : vector<16xi32>
          %while3A_92 = scf.while (%while3A_93 = %eq3A_91) : (vector<16xi1>) -> vector<16xi1> {
            %reduce_or3A = arith.constant 1.000000e+00 : f32
            %reduce_or3A_94 = arith.constant 0.000000e+00 : f32
            %reduce_or3A_95 = vector.broadcast %reduce_or3A : f32 to vector<16xf32>
            %reduce_or3A_96 = vector.broadcast %reduce_or3A_94 : f32 to vector<16xf32>
            %reduce_or3A_97 = arith.select %while3A_93, %reduce_or3A_95, %reduce_or3A_96 : vector<16xi1>, vector<16xf32>
            %reduce_or3A_98 = arith.constant true
            %reduce_or3A_99 = vector.broadcast %reduce_or3A_98 : i1 to vector<16xi1>
            %reduce_or3A_100 = tpu.scan <max>, %reduce_or3A_97 masked %reduce_or3A_99 : vector<16xf32>, vector<16xi1> -> vector<16xf32>
            %reduce_or3A_101 = vector.extract %reduce_or3A_100[15] : f32 from vector<16xf32>
            %reduce_or3A_102 = arith.constant 0.000000e+00 : f32
            %reduce_or3A_103 = arith.cmpf ogt, %reduce_or3A_101, %reduce_or3A_102 : f32
            scf.condition(%reduce_or3A_103) %while3A_93 : vector<16xi1>
          } do {
          ^bb0(%while3A_93: vector<16xi1>):
            %gather3A_94 = tpu.vector_load_idx %arg9[%get3A_39] masked %while3A_93 : memref<10000xf32, #tpu.memory_space<vmem>>[vector<16xi32>], vector<16xf32>, vector<16xi1>
            %max3A = arith.maximumf %gather3A_94, %get3A_77 : vector<16xf32>
            tpu.vector_store_idx %arg9[%get3A_39], %max3A masked %while3A_93 : memref<10000xf32, #tpu.memory_space<vmem>>[vector<16xi32>], vector<16xf32>, vector<16xi1>
            %gather3A_95 = tpu.vector_load_idx %arg9[%get3A_39] masked %while3A_93 : memref<10000xf32, #tpu.memory_space<vmem>>[vector<16xi32>], vector<16xf32>, vector<16xi1>
            %lt3A_96 = arith.cmpf olt, %gather3A_95, %max3A : vector<16xf32>
            %and3A_97 = arith.andi %while3A_93, %lt3A_96 : vector<16xi1>
            scf.yield %and3A_97 : vector<16xi1>
          }
        }
      }
      %scan3A_35 = arith.constant 400 : i32
    }
    %scan3A_14 = arith.constant 50 : i32
    %scan3A_15 = arith.constant 0 : i32
    %scan3A_16 = arith.constant 0 : i32
    %scan3A_17 = arith.constant 625 : i32
    %scan3A_18 = arith.addi %scan3A_16, %scan3A_17 : i32
    %scan3A_19 = arith.constant 1 : i32
    scf.for %scan3A_21 = %scan3A_16 to %scan3A_18 step %scan3A_19  : i32 {
      %mul3A_22 = arith.constant 16 : i32
      %mul3A_23 = arith.muli %scan3A_21, %mul3A_22 : i32
      %get3A = arith.index_cast %mul3A_23 : i32 to index
      %get3A_24 = tpu.vector_load %arg8[%get3A] {strides = array<i32>} : memref<10000xf32, #tpu.memory_space<vmem>>, vector<16xf32>,
      %eq3A = arith.cmpf oeq, %get3A_24, %broadcast_in_dim3A_3 : vector<16xf32>
      %jit3A = arith.constant 0.000000e+00 : f32
      %broadcast_in_dim3A_25 = vector.broadcast %jit3A : f32 to vector<16xf32>
      %select_n3A = arith.select %eq3A, %broadcast_in_dim3A_25, %get3A_24 : vector<16xi1>, vector<16xf32>
      %swap3A = arith.constant 0 : i32
      %swap3A_26 = arith.index_cast %swap3A : i32 to index
      %swap3A_27 = arith.index_cast %mul3A_23 : i32 to index
      %swap3A_28 = tpu.vector_load %arg10[%swap3A_26, %swap3A_27] {strides = array<i32>} : memref<2x10000xf32, #tpu.memory_space<vmem>>, vector<16xf32>,
      tpu.vector_store %arg10[%swap3A_26, %swap3A_27], %select_n3A {strides = array<i32>} : memref<2x10000xf32, #tpu.memory_space<vmem>>, vector<16xf32>,
      %get3A_29 = arith.index_cast %mul3A_23 : i32 to index
      %get3A_30 = tpu.vector_load %arg9[%get3A_29] {strides = array<i32>} : memref<10000xf32, #tpu.memory_space<vmem>>, vector<16xf32>,
      %eq3A_31 = arith.cmpf oeq, %get3A_30, %broadcast_in_dim3A_3 : vector<16xf32>
      %jit3A_32 = arith.constant 0.000000e+00 : f32
      %broadcast_in_dim3A_33 = vector.broadcast %jit3A_32 : f32 to vector<16xf32>
      %select_n3A_34 = arith.select %eq3A_31, %broadcast_in_dim3A_33, %get3A_30 : vector<16xi1>, vector<16xf32>
      %swap3A_35 = arith.constant 1 : i32
      %swap3A_36 = arith.index_cast %swap3A_35 : i32 to index
      %swap3A_37 = arith.index_cast %mul3A_23 : i32 to index
      %swap3A_38 = tpu.vector_load %arg10[%swap3A_36, %swap3A_37] {strides = array<i32>} : memref<2x10000xf32, #tpu.memory_space<vmem>>, vector<16xf32>,
      tpu.vector_store %arg10[%swap3A_36, %swap3A_37], %select_n3A_34 {strides = array<i32>} : memref<2x10000xf32, #tpu.memory_space<vmem>>, vector<16xf32>,
    }
    %scan3A_20 = arith.constant 625 : i32
    "tpu.region"() ({
      %run_scoped3A = tpu.sem_alloc : memref<!tpu.dma_semaphore, #tpu.memory_space<semaphore_mem>>
      %dma_start3A = arith.constant 0 : i32
      %dma_start3A_21 = arith.constant 0 : i32
      %dma_start3A_22 = tpu.memref_slice %arg10[%dma_start3A, %dma_start3A_21] : memref<2x10000xf32, #tpu.memory_space<vmem>> -> memref<2x10000xf32, #tpu.memory_space<vmem>>
      %dma_start3A_23 = arith.constant 0 : i32
      %dma_start3A_24 = arith.constant 0 : i32
      %dma_start3A_25 = tpu.memref_slice %arg4[%add3A, %dma_start3A_23, %dma_start3A_24] : memref<32x2x10000xf32, #tpu.memory_space<hbm>> -> memref<1x2x10000xf32, #tpu.memory_space<hbm>>
      %dma_start3A_26 = tpu.memref_squeeze %dma_start3A_25 : memref<1x2x10000xf32, #tpu.memory_space<hbm>> -> memref<2x10000xf32, #tpu.memory_space<hbm>>
      %dma_start3A_27 = arith.constant 0 : i32
      %dma_start3A_28 = arith.constant 0 : i32
      %dma_start3A_29 = tpu.memref_slice %arg4[%add3A, %dma_start3A_27, %dma_start3A_28] : memref<32x2x10000xf32, #tpu.memory_space<hbm>> -> memref<1x2x10000xf32, #tpu.memory_space<hbm>>
      %dma_start3A_30 = tpu.memref_squeeze %dma_start3A_29 : memref<1x2x10000xf32, #tpu.memory_space<hbm>> -> memref<2x10000xf32, #tpu.memory_space<hbm>>
      %dma_start3A_31 = arith.constant 0 : i32
      %dma_start3A_32 = arith.constant 0 : i32
      %dma_start3A_33 = tpu.memref_slice %arg10[%dma_start3A_31, %dma_start3A_32] : memref<2x10000xf32, #tpu.memory_space<vmem>> -> memref<2x10000xf32, #tpu.memory_space<vmem>>
      tpu.enqueue_dma source(%dma_start3A_33 : memref<2x10000xf32, #tpu.memory_space<vmem>>) target(%dma_start3A_30 : memref<2x10000xf32, #tpu.memory_space<hbm>>) target_semaphore(%run_scoped3A : memref<!tpu.dma_semaphore, #tpu.memory_space<semaphore_mem>>)
      %dma_wait3A = arith.constant 0 : i32
      %dma_wait3A_34 = arith.constant 0 : i32
      %dma_wait3A_35 = tpu.memref_slice %arg10[%dma_wait3A, %dma_wait3A_34] : memref<2x10000xf32, #tpu.memory_space<vmem>> -> memref<2x10000xf32, #tpu.memory_space<vmem>>
      %dma_wait3A_36 = arith.constant 0 : i32
      %dma_wait3A_37 = arith.constant 0 : i32
      %dma_wait3A_38 = tpu.memref_slice %arg4[%add3A, %dma_wait3A_36, %dma_wait3A_37] : memref<32x2x10000xf32, #tpu.memory_space<hbm>> -> memref<1x2x10000xf32, #tpu.memory_space<hbm>>
      %dma_wait3A_39 = tpu.memref_squeeze %dma_wait3A_38 : memref<1x2x10000xf32, #tpu.memory_space<hbm>> -> memref<2x10000xf32, #tpu.memory_space<hbm>>
      %dma_wait3A_40 = arith.constant 0 : i32
      %dma_wait3A_41 = arith.constant 0 : i32
      %dma_wait3A_42 = tpu.memref_slice %arg4[%add3A, %dma_wait3A_40, %dma_wait3A_41] : memref<32x2x10000xf32, #tpu.memory_space<hbm>> -> memref<1x2x10000xf32, #tpu.memory_space<hbm>>
      %dma_wait3A_43 = tpu.memref_squeeze %dma_wait3A_42 : memref<1x2x10000xf32, #tpu.memory_space<hbm>> -> memref<2x10000xf32, #tpu.memory_space<hbm>>
      %dma_wait3A_44 = arith.constant 0 : i32
      %dma_wait3A_45 = arith.constant 0 : i32
      %dma_wait3A_46 = tpu.memref_slice %arg10[%dma_wait3A_44, %dma_wait3A_45] : memref<2x10000xf32, #tpu.memory_space<vmem>> -> memref<2x10000xf32, #tpu.memory_space<vmem>>
      tpu.wait_dma2 semaphore(%run_scoped3A : memref<!tpu.dma_semaphore, #tpu.memory_space<semaphore_mem>>) src(%dma_wait3A_46 : memref<2x10000xf32, #tpu.memory_space<vmem>>) dst(%dma_wait3A_43 : memref<2x10000xf32, #tpu.memory_space<hbm>>)
      tpu.yield
    }) : () -> ()
    return
  }
}

module attributes {stable_mosaic.version = 14 : i64} {
  func.func @body(%arg0: i32, %arg1: memref<512x128xf32, #tpu.memory_space<vmem>>, %arg2: memref<128x64xf32, #tpu.memory_space<vmem>>, %arg3: memref<128x64xf32, #tpu.memory_space<vmem>>, %arg4: memref<128x64xf32, #tpu.memory_space<vmem>>, %arg5: memref<512x64xf32, #tpu.memory_space<vmem>>, %arg6: memref<512x64xf32, #tpu.memory_space<vmem>>, %arg7: memref<512x64xf32, #tpu.memory_space<vmem>>) attributes {dimension_semantics = [#tpu.dimension_semantics<arbitrary>], iteration_bounds = array<i64: 20>, scalar_prefetch = 0 : i64, scratch_operands = 0 : i64, tpu.core_type = #tpu.core_type<tc>, window_params = [{transform_indices = @transform_0, window_bounds = array<i64: 512, 128>}, {pipeline_mode = #tpu.pipeline_mode<synchronous>, transform_indices = @transform_1, window_bounds = array<i64: 128, 64>}, {pipeline_mode = #tpu.pipeline_mode<synchronous>, transform_indices = @transform_2, window_bounds = array<i64: 128, 64>}, {pipeline_mode = #tpu.pipeline_mode<synchronous>, transform_indices = @transform_3, window_bounds = array<i64: 128, 64>}, {transform_indices = @transform_4, window_bounds = array<i64: 512, 64>}, {transform_indices = @transform_5, window_bounds = array<i64: 512, 64>}, {transform_indices = @transform_6, window_bounds = array<i64: 512, 64>}]} {
    %get3A = arith.constant 0 : index
    %get3A_0 = arith.constant 0 : index
    %get3A_1 = vector.load %arg1[%get3A, %get3A_0] : memref<512x128xf32, #tpu.memory_space<vmem>>, vector<512x128xf32>
    %get3A_2 = arith.constant 0 : index
    %get3A_3 = arith.constant 0 : index
    %get3A_4 = vector.load %arg2[%get3A_2, %get3A_3] : memref<128x64xf32, #tpu.memory_space<vmem>>, vector<128x64xf32>
    %dot_general3A = arith.constant dense<0.000000e+00> : vector<512x64xf32>
    %dot_general3A_5 = tpu.matmul %get3A_1, %get3A_4, %dot_general3A {dimension_numbers = #tpu.dot_dimension_numbers<[1], [0], [0], [1], [0, 0, 1, 1], [], []>, transpose_lhs_hint = false} : vector<512x128xf32>, vector<128x64xf32>, vector<512x64xf32> -> vector<512x64xf32>
    %swap3A = arith.constant 0 : index
    %swap3A_6 = arith.constant 0 : index
    %swap3A_7 = vector.load %arg5[%swap3A, %swap3A_6] : memref<512x64xf32, #tpu.memory_space<vmem>>, vector<512x64xf32>
    tpu.vector_store %arg5[%swap3A, %swap3A_6], %dot_general3A_5 {strides = array<i32>} : memref<512x64xf32, #tpu.memory_space<vmem>>, vector<512x64xf32>,
    %get3A_8 = arith.constant 0 : index
    %get3A_9 = arith.constant 0 : index
    %get3A_10 = vector.load %arg3[%get3A_8, %get3A_9] : memref<128x64xf32, #tpu.memory_space<vmem>>, vector<128x64xf32>
    %dot_general3A_11 = arith.constant dense<0.000000e+00> : vector<512x64xf32>
    %dot_general3A_12 = tpu.matmul %get3A_1, %get3A_10, %dot_general3A_11 {dimension_numbers = #tpu.dot_dimension_numbers<[1], [0], [0], [1], [0, 0, 1, 1], [], []>, transpose_lhs_hint = false} : vector<512x128xf32>, vector<128x64xf32>, vector<512x64xf32> -> vector<512x64xf32>
    %swap3A_13 = arith.constant 0 : index
    %swap3A_14 = arith.constant 0 : index
    %swap3A_15 = vector.load %arg6[%swap3A_13, %swap3A_14] : memref<512x64xf32, #tpu.memory_space<vmem>>, vector<512x64xf32>
    tpu.vector_store %arg6[%swap3A_13, %swap3A_14], %dot_general3A_12 {strides = array<i32>} : memref<512x64xf32, #tpu.memory_space<vmem>>, vector<512x64xf32>,
    %get3A_16 = arith.constant 0 : index
    %get3A_17 = arith.constant 0 : index
    %get3A_18 = vector.load %arg4[%get3A_16, %get3A_17] : memref<128x64xf32, #tpu.memory_space<vmem>>, vector<128x64xf32>
    %dot_general3A_19 = arith.constant dense<0.000000e+00> : vector<512x64xf32>
    %dot_general3A_20 = tpu.matmul %get3A_1, %get3A_18, %dot_general3A_19 {dimension_numbers = #tpu.dot_dimension_numbers<[1], [0], [0], [1], [0, 0, 1, 1], [], []>, transpose_lhs_hint = false} : vector<512x128xf32>, vector<128x64xf32>, vector<512x64xf32> -> vector<512x64xf32>
    %swap3A_21 = arith.constant 0 : index
    %swap3A_22 = arith.constant 0 : index
    %swap3A_23 = vector.load %arg7[%swap3A_21, %swap3A_22] : memref<512x64xf32, #tpu.memory_space<vmem>>, vector<512x64xf32>
    tpu.vector_store %arg7[%swap3A_21, %swap3A_22], %dot_general3A_20 {strides = array<i32>} : memref<512x64xf32, #tpu.memory_space<vmem>>, vector<512x64xf32>,
    return
  }
  func.func @transform_0(%arg0: i32) -> (i32, i32) {
    %c0_i32 = arith.constant 0 : i32
    %c0_i32_0 = arith.constant 0 : i32
    return %arg0, %c0_i32 : i32, i32
  }
  func.func @transform_1(%arg0: i32) -> (i32, i32) {
    %c0_i32 = arith.constant 0 : i32
    %c0_i32_0 = arith.constant 0 : i32
    %c0_i32_1 = arith.constant 0 : i32
    return %c0_i32, %c0_i32_0 : i32, i32
  }
  func.func @transform_2(%arg0: i32) -> (i32, i32) {
    %c0_i32 = arith.constant 0 : i32
    %c0_i32_0 = arith.constant 0 : i32
    %c0_i32_1 = arith.constant 0 : i32
    return %c0_i32, %c0_i32_0 : i32, i32
  }
  func.func @transform_3(%arg0: i32) -> (i32, i32) {
    %c0_i32 = arith.constant 0 : i32
    %c0_i32_0 = arith.constant 0 : i32
    %c0_i32_1 = arith.constant 0 : i32
    return %c0_i32, %c0_i32_0 : i32, i32
  }
  func.func @transform_4(%arg0: i32) -> (i32, i32) {
    %c0_i32 = arith.constant 0 : i32
    %c0_i32_0 = arith.constant 0 : i32
    return %arg0, %c0_i32 : i32, i32
  }
  func.func @transform_5(%arg0: i32) -> (i32, i32) {
    %c0_i32 = arith.constant 0 : i32
    %c0_i32_0 = arith.constant 0 : i32
    return %arg0, %c0_i32 : i32, i32
  }
  func.func @transform_6(%arg0: i32) -> (i32, i32) {
    %c0_i32 = arith.constant 0 : i32
    %c0_i32_0 = arith.constant 0 : i32
    return %arg0, %c0_i32 : i32, i32
  }
}

module attributes {stable_mosaic.version = 14 : i64} {
  func.func @body(%arg0: i32, %arg1: memref<512x16xf32, #tpu.memory_space<vmem>>, %arg2: memref<16x64xf32, #tpu.memory_space<vmem>>, %arg3: memref<1x64xf32, #tpu.memory_space<vmem>>, %arg4: memref<16x64xf32, #tpu.memory_space<vmem>>, %arg5: memref<1x64xf32, #tpu.memory_space<vmem>>, %arg6: memref<512x64xf32, #tpu.memory_space<vmem>>, %arg7: memref<512x64xf32, #tpu.memory_space<vmem>>) attributes {dimension_semantics = [#tpu.dimension_semantics<arbitrary>], iteration_bounds = array<i64: 625>, scalar_prefetch = 0 : i64, scratch_operands = 0 : i64, tpu.core_type = #tpu.core_type<tc>, window_params = [{transform_indices = @transform_0, window_bounds = array<i64: 512, 16>}, {pipeline_mode = #tpu.pipeline_mode<synchronous>, transform_indices = @transform_1, window_bounds = array<i64: 16, 64>}, {pipeline_mode = #tpu.pipeline_mode<synchronous>, transform_indices = @transform_2, window_bounds = array<i64: 1, 64>}, {pipeline_mode = #tpu.pipeline_mode<synchronous>, transform_indices = @transform_3, window_bounds = array<i64: 16, 64>}, {pipeline_mode = #tpu.pipeline_mode<synchronous>, transform_indices = @transform_4, window_bounds = array<i64: 1, 64>}, {transform_indices = @transform_5, window_bounds = array<i64: 512, 64>}, {transform_indices = @transform_6, window_bounds = array<i64: 512, 64>}]} {
    %get3A = arith.constant 0 : index
    %get3A_0 = arith.constant 0 : index
    %get3A_1 = vector.load %arg1[%get3A, %get3A_0] : memref<512x16xf32, #tpu.memory_space<vmem>>, vector<512x16xf32>
    %get3A_2 = arith.constant 0 : index
    %get3A_3 = arith.constant 0 : index
    %get3A_4 = vector.load %arg2[%get3A_2, %get3A_3] : memref<16x64xf32, #tpu.memory_space<vmem>>, vector<16x64xf32>
    %dot_general3A = arith.constant dense<0.000000e+00> : vector<512x64xf32>
    %dot_general3A_5 = tpu.matmul %get3A_1, %get3A_4, %dot_general3A {dimension_numbers = #tpu.dot_dimension_numbers<[1], [0], [0], [1], [0, 0, 1, 1], [], []>, transpose_lhs_hint = false} : vector<512x16xf32>, vector<16x64xf32>, vector<512x64xf32> -> vector<512x64xf32>
    %get3A_6 = arith.constant 0 : index
    %get3A_7 = arith.constant 0 : index
    %get3A_8 = vector.load %arg3[%get3A_6, %get3A_7] : memref<1x64xf32, #tpu.memory_space<vmem>>, vector<1x64xf32>
    %add3A = vector.broadcast %get3A_8 : vector<1x64xf32> to vector<512x64xf32>
    %add3A_9 = arith.addf %dot_general3A_5, %add3A : vector<512x64xf32>
    %swap3A = arith.constant 0 : index
    %swap3A_10 = arith.constant 0 : index
    %swap3A_11 = vector.load %arg6[%swap3A, %swap3A_10] : memref<512x64xf32, #tpu.memory_space<vmem>>, vector<512x64xf32>
    tpu.vector_store %arg6[%swap3A, %swap3A_10], %add3A_9 {strides = array<i32>} : memref<512x64xf32, #tpu.memory_space<vmem>>, vector<512x64xf32>,
    %get3A_12 = arith.constant 0 : index
    %get3A_13 = arith.constant 0 : index
    %get3A_14 = vector.load %arg4[%get3A_12, %get3A_13] : memref<16x64xf32, #tpu.memory_space<vmem>>, vector<16x64xf32>
    %dot_general3A_15 = arith.constant dense<0.000000e+00> : vector<512x64xf32>
    %dot_general3A_16 = tpu.matmul %get3A_1, %get3A_14, %dot_general3A_15 {dimension_numbers = #tpu.dot_dimension_numbers<[1], [0], [0], [1], [0, 0, 1, 1], [], []>, transpose_lhs_hint = false} : vector<512x16xf32>, vector<16x64xf32>, vector<512x64xf32> -> vector<512x64xf32>
    %get3A_17 = arith.constant 0 : index
    %get3A_18 = arith.constant 0 : index
    %get3A_19 = vector.load %arg5[%get3A_17, %get3A_18] : memref<1x64xf32, #tpu.memory_space<vmem>>, vector<1x64xf32>
    %add3A_20 = vector.broadcast %get3A_19 : vector<1x64xf32> to vector<512x64xf32>
    %add3A_21 = arith.addf %dot_general3A_16, %add3A_20 : vector<512x64xf32>
    %swap3A_22 = arith.constant 0 : index
    %swap3A_23 = arith.constant 0 : index
    %swap3A_24 = vector.load %arg7[%swap3A_22, %swap3A_23] : memref<512x64xf32, #tpu.memory_space<vmem>>, vector<512x64xf32>
    tpu.vector_store %arg7[%swap3A_22, %swap3A_23], %add3A_21 {strides = array<i32>} : memref<512x64xf32, #tpu.memory_space<vmem>>, vector<512x64xf32>,
    return
  }
  func.func @transform_0(%arg0: i32) -> (i32, i32) {
    %c0_i32 = arith.constant 0 : i32
    %c0_i32_0 = arith.constant 0 : i32
    return %arg0, %c0_i32 : i32, i32
  }
  func.func @transform_1(%arg0: i32) -> (i32, i32) {
    %c0_i32 = arith.constant 0 : i32
    %c0_i32_0 = arith.constant 0 : i32
    %c0_i32_1 = arith.constant 0 : i32
    return %c0_i32, %c0_i32_0 : i32, i32
  }
  func.func @transform_2(%arg0: i32) -> (i32, i32) {
    %c0_i32 = arith.constant 0 : i32
    %c0_i32_0 = arith.constant 0 : i32
    %c0_i32_1 = arith.constant 0 : i32
    return %c0_i32, %c0_i32_0 : i32, i32
  }
  func.func @transform_3(%arg0: i32) -> (i32, i32) {
    %c0_i32 = arith.constant 0 : i32
    %c0_i32_0 = arith.constant 0 : i32
    %c0_i32_1 = arith.constant 0 : i32
    return %c0_i32, %c0_i32_0 : i32, i32
  }
  func.func @transform_4(%arg0: i32) -> (i32, i32) {
    %c0_i32 = arith.constant 0 : i32
    %c0_i32_0 = arith.constant 0 : i32
    %c0_i32_1 = arith.constant 0 : i32
    return %c0_i32, %c0_i32_0 : i32, i32
  }
  func.func @transform_5(%arg0: i32) -> (i32, i32) {
    %c0_i32 = arith.constant 0 : i32
    %c0_i32_0 = arith.constant 0 : i32
    return %arg0, %c0_i32 : i32, i32
  }
  func.func @transform_6(%arg0: i32) -> (i32, i32) {
    %c0_i32 = arith.constant 0 : i32
    %c0_i32_0 = arith.constant 0 : i32
    return %arg0, %c0_i32 : i32, i32
  }
}

module attributes {stable_mosaic.version = 14 : i64} {
  func.func @body(%arg0: i32, %arg1: memref<6400x128xf32, #tpu.memory_space<vmem>>, %arg2: memref<6400x128xf32, #tpu.memory_space<vmem>>, %arg3: memref<6400x64xf32, #tpu.memory_space<vmem>>, %arg4: memref<64x64xf32, #tpu.memory_space<vmem>>, %arg5: memref<1x64xf32, #tpu.memory_space<vmem>>, %arg6: memref<64x64xf32, #tpu.memory_space<vmem>>, %arg7: memref<64x1xf32, #tpu.memory_space<vmem>>, %arg8: memref<64x8x800xf32, #tpu.memory_space<vmem>>) attributes {dimension_semantics = [#tpu.dimension_semantics<arbitrary>], iteration_bounds = array<i64: 50>, scalar_prefetch = 0 : i64, scratch_operands = 0 : i64, tpu.core_type = #tpu.core_type<tc>, window_params = [{transform_indices = @transform_0, window_bounds = array<i64: 6400, 128>}, {transform_indices = @transform_1, window_bounds = array<i64: 6400, 128>}, {transform_indices = @transform_2, window_bounds = array<i64: 6400, 64>}, {pipeline_mode = #tpu.pipeline_mode<synchronous>, transform_indices = @transform_3, window_bounds = array<i64: 64, 64>}, {pipeline_mode = #tpu.pipeline_mode<synchronous>, transform_indices = @transform_4, window_bounds = array<i64: 1, 64>}, {pipeline_mode = #tpu.pipeline_mode<synchronous>, transform_indices = @transform_5, window_bounds = array<i64: 64, 64>}, {pipeline_mode = #tpu.pipeline_mode<synchronous>, transform_indices = @transform_6, window_bounds = array<i64: 64, 1>}, {transform_indices = @transform_7, window_bounds = array<i64: 64, 8, 800>}]} {
    %get3A = arith.constant 0 : index
    %get3A_0 = arith.constant 0 : index
    %get3A_1 = vector.load %arg1[%get3A, %get3A_0] : memref<6400x128xf32, #tpu.memory_space<vmem>>, vector<800x64xf32>
    %get3A_2 = arith.constant 0 : index
    %get3A_3 = arith.constant 64 : index
    %get3A_4 = vector.load %arg2[%get3A_2, %get3A_3] : memref<6400x128xf32, #tpu.memory_space<vmem>>, vector<800x64xf32>
    %add3A = arith.addf %get3A_1, %get3A_4 : vector<800x64xf32>
    %get3A_5 = arith.constant 0 : index
    %get3A_6 = arith.constant 0 : index
    %get3A_7 = vector.load %arg3[%get3A_5, %get3A_6] : memref<6400x64xf32, #tpu.memory_space<vmem>>, vector<800x64xf32>
    %add3A_8 = arith.addf %add3A, %get3A_7 : vector<800x64xf32>
    %max3A = arith.constant 0.000000e+00 : f32
    %max3A_9 = vector.broadcast %max3A : f32 to vector<800x64xf32>
    %max3A_10 = arith.maximumf %add3A_8, %max3A_9 : vector<800x64xf32>
    %get3A_11 = arith.constant 0 : index
    %get3A_12 = arith.constant 0 : index
    %get3A_13 = vector.load %arg4[%get3A_11, %get3A_12] : memref<64x64xf32, #tpu.memory_space<vmem>>, vector<64x64xf32>
    %dot_general3A = arith.constant dense<0.000000e+00> : vector<800x64xf32>
    %dot_general3A_14 = tpu.matmul %max3A_10, %get3A_13, %dot_general3A {dimension_numbers = #tpu.dot_dimension_numbers<[1], [0], [0], [1], [0, 0, 1, 1], [], []>, transpose_lhs_hint = false} : vector<800x64xf32>, vector<64x64xf32>, vector<800x64xf32> -> vector<800x64xf32>
    %get3A_15 = arith.constant 0 : index
    %get3A_16 = arith.constant 0 : index
    %get3A_17 = vector.load %arg5[%get3A_15, %get3A_16] : memref<1x64xf32, #tpu.memory_space<vmem>>, vector<1x64xf32>
    %add3A_18 = vector.broadcast %get3A_17 : vector<1x64xf32> to vector<800x64xf32>
    %add3A_19 = arith.addf %dot_general3A_14, %add3A_18 : vector<800x64xf32>
    %max3A_20 = arith.constant 0.000000e+00 : f32
    %max3A_21 = vector.broadcast %max3A_20 : f32 to vector<800x64xf32>
    %max3A_22 = arith.maximumf %add3A_19, %max3A_21 : vector<800x64xf32>
    %get3A_23 = arith.constant 0 : index
    %get3A_24 = arith.constant 0 : index
    %get3A_25 = vector.load %arg6[%get3A_23, %get3A_24] : memref<64x64xf32, #tpu.memory_space<vmem>>, vector<64x64xf32>
    %dot_general3A_26 = arith.constant dense<0.000000e+00> : vector<64x800xf32>
    %dot_general3A_27 = tpu.matmul %get3A_25, %max3A_22, %dot_general3A_26 {dimension_numbers = #tpu.dot_dimension_numbers<[1], [1], [0], [0], [0, 0, 1, 0], [], []>, transpose_lhs_hint = false} : vector<64x64xf32>, vector<800x64xf32>, vector<64x800xf32> -> vector<64x800xf32>
    %get3A_28 = arith.constant 0 : index
    %get3A_29 = arith.constant 0 : index
    %get3A_30 = vector.load %arg7[%get3A_28, %get3A_29] : memref<64x1xf32, #tpu.memory_space<vmem>>, vector<64x1xf32>
    %add3A_31 = vector.broadcast %get3A_30 : vector<64x1xf32> to vector<64x800xf32>
    %add3A_32 = arith.addf %dot_general3A_27, %add3A_31 : vector<64x800xf32>
    %swap3A = arith.constant 0 : index
    %swap3A_33 = arith.constant 0 : index
    %swap3A_34 = arith.constant 0 : index
    %swap3A_35 = vector.load %arg8[%swap3A, %swap3A_33, %swap3A_34] : memref<64x8x800xf32, #tpu.memory_space<vmem>>, vector<64x1x800xf32>
    %swap3A_36 = vector.shape_cast %swap3A_35 : vector<64x1x800xf32> to vector<64x800xf32>
    %swap3A_37 = vector.shape_cast %add3A_32 : vector<64x800xf32> to vector<64x1x800xf32>
    tpu.vector_store %arg8[%swap3A, %swap3A_33, %swap3A_34], %swap3A_37 {strides = array<i32>} : memref<64x8x800xf32, #tpu.memory_space<vmem>>, vector<64x1x800xf32>,
    %get3A_38 = arith.constant 800 : index
    %get3A_39 = arith.constant 0 : index
    %get3A_40 = vector.load %arg1[%get3A_38, %get3A_39] : memref<6400x128xf32, #tpu.memory_space<vmem>>, vector<800x64xf32>
    %get3A_41 = arith.constant 800 : index
    %get3A_42 = arith.constant 64 : index
    %get3A_43 = vector.load %arg2[%get3A_41, %get3A_42] : memref<6400x128xf32, #tpu.memory_space<vmem>>, vector<800x64xf32>
    %add3A_44 = arith.addf %get3A_40, %get3A_43 : vector<800x64xf32>
    %get3A_45 = arith.constant 800 : index
    %get3A_46 = arith.constant 0 : index
    %get3A_47 = vector.load %arg3[%get3A_45, %get3A_46] : memref<6400x64xf32, #tpu.memory_space<vmem>>, vector<800x64xf32>
    %add3A_48 = arith.addf %add3A_44, %get3A_47 : vector<800x64xf32>
    %max3A_49 = arith.constant 0.000000e+00 : f32
    %max3A_50 = vector.broadcast %max3A_49 : f32 to vector<800x64xf32>
    %max3A_51 = arith.maximumf %add3A_48, %max3A_50 : vector<800x64xf32>
    %get3A_52 = arith.constant 0 : index
    %get3A_53 = arith.constant 0 : index
    %get3A_54 = vector.load %arg4[%get3A_52, %get3A_53] : memref<64x64xf32, #tpu.memory_space<vmem>>, vector<64x64xf32>
    %dot_general3A_55 = arith.constant dense<0.000000e+00> : vector<800x64xf32>
    %dot_general3A_56 = tpu.matmul %max3A_51, %get3A_54, %dot_general3A_55 {dimension_numbers = #tpu.dot_dimension_numbers<[1], [0], [0], [1], [0, 0, 1, 1], [], []>, transpose_lhs_hint = false} : vector<800x64xf32>, vector<64x64xf32>, vector<800x64xf32> -> vector<800x64xf32>
    %get3A_57 = arith.constant 0 : index
    %get3A_58 = arith.constant 0 : index
    %get3A_59 = vector.load %arg5[%get3A_57, %get3A_58] : memref<1x64xf32, #tpu.memory_space<vmem>>, vector<1x64xf32>
    %add3A_60 = vector.broadcast %get3A_59 : vector<1x64xf32> to vector<800x64xf32>
    %add3A_61 = arith.addf %dot_general3A_56, %add3A_60 : vector<800x64xf32>
    %max3A_62 = arith.constant 0.000000e+00 : f32
    %max3A_63 = vector.broadcast %max3A_62 : f32 to vector<800x64xf32>
    %max3A_64 = arith.maximumf %add3A_61, %max3A_63 : vector<800x64xf32>
    %get3A_65 = arith.constant 0 : index
    %get3A_66 = arith.constant 0 : index
    %get3A_67 = vector.load %arg6[%get3A_65, %get3A_66] : memref<64x64xf32, #tpu.memory_space<vmem>>, vector<64x64xf32>
    %dot_general3A_68 = arith.constant dense<0.000000e+00> : vector<64x800xf32>
    %dot_general3A_69 = tpu.matmul %get3A_67, %max3A_64, %dot_general3A_68 {dimension_numbers = #tpu.dot_dimension_numbers<[1], [1], [0], [0], [0, 0, 1, 0], [], []>, transpose_lhs_hint = false} : vector<64x64xf32>, vector<800x64xf32>, vector<64x800xf32> -> vector<64x800xf32>
    %get3A_70 = arith.constant 0 : index
    %get3A_71 = arith.constant 0 : index
    %get3A_72 = vector.load %arg7[%get3A_70, %get3A_71] : memref<64x1xf32, #tpu.memory_space<vmem>>, vector<64x1xf32>
    %add3A_73 = vector.broadcast %get3A_72 : vector<64x1xf32> to vector<64x800xf32>
    %add3A_74 = arith.addf %dot_general3A_69, %add3A_73 : vector<64x800xf32>
    %swap3A_75 = arith.constant 0 : index
    %swap3A_76 = arith.constant 1 : index
    %swap3A_77 = arith.constant 0 : index
    %swap3A_78 = vector.load %arg8[%swap3A_75, %swap3A_76, %swap3A_77] : memref<64x8x800xf32, #tpu.memory_space<vmem>>, vector<64x1x800xf32>
    %swap3A_79 = vector.shape_cast %swap3A_78 : vector<64x1x800xf32> to vector<64x800xf32>
    %swap3A_80 = vector.shape_cast %add3A_74 : vector<64x800xf32> to vector<64x1x800xf32>
    tpu.vector_store %arg8[%swap3A_75, %swap3A_76, %swap3A_77], %swap3A_80 {strides = array<i32>} : memref<64x8x800xf32, #tpu.memory_space<vmem>>, vector<64x1x800xf32>,
    %get3A_81 = arith.constant 1600 : index
    %get3A_82 = arith.constant 0 : index
    %get3A_83 = vector.load %arg1[%get3A_81, %get3A_82] : memref<6400x128xf32, #tpu.memory_space<vmem>>, vector<800x64xf32>
    %get3A_84 = arith.constant 1600 : index
    %get3A_85 = arith.constant 64 : index
    %get3A_86 = vector.load %arg2[%get3A_84, %get3A_85] : memref<6400x128xf32, #tpu.memory_space<vmem>>, vector<800x64xf32>
    %add3A_87 = arith.addf %get3A_83, %get3A_86 : vector<800x64xf32>
    %get3A_88 = arith.constant 1600 : index
    %get3A_89 = arith.constant 0 : index
    %get3A_90 = vector.load %arg3[%get3A_88, %get3A_89] : memref<6400x64xf32, #tpu.memory_space<vmem>>, vector<800x64xf32>
    %add3A_91 = arith.addf %add3A_87, %get3A_90 : vector<800x64xf32>
    %max3A_92 = arith.constant 0.000000e+00 : f32
    %max3A_93 = vector.broadcast %max3A_92 : f32 to vector<800x64xf32>
    %max3A_94 = arith.maximumf %add3A_91, %max3A_93 : vector<800x64xf32>
    %get3A_95 = arith.constant 0 : index
    %get3A_96 = arith.constant 0 : index
    %get3A_97 = vector.load %arg4[%get3A_95, %get3A_96] : memref<64x64xf32, #tpu.memory_space<vmem>>, vector<64x64xf32>
    %dot_general3A_98 = arith.constant dense<0.000000e+00> : vector<800x64xf32>
    %dot_general3A_99 = tpu.matmul %max3A_94, %get3A_97, %dot_general3A_98 {dimension_numbers = #tpu.dot_dimension_numbers<[1], [0], [0], [1], [0, 0, 1, 1], [], []>, transpose_lhs_hint = false} : vector<800x64xf32>, vector<64x64xf32>, vector<800x64xf32> -> vector<800x64xf32>
    %get3A_100 = arith.constant 0 : index
    %get3A_101 = arith.constant 0 : index
    %get3A_102 = vector.load %arg5[%get3A_100, %get3A_101] : memref<1x64xf32, #tpu.memory_space<vmem>>, vector<1x64xf32>
    %add3A_103 = vector.broadcast %get3A_102 : vector<1x64xf32> to vector<800x64xf32>
    %add3A_104 = arith.addf %dot_general3A_99, %add3A_103 : vector<800x64xf32>
    %max3A_105 = arith.constant 0.000000e+00 : f32
    %max3A_106 = vector.broadcast %max3A_105 : f32 to vector<800x64xf32>
    %max3A_107 = arith.maximumf %add3A_104, %max3A_106 : vector<800x64xf32>
    %get3A_108 = arith.constant 0 : index
    %get3A_109 = arith.constant 0 : index
    %get3A_110 = vector.load %arg6[%get3A_108, %get3A_109] : memref<64x64xf32, #tpu.memory_space<vmem>>, vector<64x64xf32>
    %dot_general3A_111 = arith.constant dense<0.000000e+00> : vector<64x800xf32>
    %dot_general3A_112 = tpu.matmul %get3A_110, %max3A_107, %dot_general3A_111 {dimension_numbers = #tpu.dot_dimension_numbers<[1], [1], [0], [0], [0, 0, 1, 0], [], []>, transpose_lhs_hint = false} : vector<64x64xf32>, vector<800x64xf32>, vector<64x800xf32> -> vector<64x800xf32>
    %get3A_113 = arith.constant 0 : index
    %get3A_114 = arith.constant 0 : index
    %get3A_115 = vector.load %arg7[%get3A_113, %get3A_114] : memref<64x1xf32, #tpu.memory_space<vmem>>, vector<64x1xf32>
    %add3A_116 = vector.broadcast %get3A_115 : vector<64x1xf32> to vector<64x800xf32>
    %add3A_117 = arith.addf %dot_general3A_112, %add3A_116 : vector<64x800xf32>
    %swap3A_118 = arith.constant 0 : index
    %swap3A_119 = arith.constant 2 : index
    %swap3A_120 = arith.constant 0 : index
    %swap3A_121 = vector.load %arg8[%swap3A_118, %swap3A_119, %swap3A_120] : memref<64x8x800xf32, #tpu.memory_space<vmem>>, vector<64x1x800xf32>
    %swap3A_122 = vector.shape_cast %swap3A_121 : vector<64x1x800xf32> to vector<64x800xf32>
    %swap3A_123 = vector.shape_cast %add3A_117 : vector<64x800xf32> to vector<64x1x800xf32>
    tpu.vector_store %arg8[%swap3A_118, %swap3A_119, %swap3A_120], %swap3A_123 {strides = array<i32>} : memref<64x8x800xf32, #tpu.memory_space<vmem>>, vector<64x1x800xf32>,
    %get3A_124 = arith.constant 2400 : index
    %get3A_125 = arith.constant 0 : index
    %get3A_126 = vector.load %arg1[%get3A_124, %get3A_125] : memref<6400x128xf32, #tpu.memory_space<vmem>>, vector<800x64xf32>
    %get3A_127 = arith.constant 2400 : index
    %get3A_128 = arith.constant 64 : index
    %get3A_129 = vector.load %arg2[%get3A_127, %get3A_128] : memref<6400x128xf32, #tpu.memory_space<vmem>>, vector<800x64xf32>
    %add3A_130 = arith.addf %get3A_126, %get3A_129 : vector<800x64xf32>
    %get3A_131 = arith.constant 2400 : index
    %get3A_132 = arith.constant 0 : index
    %get3A_133 = vector.load %arg3[%get3A_131, %get3A_132] : memref<6400x64xf32, #tpu.memory_space<vmem>>, vector<800x64xf32>
    %add3A_134 = arith.addf %add3A_130, %get3A_133 : vector<800x64xf32>
    %max3A_135 = arith.constant 0.000000e+00 : f32
    %max3A_136 = vector.broadcast %max3A_135 : f32 to vector<800x64xf32>
    %max3A_137 = arith.maximumf %add3A_134, %max3A_136 : vector<800x64xf32>
    %get3A_138 = arith.constant 0 : index
    %get3A_139 = arith.constant 0 : index
    %get3A_140 = vector.load %arg4[%get3A_138, %get3A_139] : memref<64x64xf32, #tpu.memory_space<vmem>>, vector<64x64xf32>
    %dot_general3A_141 = arith.constant dense<0.000000e+00> : vector<800x64xf32>
    %dot_general3A_142 = tpu.matmul %max3A_137, %get3A_140, %dot_general3A_141 {dimension_numbers = #tpu.dot_dimension_numbers<[1], [0], [0], [1], [0, 0, 1, 1], [], []>, transpose_lhs_hint = false} : vector<800x64xf32>, vector<64x64xf32>, vector<800x64xf32> -> vector<800x64xf32>
    %get3A_143 = arith.constant 0 : index
    %get3A_144 = arith.constant 0 : index
    %get3A_145 = vector.load %arg5[%get3A_143, %get3A_144] : memref<1x64xf32, #tpu.memory_space<vmem>>, vector<1x64xf32>
    %add3A_146 = vector.broadcast %get3A_145 : vector<1x64xf32> to vector<800x64xf32>
    %add3A_147 = arith.addf %dot_general3A_142, %add3A_146 : vector<800x64xf32>
    %max3A_148 = arith.constant 0.000000e+00 : f32
    %max3A_149 = vector.broadcast %max3A_148 : f32 to vector<800x64xf32>
    %max3A_150 = arith.maximumf %add3A_147, %max3A_149 : vector<800x64xf32>
    %get3A_151 = arith.constant 0 : index
    %get3A_152 = arith.constant 0 : index
    %get3A_153 = vector.load %arg6[%get3A_151, %get3A_152] : memref<64x64xf32, #tpu.memory_space<vmem>>, vector<64x64xf32>
    %dot_general3A_154 = arith.constant dense<0.000000e+00> : vector<64x800xf32>
    %dot_general3A_155 = tpu.matmul %get3A_153, %max3A_150, %dot_general3A_154 {dimension_numbers = #tpu.dot_dimension_numbers<[1], [1], [0], [0], [0, 0, 1, 0], [], []>, transpose_lhs_hint = false} : vector<64x64xf32>, vector<800x64xf32>, vector<64x800xf32> -> vector<64x800xf32>
    %get3A_156 = arith.constant 0 : index
    %get3A_157 = arith.constant 0 : index
    %get3A_158 = vector.load %arg7[%get3A_156, %get3A_157] : memref<64x1xf32, #tpu.memory_space<vmem>>, vector<64x1xf32>
    %add3A_159 = vector.broadcast %get3A_158 : vector<64x1xf32> to vector<64x800xf32>
    %add3A_160 = arith.addf %dot_general3A_155, %add3A_159 : vector<64x800xf32>
    %swap3A_161 = arith.constant 0 : index
    %swap3A_162 = arith.constant 3 : index
    %swap3A_163 = arith.constant 0 : index
    %swap3A_164 = vector.load %arg8[%swap3A_161, %swap3A_162, %swap3A_163] : memref<64x8x800xf32, #tpu.memory_space<vmem>>, vector<64x1x800xf32>
    %swap3A_165 = vector.shape_cast %swap3A_164 : vector<64x1x800xf32> to vector<64x800xf32>
    %swap3A_166 = vector.shape_cast %add3A_160 : vector<64x800xf32> to vector<64x1x800xf32>
    tpu.vector_store %arg8[%swap3A_161, %swap3A_162, %swap3A_163], %swap3A_166 {strides = array<i32>} : memref<64x8x800xf32, #tpu.memory_space<vmem>>, vector<64x1x800xf32>,
    %get3A_167 = arith.constant 3200 : index
    %get3A_168 = arith.constant 0 : index
    %get3A_169 = vector.load %arg1[%get3A_167, %get3A_168] : memref<6400x128xf32, #tpu.memory_space<vmem>>, vector<800x64xf32>
    %get3A_170 = arith.constant 3200 : index
    %get3A_171 = arith.constant 64 : index
    %get3A_172 = vector.load %arg2[%get3A_170, %get3A_171] : memref<6400x128xf32, #tpu.memory_space<vmem>>, vector<800x64xf32>
    %add3A_173 = arith.addf %get3A_169, %get3A_172 : vector<800x64xf32>
    %get3A_174 = arith.constant 3200 : index
    %get3A_175 = arith.constant 0 : index
    %get3A_176 = vector.load %arg3[%get3A_174, %get3A_175] : memref<6400x64xf32, #tpu.memory_space<vmem>>, vector<800x64xf32>
    %add3A_177 = arith.addf %add3A_173, %get3A_176 : vector<800x64xf32>
    %max3A_178 = arith.constant 0.000000e+00 : f32
    %max3A_179 = vector.broadcast %max3A_178 : f32 to vector<800x64xf32>
    %max3A_180 = arith.maximumf %add3A_177, %max3A_179 : vector<800x64xf32>
    %get3A_181 = arith.constant 0 : index
    %get3A_182 = arith.constant 0 : index
    %get3A_183 = vector.load %arg4[%get3A_181, %get3A_182] : memref<64x64xf32, #tpu.memory_space<vmem>>, vector<64x64xf32>
    %dot_general3A_184 = arith.constant dense<0.000000e+00> : vector<800x64xf32>
    %dot_general3A_185 = tpu.matmul %max3A_180, %get3A_183, %dot_general3A_184 {dimension_numbers = #tpu.dot_dimension_numbers<[1], [0], [0], [1], [0, 0, 1, 1], [], []>, transpose_lhs_hint = false} : vector<800x64xf32>, vector<64x64xf32>, vector<800x64xf32> -> vector<800x64xf32>
    %get3A_186 = arith.constant 0 : index
    %get3A_187 = arith.constant 0 : index
    %get3A_188 = vector.load %arg5[%get3A_186, %get3A_187] : memref<1x64xf32, #tpu.memory_space<vmem>>, vector<1x64xf32>
    %add3A_189 = vector.broadcast %get3A_188 : vector<1x64xf32> to vector<800x64xf32>
    %add3A_190 = arith.addf %dot_general3A_185, %add3A_189 : vector<800x64xf32>
    %max3A_191 = arith.constant 0.000000e+00 : f32
    %max3A_192 = vector.broadcast %max3A_191 : f32 to vector<800x64xf32>
    %max3A_193 = arith.maximumf %add3A_190, %max3A_192 : vector<800x64xf32>
    %get3A_194 = arith.constant 0 : index
    %get3A_195 = arith.constant 0 : index
    %get3A_196 = vector.load %arg6[%get3A_194, %get3A_195] : memref<64x64xf32, #tpu.memory_space<vmem>>, vector<64x64xf32>
    %dot_general3A_197 = arith.constant dense<0.000000e+00> : vector<64x800xf32>
    %dot_general3A_198 = tpu.matmul %get3A_196, %max3A_193, %dot_general3A_197 {dimension_numbers = #tpu.dot_dimension_numbers<[1], [1], [0], [0], [0, 0, 1, 0], [], []>, transpose_lhs_hint = false} : vector<64x64xf32>, vector<800x64xf32>, vector<64x800xf32> -> vector<64x800xf32>
    %get3A_199 = arith.constant 0 : index
    %get3A_200 = arith.constant 0 : index
    %get3A_201 = vector.load %arg7[%get3A_199, %get3A_200] : memref<64x1xf32, #tpu.memory_space<vmem>>, vector<64x1xf32>
    %add3A_202 = vector.broadcast %get3A_201 : vector<64x1xf32> to vector<64x800xf32>
    %add3A_203 = arith.addf %dot_general3A_198, %add3A_202 : vector<64x800xf32>
    %swap3A_204 = arith.constant 0 : index
    %swap3A_205 = arith.constant 4 : index
    %swap3A_206 = arith.constant 0 : index
    %swap3A_207 = vector.load %arg8[%swap3A_204, %swap3A_205, %swap3A_206] : memref<64x8x800xf32, #tpu.memory_space<vmem>>, vector<64x1x800xf32>
    %swap3A_208 = vector.shape_cast %swap3A_207 : vector<64x1x800xf32> to vector<64x800xf32>
    %swap3A_209 = vector.shape_cast %add3A_203 : vector<64x800xf32> to vector<64x1x800xf32>
    tpu.vector_store %arg8[%swap3A_204, %swap3A_205, %swap3A_206], %swap3A_209 {strides = array<i32>} : memref<64x8x800xf32, #tpu.memory_space<vmem>>, vector<64x1x800xf32>,
    %get3A_210 = arith.constant 4000 : index
    %get3A_211 = arith.constant 0 : index
    %get3A_212 = vector.load %arg1[%get3A_210, %get3A_211] : memref<6400x128xf32, #tpu.memory_space<vmem>>, vector<800x64xf32>
    %get3A_213 = arith.constant 4000 : index
    %get3A_214 = arith.constant 64 : index
    %get3A_215 = vector.load %arg2[%get3A_213, %get3A_214] : memref<6400x128xf32, #tpu.memory_space<vmem>>, vector<800x64xf32>
    %add3A_216 = arith.addf %get3A_212, %get3A_215 : vector<800x64xf32>
    %get3A_217 = arith.constant 4000 : index
    %get3A_218 = arith.constant 0 : index
    %get3A_219 = vector.load %arg3[%get3A_217, %get3A_218] : memref<6400x64xf32, #tpu.memory_space<vmem>>, vector<800x64xf32>
    %add3A_220 = arith.addf %add3A_216, %get3A_219 : vector<800x64xf32>
    %max3A_221 = arith.constant 0.000000e+00 : f32
    %max3A_222 = vector.broadcast %max3A_221 : f32 to vector<800x64xf32>
    %max3A_223 = arith.maximumf %add3A_220, %max3A_222 : vector<800x64xf32>
    %get3A_224 = arith.constant 0 : index
    %get3A_225 = arith.constant 0 : index
    %get3A_226 = vector.load %arg4[%get3A_224, %get3A_225] : memref<64x64xf32, #tpu.memory_space<vmem>>, vector<64x64xf32>
    %dot_general3A_227 = arith.constant dense<0.000000e+00> : vector<800x64xf32>
    %dot_general3A_228 = tpu.matmul %max3A_223, %get3A_226, %dot_general3A_227 {dimension_numbers = #tpu.dot_dimension_numbers<[1], [0], [0], [1], [0, 0, 1, 1], [], []>, transpose_lhs_hint = false} : vector<800x64xf32>, vector<64x64xf32>, vector<800x64xf32> -> vector<800x64xf32>
    %get3A_229 = arith.constant 0 : index
    %get3A_230 = arith.constant 0 : index
    %get3A_231 = vector.load %arg5[%get3A_229, %get3A_230] : memref<1x64xf32, #tpu.memory_space<vmem>>, vector<1x64xf32>
    %add3A_232 = vector.broadcast %get3A_231 : vector<1x64xf32> to vector<800x64xf32>
    %add3A_233 = arith.addf %dot_general3A_228, %add3A_232 : vector<800x64xf32>
    %max3A_234 = arith.constant 0.000000e+00 : f32
    %max3A_235 = vector.broadcast %max3A_234 : f32 to vector<800x64xf32>
    %max3A_236 = arith.maximumf %add3A_233, %max3A_235 : vector<800x64xf32>
    %get3A_237 = arith.constant 0 : index
    %get3A_238 = arith.constant 0 : index
    %get3A_239 = vector.load %arg6[%get3A_237, %get3A_238] : memref<64x64xf32, #tpu.memory_space<vmem>>, vector<64x64xf32>
    %dot_general3A_240 = arith.constant dense<0.000000e+00> : vector<64x800xf32>
    %dot_general3A_241 = tpu.matmul %get3A_239, %max3A_236, %dot_general3A_240 {dimension_numbers = #tpu.dot_dimension_numbers<[1], [1], [0], [0], [0, 0, 1, 0], [], []>, transpose_lhs_hint = false} : vector<64x64xf32>, vector<800x64xf32>, vector<64x800xf32> -> vector<64x800xf32>
    %get3A_242 = arith.constant 0 : index
    %get3A_243 = arith.constant 0 : index
    %get3A_244 = vector.load %arg7[%get3A_242, %get3A_243] : memref<64x1xf32, #tpu.memory_space<vmem>>, vector<64x1xf32>
    %add3A_245 = vector.broadcast %get3A_244 : vector<64x1xf32> to vector<64x800xf32>
    %add3A_246 = arith.addf %dot_general3A_241, %add3A_245 : vector<64x800xf32>
    %swap3A_247 = arith.constant 0 : index
    %swap3A_248 = arith.constant 5 : index
    %swap3A_249 = arith.constant 0 : index
    %swap3A_250 = vector.load %arg8[%swap3A_247, %swap3A_248, %swap3A_249] : memref<64x8x800xf32, #tpu.memory_space<vmem>>, vector<64x1x800xf32>
    %swap3A_251 = vector.shape_cast %swap3A_250 : vector<64x1x800xf32> to vector<64x800xf32>
    %swap3A_252 = vector.shape_cast %add3A_246 : vector<64x800xf32> to vector<64x1x800xf32>
    tpu.vector_store %arg8[%swap3A_247, %swap3A_248, %swap3A_249], %swap3A_252 {strides = array<i32>} : memref<64x8x800xf32, #tpu.memory_space<vmem>>, vector<64x1x800xf32>,
    %get3A_253 = arith.constant 4800 : index
    %get3A_254 = arith.constant 0 : index
    %get3A_255 = vector.load %arg1[%get3A_253, %get3A_254] : memref<6400x128xf32, #tpu.memory_space<vmem>>, vector<800x64xf32>
    %get3A_256 = arith.constant 4800 : index
    %get3A_257 = arith.constant 64 : index
    %get3A_258 = vector.load %arg2[%get3A_256, %get3A_257] : memref<6400x128xf32, #tpu.memory_space<vmem>>, vector<800x64xf32>
    %add3A_259 = arith.addf %get3A_255, %get3A_258 : vector<800x64xf32>
    %get3A_260 = arith.constant 4800 : index
    %get3A_261 = arith.constant 0 : index
    %get3A_262 = vector.load %arg3[%get3A_260, %get3A_261] : memref<6400x64xf32, #tpu.memory_space<vmem>>, vector<800x64xf32>
    %add3A_263 = arith.addf %add3A_259, %get3A_262 : vector<800x64xf32>
    %max3A_264 = arith.constant 0.000000e+00 : f32
    %max3A_265 = vector.broadcast %max3A_264 : f32 to vector<800x64xf32>
    %max3A_266 = arith.maximumf %add3A_263, %max3A_265 : vector<800x64xf32>
    %get3A_267 = arith.constant 0 : index
    %get3A_268 = arith.constant 0 : index
    %get3A_269 = vector.load %arg4[%get3A_267, %get3A_268] : memref<64x64xf32, #tpu.memory_space<vmem>>, vector<64x64xf32>
    %dot_general3A_270 = arith.constant dense<0.000000e+00> : vector<800x64xf32>
    %dot_general3A_271 = tpu.matmul %max3A_266, %get3A_269, %dot_general3A_270 {dimension_numbers = #tpu.dot_dimension_numbers<[1], [0], [0], [1], [0, 0, 1, 1], [], []>, transpose_lhs_hint = false} : vector<800x64xf32>, vector<64x64xf32>, vector<800x64xf32> -> vector<800x64xf32>
    %get3A_272 = arith.constant 0 : index
    %get3A_273 = arith.constant 0 : index
    %get3A_274 = vector.load %arg5[%get3A_272, %get3A_273] : memref<1x64xf32, #tpu.memory_space<vmem>>, vector<1x64xf32>
    %add3A_275 = vector.broadcast %get3A_274 : vector<1x64xf32> to vector<800x64xf32>
    %add3A_276 = arith.addf %dot_general3A_271, %add3A_275 : vector<800x64xf32>
    %max3A_277 = arith.constant 0.000000e+00 : f32
    %max3A_278 = vector.broadcast %max3A_277 : f32 to vector<800x64xf32>
    %max3A_279 = arith.maximumf %add3A_276, %max3A_278 : vector<800x64xf32>
    %get3A_280 = arith.constant 0 : index
    %get3A_281 = arith.constant 0 : index
    %get3A_282 = vector.load %arg6[%get3A_280, %get3A_281] : memref<64x64xf32, #tpu.memory_space<vmem>>, vector<64x64xf32>
    %dot_general3A_283 = arith.constant dense<0.000000e+00> : vector<64x800xf32>
    %dot_general3A_284 = tpu.matmul %get3A_282, %max3A_279, %dot_general3A_283 {dimension_numbers = #tpu.dot_dimension_numbers<[1], [1], [0], [0], [0, 0, 1, 0], [], []>, transpose_lhs_hint = false} : vector<64x64xf32>, vector<800x64xf32>, vector<64x800xf32> -> vector<64x800xf32>
    %get3A_285 = arith.constant 0 : index
    %get3A_286 = arith.constant 0 : index
    %get3A_287 = vector.load %arg7[%get3A_285, %get3A_286] : memref<64x1xf32, #tpu.memory_space<vmem>>, vector<64x1xf32>
    %add3A_288 = vector.broadcast %get3A_287 : vector<64x1xf32> to vector<64x800xf32>
    %add3A_289 = arith.addf %dot_general3A_284, %add3A_288 : vector<64x800xf32>
    %swap3A_290 = arith.constant 0 : index
    %swap3A_291 = arith.constant 6 : index
    %swap3A_292 = arith.constant 0 : index
    %swap3A_293 = vector.load %arg8[%swap3A_290, %swap3A_291, %swap3A_292] : memref<64x8x800xf32, #tpu.memory_space<vmem>>, vector<64x1x800xf32>
    %swap3A_294 = vector.shape_cast %swap3A_293 : vector<64x1x800xf32> to vector<64x800xf32>
    %swap3A_295 = vector.shape_cast %add3A_289 : vector<64x800xf32> to vector<64x1x800xf32>
    tpu.vector_store %arg8[%swap3A_290, %swap3A_291, %swap3A_292], %swap3A_295 {strides = array<i32>} : memref<64x8x800xf32, #tpu.memory_space<vmem>>, vector<64x1x800xf32>,
    %get3A_296 = arith.constant 5600 : index
    %get3A_297 = arith.constant 0 : index
    %get3A_298 = vector.load %arg1[%get3A_296, %get3A_297] : memref<6400x128xf32, #tpu.memory_space<vmem>>, vector<800x64xf32>
    %get3A_299 = arith.constant 5600 : index
    %get3A_300 = arith.constant 64 : index
    %get3A_301 = vector.load %arg2[%get3A_299, %get3A_300] : memref<6400x128xf32, #tpu.memory_space<vmem>>, vector<800x64xf32>
    %add3A_302 = arith.addf %get3A_298, %get3A_301 : vector<800x64xf32>
    %get3A_303 = arith.constant 5600 : index
    %get3A_304 = arith.constant 0 : index
    %get3A_305 = vector.load %arg3[%get3A_303, %get3A_304] : memref<6400x64xf32, #tpu.memory_space<vmem>>, vector<800x64xf32>
    %add3A_306 = arith.addf %add3A_302, %get3A_305 : vector<800x64xf32>
    %max3A_307 = arith.constant 0.000000e+00 : f32
    %max3A_308 = vector.broadcast %max3A_307 : f32 to vector<800x64xf32>
    %max3A_309 = arith.maximumf %add3A_306, %max3A_308 : vector<800x64xf32>
    %get3A_310 = arith.constant 0 : index
    %get3A_311 = arith.constant 0 : index
    %get3A_312 = vector.load %arg4[%get3A_310, %get3A_311] : memref<64x64xf32, #tpu.memory_space<vmem>>, vector<64x64xf32>
    %dot_general3A_313 = arith.constant dense<0.000000e+00> : vector<800x64xf32>
    %dot_general3A_314 = tpu.matmul %max3A_309, %get3A_312, %dot_general3A_313 {dimension_numbers = #tpu.dot_dimension_numbers<[1], [0], [0], [1], [0, 0, 1, 1], [], []>, transpose_lhs_hint = false} : vector<800x64xf32>, vector<64x64xf32>, vector<800x64xf32> -> vector<800x64xf32>
    %get3A_315 = arith.constant 0 : index
    %get3A_316 = arith.constant 0 : index
    %get3A_317 = vector.load %arg5[%get3A_315, %get3A_316] : memref<1x64xf32, #tpu.memory_space<vmem>>, vector<1x64xf32>
    %add3A_318 = vector.broadcast %get3A_317 : vector<1x64xf32> to vector<800x64xf32>
    %add3A_319 = arith.addf %dot_general3A_314, %add3A_318 : vector<800x64xf32>
    %max3A_320 = arith.constant 0.000000e+00 : f32
    %max3A_321 = vector.broadcast %max3A_320 : f32 to vector<800x64xf32>
    %max3A_322 = arith.maximumf %add3A_319, %max3A_321 : vector<800x64xf32>
    %get3A_323 = arith.constant 0 : index
    %get3A_324 = arith.constant 0 : index
    %get3A_325 = vector.load %arg6[%get3A_323, %get3A_324] : memref<64x64xf32, #tpu.memory_space<vmem>>, vector<64x64xf32>
    %dot_general3A_326 = arith.constant dense<0.000000e+00> : vector<64x800xf32>
    %dot_general3A_327 = tpu.matmul %get3A_325, %max3A_322, %dot_general3A_326 {dimension_numbers = #tpu.dot_dimension_numbers<[1], [1], [0], [0], [0, 0, 1, 0], [], []>, transpose_lhs_hint = false} : vector<64x64xf32>, vector<800x64xf32>, vector<64x800xf32> -> vector<64x800xf32>
    %get3A_328 = arith.constant 0 : index
    %get3A_329 = arith.constant 0 : index
    %get3A_330 = vector.load %arg7[%get3A_328, %get3A_329] : memref<64x1xf32, #tpu.memory_space<vmem>>, vector<64x1xf32>
    %add3A_331 = vector.broadcast %get3A_330 : vector<64x1xf32> to vector<64x800xf32>
    %add3A_332 = arith.addf %dot_general3A_327, %add3A_331 : vector<64x800xf32>
    %swap3A_333 = arith.constant 0 : index
    %swap3A_334 = arith.constant 7 : index
    %swap3A_335 = arith.constant 0 : index
    %swap3A_336 = vector.load %arg8[%swap3A_333, %swap3A_334, %swap3A_335] : memref<64x8x800xf32, #tpu.memory_space<vmem>>, vector<64x1x800xf32>
    %swap3A_337 = vector.shape_cast %swap3A_336 : vector<64x1x800xf32> to vector<64x800xf32>
    %swap3A_338 = vector.shape_cast %add3A_332 : vector<64x800xf32> to vector<64x1x800xf32>
    tpu.vector_store %arg8[%swap3A_333, %swap3A_334, %swap3A_335], %swap3A_338 {strides = array<i32>} : memref<64x8x800xf32, #tpu.memory_space<vmem>>, vector<64x1x800xf32>,
    return
  }
  func.func @transform_0(%arg0: i32) -> (i32, i32) {
    %c0_i32 = arith.constant 0 : i32
    %c0_i32_0 = arith.constant 0 : i32
    return %arg0, %c0_i32 : i32, i32
  }
  func.func @transform_1(%arg0: i32) -> (i32, i32) {
    %c0_i32 = arith.constant 0 : i32
    %c0_i32_0 = arith.constant 0 : i32
    return %arg0, %c0_i32 : i32, i32
  }
  func.func @transform_2(%arg0: i32) -> (i32, i32) {
    %c0_i32 = arith.constant 0 : i32
    %c0_i32_0 = arith.constant 0 : i32
    return %arg0, %c0_i32 : i32, i32
  }
  func.func @transform_3(%arg0: i32) -> (i32, i32) {
    %c0_i32 = arith.constant 0 : i32
    %c0_i32_0 = arith.constant 0 : i32
    %c0_i32_1 = arith.constant 0 : i32
    return %c0_i32, %c0_i32_0 : i32, i32
  }
  func.func @transform_4(%arg0: i32) -> (i32, i32) {
    %c0_i32 = arith.constant 0 : i32
    %c0_i32_0 = arith.constant 0 : i32
    %c0_i32_1 = arith.constant 0 : i32
    return %c0_i32, %c0_i32_0 : i32, i32
  }
  func.func @transform_5(%arg0: i32) -> (i32, i32) {
    %c0_i32 = arith.constant 0 : i32
    %c0_i32_0 = arith.constant 0 : i32
    %c0_i32_1 = arith.constant 0 : i32
    return %c0_i32, %c0_i32_0 : i32, i32
  }
  func.func @transform_6(%arg0: i32) -> (i32, i32) {
    %c0_i32 = arith.constant 0 : i32
    %c0_i32_0 = arith.constant 0 : i32
    %c0_i32_1 = arith.constant 0 : i32
    return %c0_i32, %c0_i32_0 : i32, i32
  }
  func.func @transform_7(%arg0: i32) -> (i32, i32, i32) {
    %c0_i32 = arith.constant 0 : i32
    %c0_i32_0 = arith.constant 0 : i32
    %c0_i32_1 = arith.constant 0 : i32
    return %c0_i32, %arg0, %c0_i32_0 : i32, i32, i32
  }
}

module attributes {stable_mosaic.version = 14 : i64} {
  func.func @body(%arg0: i32, %arg1: memref<32x2x512xf32, #tpu.memory_space<vmem>>, %arg2: memref<512x64xf32, #tpu.memory_space<vmem>>, %arg3: memref<32x64xf32, #tpu.memory_space<vmem>>, %arg4: memref<32x64xf32, #tpu.memory_space<vmem>>, %arg5: memref<1x64xf32, #tpu.memory_space<vmem>>, %arg6: memref<64x64xf32, #tpu.memory_space<vmem>>, %arg7: memref<1x64xf32, #tpu.memory_space<vmem>>, %arg8: memref<64x64xf32, #tpu.memory_space<vmem>>, %arg9: memref<1x64xf32, #tpu.memory_space<vmem>>, %arg10: memref<64x64xf32, #tpu.memory_space<vmem>>, %arg11: memref<64x64xf32, #tpu.memory_space<vmem>>, %arg12: memref<64x64xf32, #tpu.memory_space<vmem>>, %arg13: memref<512x64xf32, #tpu.memory_space<vmem>>, %arg14: memref<512x64xf32, #tpu.memory_space<vmem>>, %arg15: memref<512x64xf32, #tpu.memory_space<vmem>>) attributes {dimension_semantics = [#tpu.dimension_semantics<arbitrary>], iteration_bounds = array<i64: 20>, scalar_prefetch = 0 : i64, scratch_operands = 0 : i64, tpu.core_type = #tpu.core_type<tc>, window_params = [{transform_indices = @transform_0, window_bounds = array<i64: 32, 2, 512>}, {transform_indices = @transform_1, window_bounds = array<i64: 512, 64>}, {pipeline_mode = #tpu.pipeline_mode<synchronous>, transform_indices = @transform_2, window_bounds = array<i64: 32, 64>}, {pipeline_mode = #tpu.pipeline_mode<synchronous>, transform_indices = @transform_3, window_bounds = array<i64: 32, 64>}, {pipeline_mode = #tpu.pipeline_mode<synchronous>, transform_indices = @transform_4, window_bounds = array<i64: 1, 64>}, {pipeline_mode = #tpu.pipeline_mode<synchronous>, transform_indices = @transform_5, window_bounds = array<i64: 64, 64>}, {pipeline_mode = #tpu.pipeline_mode<synchronous>, transform_indices = @transform_6, window_bounds = array<i64: 1, 64>}, {pipeline_mode = #tpu.pipeline_mode<synchronous>, transform_indices = @transform_7, window_bounds = array<i64: 64, 64>}, {pipeline_mode = #tpu.pipeline_mode<synchronous>, transform_indices = @transform_8, window_bounds = array<i64: 1, 64>}, {pipeline_mode = #tpu.pipeline_mode<synchronous>, transform_indices = @transform_9, window_bounds = array<i64: 64, 64>}, {pipeline_mode = #tpu.pipeline_mode<synchronous>, transform_indices = @transform_10, window_bounds = array<i64: 64, 64>}, {pipeline_mode = #tpu.pipeline_mode<synchronous>, transform_indices = @transform_11, window_bounds = array<i64: 64, 64>}, {transform_indices = @transform_12, window_bounds = array<i64: 512, 64>}, {transform_indices = @transform_13, window_bounds = array<i64: 512, 64>}, {transform_indices = @transform_14, window_bounds = array<i64: 512, 64>}]} {
    %get3A = arith.constant 0 : index
    %get3A_0 = arith.constant 0 : index
    %get3A_1 = arith.constant 0 : index
    %get3A_2 = vector.load %arg1[%get3A, %get3A_0, %get3A_1] : memref<32x2x512xf32, #tpu.memory_space<vmem>>, vector<32x1x512xf32>
    %get3A_3 = vector.shape_cast %get3A_2 : vector<32x1x512xf32> to vector<32x512xf32>
    %get3A_4 = arith.constant 0 : index
    %get3A_5 = arith.constant 1 : index
    %get3A_6 = arith.constant 0 : index
    %get3A_7 = vector.load %arg1[%get3A_4, %get3A_5, %get3A_6] : memref<32x2x512xf32, #tpu.memory_space<vmem>>, vector<32x1x512xf32>
    %get3A_8 = vector.shape_cast %get3A_7 : vector<32x1x512xf32> to vector<32x512xf32>
    %get3A_9 = arith.constant 0 : index
    %get3A_10 = arith.constant 0 : index
    %get3A_11 = vector.load %arg3[%get3A_9, %get3A_10] : memref<32x64xf32, #tpu.memory_space<vmem>>, vector<32x64xf32>
    %dot_general3A = arith.constant dense<0.000000e+00> : vector<512x64xf32>
    %dot_general3A_12 = tpu.matmul %get3A_3, %get3A_11, %dot_general3A {dimension_numbers = #tpu.dot_dimension_numbers<[0], [0], [1], [1], [0, 1, 1, 1], [], []>, transpose_lhs_hint = false} : vector<32x512xf32>, vector<32x64xf32>, vector<512x64xf32> -> vector<512x64xf32>
    %get3A_13 = arith.constant 0 : index
    %get3A_14 = arith.constant 0 : index
    %get3A_15 = vector.load %arg4[%get3A_13, %get3A_14] : memref<32x64xf32, #tpu.memory_space<vmem>>, vector<32x64xf32>
    %dot_general3A_16 = arith.constant dense<0.000000e+00> : vector<512x64xf32>
    %dot_general3A_17 = tpu.matmul %get3A_8, %get3A_15, %dot_general3A_16 {dimension_numbers = #tpu.dot_dimension_numbers<[0], [0], [1], [1], [0, 1, 1, 1], [], []>, transpose_lhs_hint = false} : vector<32x512xf32>, vector<32x64xf32>, vector<512x64xf32> -> vector<512x64xf32>
    %add3A = arith.addf %dot_general3A_12, %dot_general3A_17 : vector<512x64xf32>
    %get3A_18 = arith.constant 0 : index
    %get3A_19 = arith.constant 0 : index
    %get3A_20 = vector.load %arg2[%get3A_18, %get3A_19] : memref<512x64xf32, #tpu.memory_space<vmem>>, vector<512x64xf32>
    %add3A_21 = arith.addf %add3A, %get3A_20 : vector<512x64xf32>
    %get3A_22 = arith.constant 0 : index
    %get3A_23 = arith.constant 0 : index
    %get3A_24 = vector.load %arg5[%get3A_22, %get3A_23] : memref<1x64xf32, #tpu.memory_space<vmem>>, vector<1x64xf32>
    %add3A_25 = vector.broadcast %get3A_24 : vector<1x64xf32> to vector<512x64xf32>
    %add3A_26 = arith.addf %add3A_21, %add3A_25 : vector<512x64xf32>
    %max3A = arith.constant 0.000000e+00 : f32
    %max3A_27 = vector.broadcast %max3A : f32 to vector<512x64xf32>
    %max3A_28 = arith.maximumf %add3A_26, %max3A_27 : vector<512x64xf32>
    %get3A_29 = arith.constant 0 : index
    %get3A_30 = arith.constant 0 : index
    %get3A_31 = vector.load %arg6[%get3A_29, %get3A_30] : memref<64x64xf32, #tpu.memory_space<vmem>>, vector<64x64xf32>
    %dot_general3A_32 = arith.constant dense<0.000000e+00> : vector<512x64xf32>
    %dot_general3A_33 = tpu.matmul %max3A_28, %get3A_31, %dot_general3A_32 {dimension_numbers = #tpu.dot_dimension_numbers<[1], [0], [0], [1], [0, 0, 1, 1], [], []>, transpose_lhs_hint = false} : vector<512x64xf32>, vector<64x64xf32>, vector<512x64xf32> -> vector<512x64xf32>
    %get3A_34 = arith.constant 0 : index
    %get3A_35 = arith.constant 0 : index
    %get3A_36 = vector.load %arg7[%get3A_34, %get3A_35] : memref<1x64xf32, #tpu.memory_space<vmem>>, vector<1x64xf32>
    %add3A_37 = vector.broadcast %get3A_36 : vector<1x64xf32> to vector<512x64xf32>
    %add3A_38 = arith.addf %dot_general3A_33, %add3A_37 : vector<512x64xf32>
    %max3A_39 = arith.constant 0.000000e+00 : f32
    %max3A_40 = vector.broadcast %max3A_39 : f32 to vector<512x64xf32>
    %max3A_41 = arith.maximumf %add3A_38, %max3A_40 : vector<512x64xf32>
    %get3A_42 = arith.constant 0 : index
    %get3A_43 = arith.constant 0 : index
    %get3A_44 = vector.load %arg8[%get3A_42, %get3A_43] : memref<64x64xf32, #tpu.memory_space<vmem>>, vector<64x64xf32>
    %dot_general3A_45 = arith.constant dense<0.000000e+00> : vector<512x64xf32>
    %dot_general3A_46 = tpu.matmul %max3A_41, %get3A_44, %dot_general3A_45 {dimension_numbers = #tpu.dot_dimension_numbers<[1], [0], [0], [1], [0, 0, 1, 1], [], []>, transpose_lhs_hint = false} : vector<512x64xf32>, vector<64x64xf32>, vector<512x64xf32> -> vector<512x64xf32>
    %get3A_47 = arith.constant 0 : index
    %get3A_48 = arith.constant 0 : index
    %get3A_49 = vector.load %arg9[%get3A_47, %get3A_48] : memref<1x64xf32, #tpu.memory_space<vmem>>, vector<1x64xf32>
    %add3A_50 = vector.broadcast %get3A_49 : vector<1x64xf32> to vector<512x64xf32>
    %add3A_51 = arith.addf %dot_general3A_46, %add3A_50 : vector<512x64xf32>
    %max3A_52 = arith.constant 0.000000e+00 : f32
    %max3A_53 = vector.broadcast %max3A_52 : f32 to vector<512x64xf32>
    %max3A_54 = arith.maximumf %add3A_51, %max3A_53 : vector<512x64xf32>
    %get3A_55 = arith.constant 0 : index
    %get3A_56 = arith.constant 0 : index
    %get3A_57 = vector.load %arg10[%get3A_55, %get3A_56] : memref<64x64xf32, #tpu.memory_space<vmem>>, vector<64x64xf32>
    %dot_general3A_58 = arith.constant dense<0.000000e+00> : vector<512x64xf32>
    %dot_general3A_59 = tpu.matmul %max3A_54, %get3A_57, %dot_general3A_58 {dimension_numbers = #tpu.dot_dimension_numbers<[1], [0], [0], [1], [0, 0, 1, 1], [], []>, transpose_lhs_hint = false} : vector<512x64xf32>, vector<64x64xf32>, vector<512x64xf32> -> vector<512x64xf32>
    %swap3A = arith.constant 0 : index
    %swap3A_60 = arith.constant 0 : index
    %swap3A_61 = vector.load %arg13[%swap3A, %swap3A_60] : memref<512x64xf32, #tpu.memory_space<vmem>>, vector<512x64xf32>
    tpu.vector_store %arg13[%swap3A, %swap3A_60], %dot_general3A_59 {strides = array<i32>} : memref<512x64xf32, #tpu.memory_space<vmem>>, vector<512x64xf32>,
    %get3A_62 = arith.constant 0 : index
    %get3A_63 = arith.constant 0 : index
    %get3A_64 = vector.load %arg11[%get3A_62, %get3A_63] : memref<64x64xf32, #tpu.memory_space<vmem>>, vector<64x64xf32>
    %dot_general3A_65 = arith.constant dense<0.000000e+00> : vector<512x64xf32>
    %dot_general3A_66 = tpu.matmul %max3A_54, %get3A_64, %dot_general3A_65 {dimension_numbers = #tpu.dot_dimension_numbers<[1], [0], [0], [1], [0, 0, 1, 1], [], []>, transpose_lhs_hint = false} : vector<512x64xf32>, vector<64x64xf32>, vector<512x64xf32> -> vector<512x64xf32>
    %swap3A_67 = arith.constant 0 : index
    %swap3A_68 = arith.constant 0 : index
    %swap3A_69 = vector.load %arg14[%swap3A_67, %swap3A_68] : memref<512x64xf32, #tpu.memory_space<vmem>>, vector<512x64xf32>
    tpu.vector_store %arg14[%swap3A_67, %swap3A_68], %dot_general3A_66 {strides = array<i32>} : memref<512x64xf32, #tpu.memory_space<vmem>>, vector<512x64xf32>,
    %get3A_70 = arith.constant 0 : index
    %get3A_71 = arith.constant 0 : index
    %get3A_72 = vector.load %arg12[%get3A_70, %get3A_71] : memref<64x64xf32, #tpu.memory_space<vmem>>, vector<64x64xf32>
    %dot_general3A_73 = arith.constant dense<0.000000e+00> : vector<512x64xf32>
    %dot_general3A_74 = tpu.matmul %max3A_54, %get3A_72, %dot_general3A_73 {dimension_numbers = #tpu.dot_dimension_numbers<[1], [0], [0], [1], [0, 0, 1, 1], [], []>, transpose_lhs_hint = false} : vector<512x64xf32>, vector<64x64xf32>, vector<512x64xf32> -> vector<512x64xf32>
    %swap3A_75 = arith.constant 0 : index
    %swap3A_76 = arith.constant 0 : index
    %swap3A_77 = vector.load %arg15[%swap3A_75, %swap3A_76] : memref<512x64xf32, #tpu.memory_space<vmem>>, vector<512x64xf32>
    tpu.vector_store %arg15[%swap3A_75, %swap3A_76], %dot_general3A_74 {strides = array<i32>} : memref<512x64xf32, #tpu.memory_space<vmem>>, vector<512x64xf32>,
    return
  }
  func.func @transform_0(%arg0: i32) -> (i32, i32, i32) {
    %c0_i32 = arith.constant 0 : i32
    %c0_i32_0 = arith.constant 0 : i32
    %c0_i32_1 = arith.constant 0 : i32
    return %c0_i32, %c0_i32_0, %arg0 : i32, i32, i32
  }
  func.func @transform_1(%arg0: i32) -> (i32, i32) {
    %c0_i32 = arith.constant 0 : i32
    %c0_i32_0 = arith.constant 0 : i32
    return %arg0, %c0_i32 : i32, i32
  }
  func.func @transform_2(%arg0: i32) -> (i32, i32) {
    %c0_i32 = arith.constant 0 : i32
    %c0_i32_0 = arith.constant 0 : i32
    %c0_i32_1 = arith.constant 0 : i32
    return %c0_i32, %c0_i32_0 : i32, i32
  }
  func.func @transform_3(%arg0: i32) -> (i32, i32) {
    %c0_i32 = arith.constant 0 : i32
    %c0_i32_0 = arith.constant 0 : i32
    %c0_i32_1 = arith.constant 0 : i32
    return %c0_i32, %c0_i32_0 : i32, i32
  }
  func.func @transform_4(%arg0: i32) -> (i32, i32) {
    %c0_i32 = arith.constant 0 : i32
    %c0_i32_0 = arith.constant 0 : i32
    %c0_i32_1 = arith.constant 0 : i32
    return %c0_i32, %c0_i32_0 : i32, i32
  }
  func.func @transform_5(%arg0: i32) -> (i32, i32) {
    %c0_i32 = arith.constant 0 : i32
    %c0_i32_0 = arith.constant 0 : i32
    %c0_i32_1 = arith.constant 0 : i32
    return %c0_i32, %c0_i32_0 : i32, i32
  }
  func.func @transform_6(%arg0: i32) -> (i32, i32) {
    %c0_i32 = arith.constant 0 : i32
    %c0_i32_0 = arith.constant 0 : i32
    %c0_i32_1 = arith.constant 0 : i32
    return %c0_i32, %c0_i32_0 : i32, i32
  }
  func.func @transform_7(%arg0: i32) -> (i32, i32) {
    %c0_i32 = arith.constant 0 : i32
    %c0_i32_0 = arith.constant 0 : i32
    %c0_i32_1 = arith.constant 0 : i32
    return %c0_i32, %c0_i32_0 : i32, i32
  }
  func.func @transform_8(%arg0: i32) -> (i32, i32) {
    %c0_i32 = arith.constant 0 : i32
    %c0_i32_0 = arith.constant 0 : i32
    %c0_i32_1 = arith.constant 0 : i32
    return %c0_i32, %c0_i32_0 : i32, i32
  }
  func.func @transform_9(%arg0: i32) -> (i32, i32) {
    %c0_i32 = arith.constant 0 : i32
    %c0_i32_0 = arith.constant 0 : i32
    %c0_i32_1 = arith.constant 0 : i32
    return %c0_i32, %c0_i32_0 : i32, i32
  }
  func.func @transform_10(%arg0: i32) -> (i32, i32) {
    %c0_i32 = arith.constant 0 : i32
    %c0_i32_0 = arith.constant 0 : i32
    %c0_i32_1 = arith.constant 0 : i32
    return %c0_i32, %c0_i32_0 : i32, i32
  }
  func.func @transform_11(%arg0: i32) -> (i32, i32) {
    %c0_i32 = arith.constant 0 : i32
    %c0_i32_0 = arith.constant 0 : i32
    %c0_i32_1 = arith.constant 0 : i32
    return %c0_i32, %c0_i32_0 : i32, i32
  }
  func.func @transform_12(%arg0: i32) -> (i32, i32) {
    %c0_i32 = arith.constant 0 : i32
    %c0_i32_0 = arith.constant 0 : i32
    return %arg0, %c0_i32 : i32, i32
  }
  func.func @transform_13(%arg0: i32) -> (i32, i32) {
    %c0_i32 = arith.constant 0 : i32
    %c0_i32_0 = arith.constant 0 : i32
    return %arg0, %c0_i32 : i32, i32
  }
  func.func @transform_14(%arg0: i32) -> (i32, i32) {
    %c0_i32 = arith.constant 0 : i32
    %c0_i32_0 = arith.constant 0 : i32
    return %arg0, %c0_i32 : i32, i32
  }
}

module attributes {stable_mosaic.version = 14 : i64} {
  func.func @body(%arg0: i32, %arg1: memref<32x2x512xf32, #tpu.memory_space<vmem>>, %arg2: memref<512x64xf32, #tpu.memory_space<vmem>>, %arg3: memref<32x64xf32, #tpu.memory_space<vmem>>, %arg4: memref<32x64xf32, #tpu.memory_space<vmem>>, %arg5: memref<1x64xf32, #tpu.memory_space<vmem>>, %arg6: memref<64x64xf32, #tpu.memory_space<vmem>>, %arg7: memref<1x64xf32, #tpu.memory_space<vmem>>, %arg8: memref<64x64xf32, #tpu.memory_space<vmem>>, %arg9: memref<1x64xf32, #tpu.memory_space<vmem>>, %arg10: memref<64x64xf32, #tpu.memory_space<vmem>>, %arg11: memref<1x64xf32, #tpu.memory_space<vmem>>, %arg12: memref<64x64xf32, #tpu.memory_space<vmem>>, %arg13: memref<1x64xf32, #tpu.memory_space<vmem>>, %arg14: memref<64x1xf32, #tpu.memory_space<vmem>>, %arg15: memref<1x1xf32, #tpu.memory_space<vmem>>, %arg16: memref<512x1xf32, #tpu.memory_space<vmem>>) attributes {dimension_semantics = [#tpu.dimension_semantics<arbitrary>], iteration_bounds = array<i64: 20>, scalar_prefetch = 0 : i64, scratch_operands = 0 : i64, tpu.core_type = #tpu.core_type<tc>, window_params = [{transform_indices = @transform_0, window_bounds = array<i64: 32, 2, 512>}, {transform_indices = @transform_1, window_bounds = array<i64: 512, 64>}, {pipeline_mode = #tpu.pipeline_mode<synchronous>, transform_indices = @transform_2, window_bounds = array<i64: 32, 64>}, {pipeline_mode = #tpu.pipeline_mode<synchronous>, transform_indices = @transform_3, window_bounds = array<i64: 32, 64>}, {pipeline_mode = #tpu.pipeline_mode<synchronous>, transform_indices = @transform_4, window_bounds = array<i64: 1, 64>}, {pipeline_mode = #tpu.pipeline_mode<synchronous>, transform_indices = @transform_5, window_bounds = array<i64: 64, 64>}, {pipeline_mode = #tpu.pipeline_mode<synchronous>, transform_indices = @transform_6, window_bounds = array<i64: 1, 64>}, {pipeline_mode = #tpu.pipeline_mode<synchronous>, transform_indices = @transform_7, window_bounds = array<i64: 64, 64>}, {pipeline_mode = #tpu.pipeline_mode<synchronous>, transform_indices = @transform_8, window_bounds = array<i64: 1, 64>}, {pipeline_mode = #tpu.pipeline_mode<synchronous>, transform_indices = @transform_9, window_bounds = array<i64: 64, 64>}, {pipeline_mode = #tpu.pipeline_mode<synchronous>, transform_indices = @transform_10, window_bounds = array<i64: 1, 64>}, {pipeline_mode = #tpu.pipeline_mode<synchronous>, transform_indices = @transform_11, window_bounds = array<i64: 64, 64>}, {pipeline_mode = #tpu.pipeline_mode<synchronous>, transform_indices = @transform_12, window_bounds = array<i64: 1, 64>}, {pipeline_mode = #tpu.pipeline_mode<synchronous>, transform_indices = @transform_13, window_bounds = array<i64: 64, 1>}, {pipeline_mode = #tpu.pipeline_mode<synchronous>, transform_indices = @transform_14, window_bounds = array<i64: 1, 1>}, {transform_indices = @transform_15, window_bounds = array<i64: 512, 1>}]} {
    %get3A = arith.constant 0 : index
    %get3A_0 = arith.constant 0 : index
    %get3A_1 = arith.constant 0 : index
    %get3A_2 = vector.load %arg1[%get3A, %get3A_0, %get3A_1] : memref<32x2x512xf32, #tpu.memory_space<vmem>>, vector<32x1x512xf32>
    %get3A_3 = vector.shape_cast %get3A_2 : vector<32x1x512xf32> to vector<32x512xf32>
    %get3A_4 = arith.constant 0 : index
    %get3A_5 = arith.constant 1 : index
    %get3A_6 = arith.constant 0 : index
    %get3A_7 = vector.load %arg1[%get3A_4, %get3A_5, %get3A_6] : memref<32x2x512xf32, #tpu.memory_space<vmem>>, vector<32x1x512xf32>
    %get3A_8 = vector.shape_cast %get3A_7 : vector<32x1x512xf32> to vector<32x512xf32>
    %get3A_9 = arith.constant 0 : index
    %get3A_10 = arith.constant 0 : index
    %get3A_11 = vector.load %arg3[%get3A_9, %get3A_10] : memref<32x64xf32, #tpu.memory_space<vmem>>, vector<32x64xf32>
    %dot_general3A = arith.constant dense<0.000000e+00> : vector<512x64xf32>
    %dot_general3A_12 = tpu.matmul %get3A_3, %get3A_11, %dot_general3A {dimension_numbers = #tpu.dot_dimension_numbers<[0], [0], [1], [1], [0, 1, 1, 1], [], []>, transpose_lhs_hint = false} : vector<32x512xf32>, vector<32x64xf32>, vector<512x64xf32> -> vector<512x64xf32>
    %get3A_13 = arith.constant 0 : index
    %get3A_14 = arith.constant 0 : index
    %get3A_15 = vector.load %arg4[%get3A_13, %get3A_14] : memref<32x64xf32, #tpu.memory_space<vmem>>, vector<32x64xf32>
    %dot_general3A_16 = arith.constant dense<0.000000e+00> : vector<512x64xf32>
    %dot_general3A_17 = tpu.matmul %get3A_8, %get3A_15, %dot_general3A_16 {dimension_numbers = #tpu.dot_dimension_numbers<[0], [0], [1], [1], [0, 1, 1, 1], [], []>, transpose_lhs_hint = false} : vector<32x512xf32>, vector<32x64xf32>, vector<512x64xf32> -> vector<512x64xf32>
    %add3A = arith.addf %dot_general3A_12, %dot_general3A_17 : vector<512x64xf32>
    %get3A_18 = arith.constant 0 : index
    %get3A_19 = arith.constant 0 : index
    %get3A_20 = vector.load %arg2[%get3A_18, %get3A_19] : memref<512x64xf32, #tpu.memory_space<vmem>>, vector<512x64xf32>
    %add3A_21 = arith.addf %add3A, %get3A_20 : vector<512x64xf32>
    %get3A_22 = arith.constant 0 : index
    %get3A_23 = arith.constant 0 : index
    %get3A_24 = vector.load %arg5[%get3A_22, %get3A_23] : memref<1x64xf32, #tpu.memory_space<vmem>>, vector<1x64xf32>
    %add3A_25 = vector.broadcast %get3A_24 : vector<1x64xf32> to vector<512x64xf32>
    %add3A_26 = arith.addf %add3A_21, %add3A_25 : vector<512x64xf32>
    %max3A = arith.constant 0.000000e+00 : f32
    %max3A_27 = vector.broadcast %max3A : f32 to vector<512x64xf32>
    %max3A_28 = arith.maximumf %add3A_26, %max3A_27 : vector<512x64xf32>
    %get3A_29 = arith.constant 0 : index
    %get3A_30 = arith.constant 0 : index
    %get3A_31 = vector.load %arg6[%get3A_29, %get3A_30] : memref<64x64xf32, #tpu.memory_space<vmem>>, vector<64x64xf32>
    %dot_general3A_32 = arith.constant dense<0.000000e+00> : vector<512x64xf32>
    %dot_general3A_33 = tpu.matmul %max3A_28, %get3A_31, %dot_general3A_32 {dimension_numbers = #tpu.dot_dimension_numbers<[1], [0], [0], [1], [0, 0, 1, 1], [], []>, transpose_lhs_hint = false} : vector<512x64xf32>, vector<64x64xf32>, vector<512x64xf32> -> vector<512x64xf32>
    %get3A_34 = arith.constant 0 : index
    %get3A_35 = arith.constant 0 : index
    %get3A_36 = vector.load %arg7[%get3A_34, %get3A_35] : memref<1x64xf32, #tpu.memory_space<vmem>>, vector<1x64xf32>
    %add3A_37 = vector.broadcast %get3A_36 : vector<1x64xf32> to vector<512x64xf32>
    %add3A_38 = arith.addf %dot_general3A_33, %add3A_37 : vector<512x64xf32>
    %max3A_39 = arith.constant 0.000000e+00 : f32
    %max3A_40 = vector.broadcast %max3A_39 : f32 to vector<512x64xf32>
    %max3A_41 = arith.maximumf %add3A_38, %max3A_40 : vector<512x64xf32>
    %get3A_42 = arith.constant 0 : index
    %get3A_43 = arith.constant 0 : index
    %get3A_44 = vector.load %arg8[%get3A_42, %get3A_43] : memref<64x64xf32, #tpu.memory_space<vmem>>, vector<64x64xf32>
    %dot_general3A_45 = arith.constant dense<0.000000e+00> : vector<512x64xf32>
    %dot_general3A_46 = tpu.matmul %max3A_41, %get3A_44, %dot_general3A_45 {dimension_numbers = #tpu.dot_dimension_numbers<[1], [0], [0], [1], [0, 0, 1, 1], [], []>, transpose_lhs_hint = false} : vector<512x64xf32>, vector<64x64xf32>, vector<512x64xf32> -> vector<512x64xf32>
    %get3A_47 = arith.constant 0 : index
    %get3A_48 = arith.constant 0 : index
    %get3A_49 = vector.load %arg9[%get3A_47, %get3A_48] : memref<1x64xf32, #tpu.memory_space<vmem>>, vector<1x64xf32>
    %add3A_50 = vector.broadcast %get3A_49 : vector<1x64xf32> to vector<512x64xf32>
    %add3A_51 = arith.addf %dot_general3A_46, %add3A_50 : vector<512x64xf32>
    %get3A_52 = arith.constant 0 : index
    %get3A_53 = arith.constant 0 : index
    %get3A_54 = vector.load %arg10[%get3A_52, %get3A_53] : memref<64x64xf32, #tpu.memory_space<vmem>>, vector<64x64xf32>
    %dot_general3A_55 = arith.constant dense<0.000000e+00> : vector<512x64xf32>
    %dot_general3A_56 = tpu.matmul %add3A_51, %get3A_54, %dot_general3A_55 {dimension_numbers = #tpu.dot_dimension_numbers<[1], [0], [0], [1], [0, 0, 1, 1], [], []>, transpose_lhs_hint = false} : vector<512x64xf32>, vector<64x64xf32>, vector<512x64xf32> -> vector<512x64xf32>
    %get3A_57 = arith.constant 0 : index
    %get3A_58 = arith.constant 0 : index
    %get3A_59 = vector.load %arg11[%get3A_57, %get3A_58] : memref<1x64xf32, #tpu.memory_space<vmem>>, vector<1x64xf32>
    %add3A_60 = vector.broadcast %get3A_59 : vector<1x64xf32> to vector<512x64xf32>
    %add3A_61 = arith.addf %dot_general3A_56, %add3A_60 : vector<512x64xf32>
    %max3A_62 = arith.constant 0.000000e+00 : f32
    %max3A_63 = vector.broadcast %max3A_62 : f32 to vector<512x64xf32>
    %max3A_64 = arith.maximumf %add3A_61, %max3A_63 : vector<512x64xf32>
    %get3A_65 = arith.constant 0 : index
    %get3A_66 = arith.constant 0 : index
    %get3A_67 = vector.load %arg12[%get3A_65, %get3A_66] : memref<64x64xf32, #tpu.memory_space<vmem>>, vector<64x64xf32>
    %dot_general3A_68 = arith.constant dense<0.000000e+00> : vector<512x64xf32>
    %dot_general3A_69 = tpu.matmul %max3A_64, %get3A_67, %dot_general3A_68 {dimension_numbers = #tpu.dot_dimension_numbers<[1], [0], [0], [1], [0, 0, 1, 1], [], []>, transpose_lhs_hint = false} : vector<512x64xf32>, vector<64x64xf32>, vector<512x64xf32> -> vector<512x64xf32>
    %get3A_70 = arith.constant 0 : index
    %get3A_71 = arith.constant 0 : index
    %get3A_72 = vector.load %arg13[%get3A_70, %get3A_71] : memref<1x64xf32, #tpu.memory_space<vmem>>, vector<1x64xf32>
    %add3A_73 = vector.broadcast %get3A_72 : vector<1x64xf32> to vector<512x64xf32>
    %add3A_74 = arith.addf %dot_general3A_69, %add3A_73 : vector<512x64xf32>
    %max3A_75 = arith.constant 0.000000e+00 : f32
    %max3A_76 = vector.broadcast %max3A_75 : f32 to vector<512x64xf32>
    %max3A_77 = arith.maximumf %add3A_74, %max3A_76 : vector<512x64xf32>
    %get3A_78 = arith.constant 0 : index
    %get3A_79 = arith.constant 0 : index
    %get3A_80 = vector.load %arg14[%get3A_78, %get3A_79] : memref<64x1xf32, #tpu.memory_space<vmem>>, vector<64x1xf32>
    %dot_general3A_81 = arith.constant dense<0.000000e+00> : vector<512x1xf32>
    %dot_general3A_82 = tpu.matmul %max3A_77, %get3A_80, %dot_general3A_81 {dimension_numbers = #tpu.dot_dimension_numbers<[1], [0], [0], [1], [0, 0, 1, 1], [], []>, transpose_lhs_hint = false} : vector<512x64xf32>, vector<64x1xf32>, vector<512x1xf32> -> vector<512x1xf32>
    %get3A_83 = arith.constant 0 : index
    %get3A_84 = arith.constant 0 : index
    %get3A_85 = vector.load %arg15[%get3A_83, %get3A_84] : memref<1x1xf32, #tpu.memory_space<vmem>>, vector<1x1xf32>
    %add3A_86 = vector.broadcast %get3A_85 : vector<1x1xf32> to vector<512x1xf32>
    %add3A_87 = arith.addf %dot_general3A_82, %add3A_86 : vector<512x1xf32>
    %swap3A = arith.constant 0 : index
    %swap3A_88 = arith.constant 0 : index
    %swap3A_89 = vector.load %arg16[%swap3A, %swap3A_88] : memref<512x1xf32, #tpu.memory_space<vmem>>, vector<512x1xf32>
    tpu.vector_store %arg16[%swap3A, %swap3A_88], %add3A_87 {strides = array<i32>} : memref<512x1xf32, #tpu.memory_space<vmem>>, vector<512x1xf32>,
    return
  }
  func.func @transform_0(%arg0: i32) -> (i32, i32, i32) {
    %c0_i32 = arith.constant 0 : i32
    %c0_i32_0 = arith.constant 0 : i32
    %c0_i32_1 = arith.constant 0 : i32
    return %c0_i32, %c0_i32_0, %arg0 : i32, i32, i32
  }
  func.func @transform_1(%arg0: i32) -> (i32, i32) {
    %c0_i32 = arith.constant 0 : i32
    %c0_i32_0 = arith.constant 0 : i32
    return %arg0, %c0_i32 : i32, i32
  }
  func.func @transform_2(%arg0: i32) -> (i32, i32) {
    %c0_i32 = arith.constant 0 : i32
    %c0_i32_0 = arith.constant 0 : i32
    %c0_i32_1 = arith.constant 0 : i32
    return %c0_i32, %c0_i32_0 : i32, i32
  }
  func.func @transform_3(%arg0: i32) -> (i32, i32) {
    %c0_i32 = arith.constant 0 : i32
    %c0_i32_0 = arith.constant 0 : i32
    %c0_i32_1 = arith.constant 0 : i32
    return %c0_i32, %c0_i32_0 : i32, i32
  }
  func.func @transform_4(%arg0: i32) -> (i32, i32) {
    %c0_i32 = arith.constant 0 : i32
    %c0_i32_0 = arith.constant 0 : i32
    %c0_i32_1 = arith.constant 0 : i32
    return %c0_i32, %c0_i32_0 : i32, i32
  }
  func.func @transform_5(%arg0: i32) -> (i32, i32) {
    %c0_i32 = arith.constant 0 : i32
    %c0_i32_0 = arith.constant 0 : i32
    %c0_i32_1 = arith.constant 0 : i32
    return %c0_i32, %c0_i32_0 : i32, i32
  }
  func.func @transform_6(%arg0: i32) -> (i32, i32) {
    %c0_i32 = arith.constant 0 : i32
    %c0_i32_0 = arith.constant 0 : i32
    %c0_i32_1 = arith.constant 0 : i32
    return %c0_i32, %c0_i32_0 : i32, i32
  }
  func.func @transform_7(%arg0: i32) -> (i32, i32) {
    %c0_i32 = arith.constant 0 : i32
    %c0_i32_0 = arith.constant 0 : i32
    %c0_i32_1 = arith.constant 0 : i32
    return %c0_i32, %c0_i32_0 : i32, i32
  }
  func.func @transform_8(%arg0: i32) -> (i32, i32) {
    %c0_i32 = arith.constant 0 : i32
    %c0_i32_0 = arith.constant 0 : i32
    %c0_i32_1 = arith.constant 0 : i32
    return %c0_i32, %c0_i32_0 : i32, i32
  }
  func.func @transform_9(%arg0: i32) -> (i32, i32) {
    %c0_i32 = arith.constant 0 : i32
    %c0_i32_0 = arith.constant 0 : i32
    %c0_i32_1 = arith.constant 0 : i32
    return %c0_i32, %c0_i32_0 : i32, i32
  }
  func.func @transform_10(%arg0: i32) -> (i32, i32) {
    %c0_i32 = arith.constant 0 : i32
    %c0_i32_0 = arith.constant 0 : i32
    %c0_i32_1 = arith.constant 0 : i32
    return %c0_i32, %c0_i32_0 : i32, i32
  }
  func.func @transform_11(%arg0: i32) -> (i32, i32) {
    %c0_i32 = arith.constant 0 : i32
    %c0_i32_0 = arith.constant 0 : i32
    %c0_i32_1 = arith.constant 0 : i32
    return %c0_i32, %c0_i32_0 : i32, i32
  }
  func.func @transform_12(%arg0: i32) -> (i32, i32) {
    %c0_i32 = arith.constant 0 : i32
    %c0_i32_0 = arith.constant 0 : i32
    %c0_i32_1 = arith.constant 0 : i32
    return %c0_i32, %c0_i32_0 : i32, i32
  }
  func.func @transform_13(%arg0: i32) -> (i32, i32) {
    %c0_i32 = arith.constant 0 : i32
    %c0_i32_0 = arith.constant 0 : i32
    %c0_i32_1 = arith.constant 0 : i32
    return %c0_i32, %c0_i32_0 : i32, i32
  }
  func.func @transform_14(%arg0: i32) -> (i32, i32) {
    %c0_i32 = arith.constant 0 : i32
    %c0_i32_0 = arith.constant 0 : i32
    %c0_i32_1 = arith.constant 0 : i32
    return %c0_i32, %c0_i32_0 : i32, i32
  }
  func.func @transform_15(%arg0: i32) -> (i32, i32) {
    %c0_i32 = arith.constant 0 : i32
    %c0_i32_0 = arith.constant 0 : i32
    return %arg0, %c0_i32 : i32, i32
  }
}

</mosaic_0001>

<sc_bundles>
// kernel: kernel.12.cloned.1.call-start
scs
__scs_entry_jumppad:
0x0: {  	(pc) =	sbr.rel $0x88, $3  }
0x1: {  	(tag) =	ssettag $0x0;
	lr =	simm.s32 $0x1  }
0x2: {  	[smem:$0x3F80] =	sst lr;
	_ =	strace $0xD0000000  }
0x3: {  	_ = 	snop  }
0x4: {  	_ = 	snop  }
0x5: {  	_ = 	snop  }
0x6: {  	_ = 	snop  }
0x7: {  	_ = 	snop  }
__scs_overlays_trampoline_lowered:
0x8: {  	[smem:$0x3F8F] =	sst s0  }
0x9: {  	[smem:$0x3F90] =	sst s1  }
0xa: {  	[smem:$0x3F91] =	sst s2  }
0xb: {  	[smem:$0x3F92] =	sst s3  }
0xc: {  	[smem:$0x3F93] =	sst s4  }
0xd: {  	[smem:$0x3F94] =	sst s5  }
0xe: {  	[smem:$0x3F95] =	sst s6  }
0xf: {  	[smem:$0x3F96] =	sst s7  }
0x10: {  	[smem:$0x3F97] =	sst s8  }
0x11: {  	[smem:$0x3F98] =	sst s9;
	s0 =	simm.s32 @!p0 $0x0  }
0x12: {  	s1 =	sld [smem:$0x3F7E];
	s0 =	simm.s32 @p0 $0x1  }
0x13: {  	[smem:$0x3F99] =	sst s0;
	s0 =	simm.s32 @!p1 $0x0  }
0x14: {  	s2 =	sld [smem:$0x3F7D];
	s0 =	simm.s32 @p1 $0x1  }
0x15: {  	[smem:$0x3F9A] =	sst s0;
	s0 =	simm.s32 @!p2 $0x0  }
0x16: {  	s3 =	sld [smem:$0x3FDB];
	s0 =	simm.s32 @p2 $0x1  }
0x17: {  	s4 =	simm.s32 $0x1BF5;
	[smem:$0x3F9C] =	sst s0  }
0x18: {  	s0 =	sld [smem:$0x3F7F];
	_ =	swait.ge [sflag:s4], $0x0  }
0x19: {  	s7 =	sld [smem:$0x3F80]  }
0x1a: {  	s8 =	sadd.s32 $0xFFFFE003, lr  }
0x1b: {  	s9 =	sadd.s32 $0xFFFFFEF7, lr;
	s5 =	simm.s32 $0xFFFFFFFF;
	p2 =	slt.u32 s8, $0xFFFFF086  }
0x1c: {  	p1 =	slt.u32 s9, $0xF7A;
	s5 =	simm.s32 @!p2 $0x0  }
0x1d: {  	s5 =	simm.s32 @p1 $0x1;
	p0 =	seq.s32 s7, s2  }
0x1e: {  	s7 =	smul.u32 @!p0 $0xF7A, s2;
	p2 =	seq.s32 @!p0 s5, $0x0  }
0x1f: {  	s9 =	smul.u32 $0xF7A, s1;
	s8 =	simm.s32 @!p0 $0x1BF5;
	p2 =	por !p2, p0  }
0x20: {  	[sflag:s8] =	ssyncset.s32 @!p0 $0xFFFFF086;
	s6 =	sadd.s32 @!p0 s3, s7;
	s7 =	simm.s32 @!p0 $0x108  }
0x21: {  	s3 =	sadd.s32 s3, s9;
	s6 =	sadd.s32 @!p0 $0x88, s6;
	s7 =	simm.s32 @p2 $0x1082  }
0x22: {  	[simem:s7], [sflag:s8] =	dma.local @!p0 [hbm:s6], $0xF7A  }
0x23: {  	s9 =	sor.u32 $0xD0000000, s2;
	s6 =	simm.s32 $0x108;
	_ =	swait.ge @!p0 [sflag:s8], $0x0  }
0x24: {  	s3 =	sadd.s32 $0x88, s3;
	s6 =	simm.s32 @!p1 $0x1082;
	[sflag:s4] =	ssyncset.s32 $0xFFFFF086  }
0x25: {  	[simem:s6], [sflag:s4] =	dma.local [hbm:s3], $0xF7A  }
0x26: {  	[smem:$0x3F80] =	sst s1;
	(tag) =	ssettag s2;
	_ =	strace s9  }
0x27: {  	s1 =	sld [smem:$0x3F90]  }
0x28: {  	s2 =	sld [smem:$0x3F91]  }
0x29: {  	s4 =	sld [smem:$0x3F93]  }
0x2a: {  	p0 =	seq.s32 s5, $0x0;
	s5 =	sld [smem:$0x3F94]  }
0x2b: {  	s6 =	sld [smem:$0x3F95]  }
0x2c: {  	s7 =	sld [smem:$0x3F96]  }
0x2d: {  	s3 =	simm.s32 $0x108;
	s8 =	sld [smem:$0x3F97]  }
0x2e: {  	s3 =	simm.s32 @!p0 $0x1082;
	s9 =	sld [smem:$0x3F98]  }
0x2f: {  	lr =	sadd.s32 s0, s3;
	s0 =	sld [smem:$0x3F8F]  }
0x30: {  	s3 =	sld [smem:$0x3F92]  }
0x31: {  	[smem:$0x3F9B] =	sst s10  }
0x32: {  	s10 =	sld [smem:$0x3F99];
	_ =	sdelay $0x3  }
0x33: {  	p0 =	seq.s32 s10, $0x1;
	s10 =	sld [smem:$0x3F9B];
	_ =	sdelay $0x3  }
0x34: {  	[smem:$0x3F9B] =	sst s10  }
0x35: {  	s10 =	sld [smem:$0x3F9A];
	_ =	sdelay $0x3  }
0x36: {  	p1 =	seq.s32 s10, $0x1;
	s10 =	sld [smem:$0x3F9B];
	_ =	sdelay $0x3  }
0x37: {  	[smem:$0x3F9B] =	sst s10  }
0x38: {  	s10 =	sld [smem:$0x3F9C]  }
0x39: {  	_ = 	snop;
	(pc) =	sbr.ind lr, $3  }
0x3a: {  	_ = 	snop  }
0x3b: {  	_ = 	snop  }
0x3c: {  	p2 =	seq.s32 s10, $0x1;
	s10 =	sld [smem:$0x3F9B]  }
0x3d: {  	_ =	shalt  }
0x3e: {  	_ =	shalt  }
0x3f: {  	_ =	shalt  }
0x40: {  	_ =	shalt  }
0x41: {  	_ =	shalt  }
0x42: {  	_ =	shalt  }
0x43: {  	_ =	shalt  }
0x44: {  	_ =	shalt  }
0x45: {  	_ =	shalt  }
0x46: {  	_ =	shalt  }
0x47: {  	_ =	shalt  }
0x48: {  	_ =	shalt  }
0x49: {  	_ =	shalt  }
0x4a: {  	_ =	shalt  }
0x4b: {  	_ =	shalt  }
0x4c: {  	_ =	shalt  }
0x4d: {  	_ =	shalt  }
0x4e: {  	_ =	shalt  }
0x4f: {  	_ =	shalt  }
0x50: {  	_ =	shalt  }
0x51: {  	_ =	shalt  }
0x52: {  	_ =	shalt  }
0x53: {  	_ =	shalt  }
0x54: {  	_ =	shalt  }
0x55: {  	_ =	shalt  }
0x56: {  	_ =	shalt  }
0x57: {  	_ =	shalt  }
0x58: {  	_ =	shalt  }
0x59: {  	_ =	shalt  }
0x5a: {  	_ =	shalt  }
0x5b: {  	_ =	shalt  }
0x5c: {  	_ =	shalt  }
0x5d: {  	_ =	shalt  }
0x5e: {  	_ =	shalt  }
0x5f: {  	_ =	shalt  }
0x60: {  	_ =	shalt  }
0x61: {  	_ =	shalt  }
0x62: {  	_ =	shalt  }
0x63: {  	_ =	shalt  }
0x64: {  	_ =	shalt  }
0x65: {  	_ =	shalt  }
0x66: {  	_ =	shalt  }
0x67: {  	_ =	shalt  }
0x68: {  	_ =	shalt  }
0x69: {  	_ =	shalt  }
0x6a: {  	_ =	shalt  }
0x6b: {  	_ =	shalt  }
0x6c: {  	_ =	shalt  }
0x6d: {  	_ =	shalt  }
0x6e: {  	_ =	shalt  }
0x6f: {  	_ =	shalt  }
0x70: {  	_ =	shalt  }
0x71: {  	_ =	shalt  }
0x72: {  	_ =	shalt  }
0x73: {  	_ =	shalt  }
0x74: {  	_ =	shalt  }
0x75: {  	_ =	shalt  }
0x76: {  	_ =	shalt  }
0x77: {  	_ =	shalt  }
0x78: {  	_ =	shalt  }
0x79: {  	_ =	shalt  }
0x7a: {  	_ =	shalt  }
0x7b: {  	_ =	shalt  }
0x7c: {  	_ =	shalt  }
0x7d: {  	_ =	shalt  }
0x7e: {  	_ =	shalt  }
0x7f: {  	_ =	shalt  }
0x80: {  	_ =	shalt  }
0x81: {  	_ =	shalt  }
0x82: {  	_ =	shalt  }
0x83: {  	_ =	shalt  }
0x84: {  	_ =	shalt  }
0x85: {  	_ =	shalt  }
0x86: {  	_ =	shalt  }
0x87: {  	_ =	shalt  }
.Lfunc_end0:
.L_simem_size_0:
called_computation_lowered:
.L_overlay_start_0:
0x88: {  	s2 =	sld [smem:$0x3FD9]  }
0x89: {  	s3 =	sld [smem:$0x3FFE];
	_ =	sdelay $0x1  }
0x8a: {  	s1 =	srdreg.scid  }
0x8b: {  	s0 =	sand.u32 $0x1, s1  }
0x8c: {  	s16 =	sshll.u32 s0, $0xA;
	s2 =	sadd.s32 s3, s2  }
0x8d: {  	s2 =	sadd.s32 s2, s16  }
0x8e: {  	[smem:$0x3FA7] =	sst s2  }
0x8f: {  	_ = 	snop  }
0x90: {  	(tm) =	ssettm $0x1  }
0x91: {  	s17 =	sld [smem:$0x3FFB];
	_ =	sdelay $0x3  }
0x92: {  	_ =	strace s17  }
0x93: {  	s2 =	sld [smem:$0x3FFC];
	_ =	sdelay $0x3  }
0x94: {  	_ =	strace s2  }
0x95: {  	s2 =	sld [smem:$0x3FFD];
	_ =	sdelay $0x3  }
0x96: {  	_ =	strace s2  }
0x97: {  	_ =	strace $0x8FFFFFFF  }
0x98: {  	s18 =	sld [smem:$0x3FDB];
	_ =	sdelay $0x1  }
0x99: {  	s19 =	simm.s32 $_scs_section_size  }
0x9a: {  	s4 =	simm.s32 $_size__tile_overlayer_lowered;
	s5 =	simm.s32 $_tile_overlayer_lowered  }
0x9b: {  	s22 =	simm.s32 $0x1BFF;
	s21 =	sshll.u32 s5, $0x1;
	s2 =	sadd.s32 s19, s18  }
0x9c: {  	s6 =	simm.s32 $0x0;
	s20 =	sshll.u32 s4, $0x1;
	s4 =	sadd.s32 s21, s2  }
0x9d: {  	[timem:s6], [sflag:s22] =	dma.local [hbm:s4], s20  }
0x9e: {  	_ =	swait.ge [sflag:s22], s20  }
0x9f: {  	s3 =	ssub.s32 $0x0, s20;
	[sflag:s22] =	ssyncset.done $0x0  }
0xa0: {  	[sflag:s22] =	ssyncadd.s32 s3;
	_ =	sdelay $0x1  }
0xa1: {  	s23 =	simm.s32 $0x1B8B  }
0xa2: {  	_ =	swait.ge [sflag:s23], $0x1  }
0xa3: {  	[sflag:s23] =	ssyncset.done $0x0  }
0xa4: {  	s25 =	simm.s32 $0x1B8E;
	s24 =	sld [smem:$0x3FFE];
	[sflag:s23] =	ssyncadd.s32 $0xFFFFFFFF  }
0xa5: {  	s26 =	simm.s32 $execute0_lowered;
	[smem:$0x3FD2] =	sst s25  }
0xa6: {  	s4 =	sshll.u32 s26, $0x1;
	_ =	strace $0x80000046;
	[dreg:$0x1] =	wrdreg $0xFFFFFFFF  }
0xa7: {  	s28 =	simm.s32 $_size_execute0_lowered;
	s2 =	sadd.s32 s2, s4;
	[dreg:$0x0] =	wrdreg $0x0  }
0xa8: {  	s4 =	sshll.u32 s28, $0x1;
	[dreg:$0x2] =	wrdreg s2  }
0xa9: {  	[dreg:$0x3] =	wrdreg s4  }
0xaa: {  	[dreg:$0x4] =	wrdreg $0xC0  }
0xab: {  	_ =	task [dreg:s6], $0x5FFFF  }
0xac: {  	[dreg:$0x1] =	wrdreg $0xFFFFFFFF  }
0xad: {  	[dreg:$0x0] =	wrdreg $0x60  }
0xae: {  	[dreg:$0x2] =	wrdreg s24  }
0xaf: {  	[dreg:$0x3] =	wrdreg $0x9  }
0xb0: {  	_ =	task.clear_ibuf [dreg:s6], $0x4FFFF;
	_ =	strace $0x90000046  }
0xb1: {  	s29 =	simm.s32 $0x9;
	_ =	strace $0x80000048  }
0xb2: {  	_ =	swait.ge [sflag:s29], $0x1  }
0xb3: {  	[sflag:s29] =	ssyncadd.s32 $0xFFFFFFFF  }
0xb4: {  	_ =	strace $0x90000048  }
0xb5: {  	_ =	sfence  }
0xb6: {  	s30 =	sld [smem:$0x0];
	_ =	sdelay $0x2  }
0xb7: {  	s31 =	sshll.u32 s1, $0xD;
	s1 =	sshrl.u32 s1, $0x2  }
0xb8: {  	s3 =	sand.u32 $0x4000, s31;
	s1 =	sadd.s32 s1, s30  }
0xb9: {  	s0 =	sor.u32 s3, s0;
	s1 =	sshll.u32 s1, $0x11  }
0xba: {  	s0 =	sor.u32 s1, s0  }
0xbb: {  	s0 =	sadd.s32 $0x8F2B, s0  }
0xbc: {  	[sflag:s0] =	ssyncadd.remote.s32 $0x1  }
0xbd: {  	_ =	sfence.sel $0xFFFF  }
0xbe: {  	[dreg:$0x0] =	wrdreg $0xFFFFFFFF;
	(pc) =	sbr.abs _section_cstart, $3  }
0xbf: {  	[dreg:$0x1] =	wrdreg $0xFFFFFFFF  }
0xc0: {  	_ =	task.clear_ibuf [dreg:s6], $0x2FFFF;
	_ =	strace $0x9FFFFFFF  }
0xc1: {  	(tm) =	ssettm $0x7FFFFFFF  }
tec
execute0_lowered:
.L_overlay_start_1:
0x0: {  	(tag) =	ssettag $0x1  }
0x1: {  	s4 =	rddreg [dreg:$0x0]  }
0x2: {  	s0 =	rddreg [dreg:$0x1]  }
0x3: {  	s2 =	simm.s32 $0x0;
	s3 =	srdreg.scid;
	s1 =	stileid.u32  }
0x4: {  	[smem:$0x7FF] =	sst s2;
	s5 =	sand.u32 $0x1, s3;
	s3 =	sadd.s32 $0x42C00, s4  }
0x5: {  	s6 =	sshll.u32 s1, $0x5;
	s8 =	sshll.u32 s1, $0xC;
	_ =	strace $0x80000047  }
0x6: {  	s7 =	ssub.s32 $0x2, s5;
	s6 =	sadd.s32 s6, s4;
	s8 =	sadd.s32 s8, s4  }
0x7: {  	s31 =	sshll.u32 s5, $0x4;
	s10 =	sshll.u32 s5, $0xB;
	s9 =	sshrl.u32 s7, $0x1  }
0x8: {  	s4 =	sshll.u32 s1, $0x1;
	s10 =	sadd.s32 s10, s8;
	s7 =	ssub.s32 s7, s9  }
0x9: {  	s9 =	sadd.s32 s31, s6;
	s8 =	sadd.s32 $0x54BE00, s10;
	s5 =	smax.u32 s7, $0x1  }
0xa: {  	s6 =	sadd.s32 $0x7E00, s9;
	s7 =	sadd.s32 $0x11C00, s9;
	s9 =	sadd.s32 $0x69E00, s10  }
.LBB2_1:
0xb: {  	p0 =	sgt.u32 s4, $0x9C3  }
0xc: {  	s10 =	sadd.s32 @!p0 $0x0, s7;
	s11 =	simm.s32 @!p0 $0x0;
	s14 =	simm.s32 @!p0 $0x4  }
0xd: {  	[tilespmem:s11], [sflag:$0x4] =	stream.linear.gather @!p0 [hbm4b:s10+s11], $0x80, $0x38;
	[tilespmem:$0x8100] =	vst v63  }
0xe: {  	_ =	swait.ge @!p0 [sflag:s14], $0x80;
	p0 =	por p0, p0  }
0xf: {  	[sflag:s14] =	ssyncset.done @!p0 $0x0  }
0x10: {  	s10 =	sadd.s32 @!p0 $0x0, s6;
	s12 =	simm.s32 @!p0 $0x80;
	[sflag:s14] =	ssyncadd.s32 @!p0 $0xFFFFFF80  }
0x11: {  	[tilespmem:s12], [sflag:$0x4] =	stream.linear.gather @!p0 [hbm4b:s10+s11], $0x80, $0x38;
	[tilespmem:$0x8100] =	vst v63  }
0x12: {  	_ =	swait.ge @!p0 [sflag:s14], $0x80  }
0x13: {  	[sflag:s14] =	ssyncset.done @!p0 $0x0  }
0x14: {  	s10 =	simm.s32 @!p0 $0x100;
	[sflag:s14] =	ssyncadd.s32 @!p0 $0xFFFFFF80  }
0x15: {  	[tilespmem:s10], [sflag:$0x1] =	stream.indirect.gather @!p0 [hbm4b:s3+s12], $0x80, s11, s12, $0xb8;
	[tilespmem:$0x8100] =	vst v63  }
0x16: {  	s15 =	simm.s32 @!p0 $0x4100;
	s13 =	simm.s32 @!p0 $0x1  }
0x17: {  	[tilespmem:s15], [sflag:$0x2] =	stream.indirect.gather @!p0 [hbm4b:s3+s12], $0x80, s12, s12, $0xb8;
	[tilespmem:$0x8100] =	vst v63  }
0x18: {  	_ =	swait.ge @!p0 [sflag:s13], $0x4000  }
0x19: {  	[sflag:s13] =	ssyncset.done @!p0 $0x0  }
0x1a: {  	s12 =	simm.s32 @!p0 $0x2;
	[sflag:s13] =	ssyncadd.s32 @!p0 $0xFFFFC000  }
0x1b: {  	_ =	swait.ge @!p0 [sflag:s12], $0x4000  }
0x1c: {  	[sflag:s12] =	ssyncset.done @!p0 $0x0  }
0x1d: {  	[sflag:s12] =	ssyncadd.s32 @!p0 $0xFFFFC000  }
0x1e: {  	[hbm4b:s9+s11] =	stream.linear.scatter @!p0 [tilespmem:s10], [sflag:$0x4], $0x4000, $0x38;
	[tilespmem:$0x8100] =	vst v63  }
0x1f: {  	_ =	swait.ge @!p0 [sflag:s14], $0x4000  }
0x20: {  	[sflag:s14] =	ssyncset.done @!p0 $0x0  }
0x21: {  	s13 =	simm.s32 $0x400;
	s12 =	simm.s32 $0x200;
	[sflag:s14] =	ssyncadd.s32 @!p0 $0xFFFFC000  }
0x22: {  	[hbm4b:s8+s11] =	stream.linear.scatter @!p0 [tilespmem:s15], [sflag:$0x3], $0x4000, $0x38;
	[tilespmem:$0x8100] =	vst v63  }
0x23: {  	s10 =	sadd.s32 $0x10000, s9;
	s14 =	sadd.s32 $0x20, s4;
	s15 =	simm.s32 @!p0 $0x3  }
0x24: {  	p2 =	sgt.u32 s14, $0x9C3;
	s11 =	sadd.s32 $0x10000, s8;
	_ =	swait.ge @!p0 [sflag:s15], $0x4000  }
.LBB2_2:
0x25: {  	s16 =	sadd.s32 @!p2 s12, s7  }
0x26: {  	s17 =	simm.s32 @!p2 $0x0;
	[sflag:s15] =	ssyncset.done @!p0 $0x0;
	s18 =	smov.u32 s13  }
0x27: {  	s13 =	sadd.s32 $0x200, s13;
	s19 =	simm.s32 @!p2 $0x4;
	[sflag:s15] =	ssyncadd.s32 @!p0 $0xFFFFC000  }
0x28: {  	[tilespmem:s17], [sflag:$0x4] =	stream.linear.gather @!p2 [hbm4b:s16+s17], $0x80, $0x38;
	[tilespmem:$0x8100] =	vst v63  }
0x29: {  	p1 =	sne.s32 s13, $0x9E00;
	p0 =	por p2, p2;
	_ =	swait.ge @!p2 [sflag:s19], $0x80  }
0x2a: {  	[sflag:s19] =	ssyncset.done @!p0 $0x0  }
0x2b: {  	s12 =	sadd.s32 @!p0 s12, s6;
	s15 =	simm.s32 @!p0 $0x80;
	[sflag:s19] =	ssyncadd.s32 @!p0 $0xFFFFFF80  }
0x2c: {  	[tilespmem:s15], [sflag:$0x4] =	stream.linear.gather @!p0 [hbm4b:s12+s17], $0x80, $0x38;
	[tilespmem:$0x8100] =	vst v63  }
0x2d: {  	s12 =	smov.u32 s18;
	_ =	swait.ge @!p0 [sflag:s19], $0x80  }
0x2e: {  	[sflag:s19] =	ssyncset.done @!p0 $0x0  }
0x2f: {  	s16 =	simm.s32 @!p0 $0x100;
	[sflag:s19] =	ssyncadd.s32 @!p0 $0xFFFFFF80  }
0x30: {  	[tilespmem:s16], [sflag:$0x1] =	stream.indirect.gather @!p0 [hbm4b:s3+s15], $0x80, s17, s15, $0xb8;
	[tilespmem:$0x8100] =	vst v63  }
0x31: {  	s20 =	simm.s32 @!p0 $0x1;
	s18 =	simm.s32 @!p0 $0x4100  }
0x32: {  	[tilespmem:s18], [sflag:$0x2] =	stream.indirect.gather @!p0 [hbm4b:s3+s15], $0x80, s15, s15, $0xb8;
	[tilespmem:$0x8100] =	vst v63  }
0x33: {  	_ =	swait.ge @!p0 [sflag:s20], $0x4000  }
0x34: {  	[sflag:s20] =	ssyncset.done @!p0 $0x0  }
0x35: {  	s15 =	simm.s32 @!p0 $0x2;
	[sflag:s20] =	ssyncadd.s32 @!p0 $0xFFFFC000  }
0x36: {  	_ =	swait.ge @!p0 [sflag:s15], $0x4000  }
0x37: {  	[sflag:s15] =	ssyncset.done @!p0 $0x0  }
0x38: {  	[sflag:s15] =	ssyncadd.s32 @!p0 $0xFFFFC000  }
0x39: {  	[hbm4b:s10+s17] =	stream.linear.scatter @!p0 [tilespmem:s16], [sflag:$0x4], $0x4000, $0x38;
	[tilespmem:$0x8100] =	vst v63  }
.Ltmp0:
0x3a: {  	_ =	swait.ge @!p0 [sflag:s19], $0x4000;
	(pc) =	sbr.rel @p1 .LBB2_2-.Ltmp0, $4  }
0x3b: {  	s10 =	sadd.s32 $0x10000, s10;
	[sflag:s19] =	ssyncset.done @!p0 $0x0  }
0x3c: {  	s14 =	sadd.s32 $0x20, s14;
	s15 =	simm.s32 @!p0 $0x3;
	[sflag:s19] =	ssyncadd.s32 @!p0 $0xFFFFC000  }
0x3d: {  	[hbm4b:s11+s17] =	stream.linear.scatter @!p0 [tilespmem:s18], [sflag:$0x3], $0x4000, $0x38;
	[tilespmem:$0x8100] =	vst v63  }
0x3e: {  	p2 =	sgt.u32 s14, $0x9C3;
	s11 =	sadd.s32 $0x10000, s11;
	_ =	swait.ge @!p0 [sflag:s15], $0x4000  }
0x3f: {  	s13 =	sadd.s32 @!p2 s12, s7;
	[sflag:s15] =	ssyncset.done @!p0 $0x0  }
0x40: {  	s14 =	simm.s32 @!p2 $0x0;
	s16 =	simm.s32 @!p2 $0x4;
	[sflag:s15] =	ssyncadd.s32 @!p0 $0xFFFFC000  }
0x41: {  	[tilespmem:s14], [sflag:$0x4] =	stream.linear.gather @!p2 [hbm4b:s13+s14], $0x80, $0x38;
	[tilespmem:$0x8100] =	vst v63  }
0x42: {  	p0 =	por p2, p2;
	_ =	swait.ge @!p2 [sflag:s16], $0x80  }
0x43: {  	[sflag:s16] =	ssyncset.done @!p0 $0x0  }
0x44: {  	s12 =	sadd.s32 @!p0 s12, s6;
	s13 =	simm.s32 @!p0 $0x80;
	[sflag:s16] =	ssyncadd.s32 @!p0 $0xFFFFFF80  }
0x45: {  	[tilespmem:s13], [sflag:$0x4] =	stream.linear.gather @!p0 [hbm4b:s12+s14], $0x80, $0x38;
	[tilespmem:$0x8100] =	vst v63  }
0x46: {  	_ =	swait.ge @!p0 [sflag:s16], $0x80  }
0x47: {  	[sflag:s16] =	ssyncset.done @!p0 $0x0  }
0x48: {  	s12 =	simm.s32 @!p0 $0x100;
	[sflag:s16] =	ssyncadd.s32 @!p0 $0xFFFFFF80  }
0x49: {  	[tilespmem:s12], [sflag:$0x1] =	stream.indirect.gather @!p0 [hbm4b:s3+s13], $0x80, s14, s13, $0xb8;
	[tilespmem:$0x8100] =	vst v63  }
0x4a: {  	s15 =	simm.s32 @!p0 $0x4100;
	s17 =	simm.s32 @!p0 $0x1  }
0x4b: {  	[tilespmem:s15], [sflag:$0x2] =	stream.indirect.gather @!p0 [hbm4b:s3+s13], $0x80, s13, s13, $0xb8;
	[tilespmem:$0x8100] =	vst v63  }
0x4c: {  	_ =	swait.ge @!p0 [sflag:s17], $0x4000  }
0x4d: {  	[sflag:s17] =	ssyncset.done @!p0 $0x0  }
0x4e: {  	s13 =	simm.s32 @!p0 $0x2;
	[sflag:s17] =	ssyncadd.s32 @!p0 $0xFFFFC000  }
0x4f: {  	_ =	swait.ge @!p0 [sflag:s13], $0x4000  }
0x50: {  	[sflag:s13] =	ssyncset.done @!p0 $0x0  }
0x51: {  	[sflag:s13] =	ssyncadd.s32 @!p0 $0xFFFFC000  }
0x52: {  	[hbm4b:s10+s14] =	stream.linear.scatter @!p0 [tilespmem:s12], [sflag:$0x4], $0x4000, $0x38;
	[tilespmem:$0x8100] =	vst v63  }
0x53: {  	s2 =	sadd.s32 $0x1, s2;
	_ =	swait.ge @!p0 [sflag:s16], $0x4000  }
0x54: {  	p1 =	sne.s32 s2, s5;
	[sflag:s16] =	ssyncset.done @!p0 $0x0  }
.Ltmp1:
0x55: {  	s10 =	simm.s32 @!p0 $0x3;
	[sflag:s16] =	ssyncadd.s32 @!p0 $0xFFFFC000;
	(pc) =	sbr.rel @p1 .LBB2_1-.Ltmp1, $4  }
0x56: {  	[hbm4b:s11+s14] =	stream.linear.scatter @!p0 [tilespmem:s15], [sflag:$0x3], $0x4000, $0x38;
	[tilespmem:$0x8100] =	vst v63  }
0x57: {  	_ =	swait.ge @!p0 [sflag:s10], $0x4000  }
0x58: {  	[sflag:s10] =	ssyncset.done @!p0 $0x0  }
0x59: {  	[sflag:s10] =	ssyncadd.s32 @!p0 $0xFFFFC000  }
0x5a: {  	_ =	sfence.sel $0x180000  }
0x5b: {  	[bflag:$0x0] =	sbarrier.arrive $0xFFFF  }
0x5c: {  	p0 =	sne.s32 s1, $0x0;
	_ =	strace $0x90000047  }
0x5d: {  	s0 =	sadd.s32 @!p0 $0x100000, s0;
	[bflag:$0x2] =	sbarrier.arrive $0xFFFF  }
0x5e: {  	[sflag:s0] =	ssyncadd.tile.s32 @!p0 $0x1;
	_ =	shalt  }
.Lfunc_end2:
_tile_overlayer_lowered:
.L_overlay_start_2:
0x5f: {  	(tag) =	ssettag $0x2  }
0x60: {  	s0 =	rddreg [dreg:$0x0];
	s2 =	stileid.u32  }
0x61: {  	s1 =	rddreg [dreg:$0x1];
	p0 =	sne.s32 s2, $0x0  }
0x62: {  	s3 =	rddreg [dreg:$0x2];
	[bflag:$0x3] =	sbarrier.arrive $0xFFFF;
	s2 =	simm.s32 @!p0 $0x1C03  }
0x63: {  	[timem:s3], [sflag:s2] =	dma.local @!p0 [hbm:s0], s1  }
0x64: {  	s0 =	simm.s32 @!p0 $0x3  }
0x65: {  	_ =	swait.ge @!p0 [sflag:s0], s1  }
0x66: {  	s1 =	ssub.s32 @!p0 $0x0, s1;
	[sflag:s0] =	ssyncset.done @!p0 $0x0  }
0x67: {  	[sflag:s0] =	ssyncadd.s32 @!p0 s1  }
0x68: {  	[bflag:$0x3] =	sbarrier.arrive $0xFFFF  }
0x69: {  	_ =	shalt  }

// kernel: kernel.15.cloned.1.call-start
scs
__scs_entry_jumppad:
0x0: {  	(pc) =	sbr.rel $0x88, $3  }
0x1: {  	(tag) =	ssettag $0x0;
	lr =	simm.s32 $0x1  }
0x2: {  	[smem:$0x3F80] =	sst lr;
	_ =	strace $0xD0000000  }
0x3: {  	_ = 	snop  }
0x4: {  	_ = 	snop  }
0x5: {  	_ = 	snop  }
0x6: {  	_ = 	snop  }
0x7: {  	_ = 	snop  }
__scs_overlays_trampoline_lowered:
0x8: {  	[smem:$0x3F8F] =	sst s0  }
0x9: {  	[smem:$0x3F90] =	sst s1  }
0xa: {  	[smem:$0x3F91] =	sst s2  }
0xb: {  	[smem:$0x3F92] =	sst s3  }
0xc: {  	[smem:$0x3F93] =	sst s4  }
0xd: {  	[smem:$0x3F94] =	sst s5  }
0xe: {  	[smem:$0x3F95] =	sst s6  }
0xf: {  	[smem:$0x3F96] =	sst s7  }
0x10: {  	[smem:$0x3F97] =	sst s8  }
0x11: {  	[smem:$0x3F98] =	sst s9;
	s0 =	simm.s32 @!p0 $0x0  }
0x12: {  	s1 =	sld [smem:$0x3F7E];
	s0 =	simm.s32 @p0 $0x1  }
0x13: {  	[smem:$0x3F99] =	sst s0;
	s0 =	simm.s32 @!p1 $0x0  }
0x14: {  	s2 =	sld [smem:$0x3F7D];
	s0 =	simm.s32 @p1 $0x1  }
0x15: {  	[smem:$0x3F9A] =	sst s0;
	s0 =	simm.s32 @!p2 $0x0  }
0x16: {  	s3 =	sld [smem:$0x3FDB];
	s0 =	simm.s32 @p2 $0x1  }
0x17: {  	s4 =	simm.s32 $0x1BF5;
	[smem:$0x3F9C] =	sst s0  }
0x18: {  	s0 =	sld [smem:$0x3F7F];
	_ =	swait.ge [sflag:s4], $0x0  }
0x19: {  	s7 =	sld [smem:$0x3F80]  }
0x1a: {  	s8 =	sadd.s32 $0xFFFFE003, lr  }
0x1b: {  	s9 =	sadd.s32 $0xFFFFFEF7, lr;
	s5 =	simm.s32 $0xFFFFFFFF;
	p2 =	slt.u32 s8, $0xFFFFF086  }
0x1c: {  	p1 =	slt.u32 s9, $0xF7A;
	s5 =	simm.s32 @!p2 $0x0  }
0x1d: {  	s5 =	simm.s32 @p1 $0x1;
	p0 =	seq.s32 s7, s2  }
0x1e: {  	s7 =	smul.u32 @!p0 $0xF7A, s2;
	p2 =	seq.s32 @!p0 s5, $0x0  }
0x1f: {  	s9 =	smul.u32 $0xF7A, s1;
	s8 =	simm.s32 @!p0 $0x1BF5;
	p2 =	por !p2, p0  }
0x20: {  	[sflag:s8] =	ssyncset.s32 @!p0 $0xFFFFF086;
	s6 =	sadd.s32 @!p0 s3, s7;
	s7 =	simm.s32 @!p0 $0x108  }
0x21: {  	s3 =	sadd.s32 s3, s9;
	s6 =	sadd.s32 @!p0 $0x88, s6;
	s7 =	simm.s32 @p2 $0x1082  }
0x22: {  	[simem:s7], [sflag:s8] =	dma.local @!p0 [hbm:s6], $0xF7A  }
0x23: {  	s9 =	sor.u32 $0xD0000000, s2;
	s6 =	simm.s32 $0x108;
	_ =	swait.ge @!p0 [sflag:s8], $0x0  }
0x24: {  	s3 =	sadd.s32 $0x88, s3;
	s6 =	simm.s32 @!p1 $0x1082;
	[sflag:s4] =	ssyncset.s32 $0xFFFFF086  }
0x25: {  	[simem:s6], [sflag:s4] =	dma.local [hbm:s3], $0xF7A  }
0x26: {  	[smem:$0x3F80] =	sst s1;
	(tag) =	ssettag s2;
	_ =	strace s9  }
0x27: {  	s1 =	sld [smem:$0x3F90]  }
0x28: {  	s2 =	sld [smem:$0x3F91]  }
0x29: {  	s4 =	sld [smem:$0x3F93]  }
0x2a: {  	p0 =	seq.s32 s5, $0x0;
	s5 =	sld [smem:$0x3F94]  }
0x2b: {  	s6 =	sld [smem:$0x3F95]  }
0x2c: {  	s7 =	sld [smem:$0x3F96]  }
0x2d: {  	s3 =	simm.s32 $0x108;
	s8 =	sld [smem:$0x3F97]  }
0x2e: {  	s3 =	simm.s32 @!p0 $0x1082;
	s9 =	sld [smem:$0x3F98]  }
0x2f: {  	lr =	sadd.s32 s0, s3;
	s0 =	sld [smem:$0x3F8F]  }
0x30: {  	s3 =	sld [smem:$0x3F92]  }
0x31: {  	[smem:$0x3F9B] =	sst s10  }
0x32: {  	s10 =	sld [smem:$0x3F99];
	_ =	sdelay $0x3  }
0x33: {  	p0 =	seq.s32 s10, $0x1;
	s10 =	sld [smem:$0x3F9B];
	_ =	sdelay $0x3  }
0x34: {  	[smem:$0x3F9B] =	sst s10  }
0x35: {  	s10 =	sld [smem:$0x3F9A];
	_ =	sdelay $0x3  }
0x36: {  	p1 =	seq.s32 s10, $0x1;
	s10 =	sld [smem:$0x3F9B];
	_ =	sdelay $0x3  }
0x37: {  	[smem:$0x3F9B] =	sst s10  }
0x38: {  	s10 =	sld [smem:$0x3F9C]  }
0x39: {  	_ = 	snop;
	(pc) =	sbr.ind lr, $3  }
0x3a: {  	_ = 	snop  }
0x3b: {  	_ = 	snop  }
0x3c: {  	p2 =	seq.s32 s10, $0x1;
	s10 =	sld [smem:$0x3F9B]  }
0x3d: {  	_ =	shalt  }
0x3e: {  	_ =	shalt  }
0x3f: {  	_ =	shalt  }
0x40: {  	_ =	shalt  }
0x41: {  	_ =	shalt  }
0x42: {  	_ =	shalt  }
0x43: {  	_ =	shalt  }
0x44: {  	_ =	shalt  }
0x45: {  	_ =	shalt  }
0x46: {  	_ =	shalt  }
0x47: {  	_ =	shalt  }
0x48: {  	_ =	shalt  }
0x49: {  	_ =	shalt  }
0x4a: {  	_ =	shalt  }
0x4b: {  	_ =	shalt  }
0x4c: {  	_ =	shalt  }
0x4d: {  	_ =	shalt  }
0x4e: {  	_ =	shalt  }
0x4f: {  	_ =	shalt  }
0x50: {  	_ =	shalt  }
0x51: {  	_ =	shalt  }
0x52: {  	_ =	shalt  }
0x53: {  	_ =	shalt  }
0x54: {  	_ =	shalt  }
0x55: {  	_ =	shalt  }
0x56: {  	_ =	shalt  }
0x57: {  	_ =	shalt  }
0x58: {  	_ =	shalt  }
0x59: {  	_ =	shalt  }
0x5a: {  	_ =	shalt  }
0x5b: {  	_ =	shalt  }
0x5c: {  	_ =	shalt  }
0x5d: {  	_ =	shalt  }
0x5e: {  	_ =	shalt  }
0x5f: {  	_ =	shalt  }
0x60: {  	_ =	shalt  }
0x61: {  	_ =	shalt  }
0x62: {  	_ =	shalt  }
0x63: {  	_ =	shalt  }
0x64: {  	_ =	shalt  }
0x65: {  	_ =	shalt  }
0x66: {  	_ =	shalt  }
0x67: {  	_ =	shalt  }
0x68: {  	_ =	shalt  }
0x69: {  	_ =	shalt  }
0x6a: {  	_ =	shalt  }
0x6b: {  	_ =	shalt  }
0x6c: {  	_ =	shalt  }
0x6d: {  	_ =	shalt  }
0x6e: {  	_ =	shalt  }
0x6f: {  	_ =	shalt  }
0x70: {  	_ =	shalt  }
0x71: {  	_ =	shalt  }
0x72: {  	_ =	shalt  }
0x73: {  	_ =	shalt  }
0x74: {  	_ =	shalt  }
0x75: {  	_ =	shalt  }
0x76: {  	_ =	shalt  }
0x77: {  	_ =	shalt  }
0x78: {  	_ =	shalt  }
0x79: {  	_ =	shalt  }
0x7a: {  	_ =	shalt  }
0x7b: {  	_ =	shalt  }
0x7c: {  	_ =	shalt  }
0x7d: {  	_ =	shalt  }
0x7e: {  	_ =	shalt  }
0x7f: {  	_ =	shalt  }
0x80: {  	_ =	shalt  }
0x81: {  	_ =	shalt  }
0x82: {  	_ =	shalt  }
0x83: {  	_ =	shalt  }
0x84: {  	_ =	shalt  }
0x85: {  	_ =	shalt  }
0x86: {  	_ =	shalt  }
0x87: {  	_ =	shalt  }
.Lfunc_end0:
.L_simem_size_0:
called_computation.1_lowered:
.L_overlay_start_0:
0x88: {  	s2 =	sld [smem:$0x3FD9]  }
0x89: {  	s3 =	sld [smem:$0x3FFE];
	_ =	sdelay $0x1  }
0x8a: {  	s1 =	srdreg.scid  }
0x8b: {  	s0 =	sand.u32 $0x1, s1  }
0x8c: {  	s16 =	sshll.u32 s0, $0xA;
	s2 =	sadd.s32 s3, s2  }
0x8d: {  	s2 =	sadd.s32 s2, s16  }
0x8e: {  	[smem:$0x3FA7] =	sst s2  }
0x8f: {  	_ = 	snop  }
0x90: {  	(tm) =	ssettm $0x1  }
0x91: {  	s17 =	sld [smem:$0x3FFB];
	_ =	sdelay $0x3  }
0x92: {  	_ =	strace s17  }
0x93: {  	s2 =	sld [smem:$0x3FFC];
	_ =	sdelay $0x3  }
0x94: {  	_ =	strace s2  }
0x95: {  	s2 =	sld [smem:$0x3FFD];
	_ =	sdelay $0x3  }
0x96: {  	_ =	strace s2  }
0x97: {  	_ =	strace $0x8FFFFFFF  }
0x98: {  	s18 =	sld [smem:$0x3FDB];
	_ =	sdelay $0x1  }
0x99: {  	s19 =	simm.s32 $_scs_section_size  }
0x9a: {  	s4 =	simm.s32 $_size__tile_overlayer_lowered;
	s5 =	simm.s32 $_tile_overlayer_lowered  }
0x9b: {  	s22 =	simm.s32 $0x1BFF;
	s21 =	sshll.u32 s5, $0x1;
	s2 =	sadd.s32 s19, s18  }
0x9c: {  	s6 =	simm.s32 $0x0;
	s20 =	sshll.u32 s4, $0x1;
	s4 =	sadd.s32 s21, s2  }
0x9d: {  	[timem:s6], [sflag:s22] =	dma.local [hbm:s4], s20  }
0x9e: {  	_ =	swait.ge [sflag:s22], s20  }
0x9f: {  	s3 =	ssub.s32 $0x0, s20;
	[sflag:s22] =	ssyncset.done $0x0  }
0xa0: {  	[sflag:s22] =	ssyncadd.s32 s3;
	_ =	sdelay $0x1  }
0xa1: {  	s23 =	simm.s32 $0x1B8B  }
0xa2: {  	_ =	swait.ge [sflag:s23], $0x1  }
0xa3: {  	[sflag:s23] =	ssyncset.done $0x0  }
0xa4: {  	s25 =	simm.s32 $0x1B8E;
	s24 =	sld [smem:$0x3FFE];
	[sflag:s23] =	ssyncadd.s32 $0xFFFFFFFF  }
0xa5: {  	s26 =	simm.s32 $execute0_lowered;
	[smem:$0x3FD2] =	sst s25  }
0xa6: {  	s4 =	sshll.u32 s26, $0x1;
	_ =	strace $0x80000049;
	[dreg:$0x1] =	wrdreg $0xFFFFFFFF  }
0xa7: {  	s28 =	simm.s32 $_size_execute0_lowered;
	s2 =	sadd.s32 s2, s4;
	[dreg:$0x0] =	wrdreg $0x0  }
0xa8: {  	s4 =	sshll.u32 s28, $0x1;
	[dreg:$0x2] =	wrdreg s2  }
0xa9: {  	[dreg:$0x3] =	wrdreg s4  }
0xaa: {  	[dreg:$0x4] =	wrdreg $0xC0  }
0xab: {  	_ =	task [dreg:s6], $0x5FFFF  }
0xac: {  	[dreg:$0x1] =	wrdreg $0xFFFFFFFF  }
0xad: {  	[dreg:$0x0] =	wrdreg $0x60  }
0xae: {  	[dreg:$0x2] =	wrdreg s24  }
0xaf: {  	[dreg:$0x3] =	wrdreg $0x9  }
0xb0: {  	_ =	task.clear_ibuf [dreg:s6], $0x4FFFF;
	_ =	strace $0x90000049  }
0xb1: {  	s29 =	simm.s32 $0x9;
	_ =	strace $0x8000004B  }
0xb2: {  	_ =	swait.ge [sflag:s29], $0x1  }
0xb3: {  	[sflag:s29] =	ssyncadd.s32 $0xFFFFFFFF  }
0xb4: {  	_ =	strace $0x9000004B  }
0xb5: {  	_ =	sfence  }
0xb6: {  	s30 =	sld [smem:$0x0];
	_ =	sdelay $0x2  }
0xb7: {  	s31 =	sshll.u32 s1, $0xD;
	s1 =	sshrl.u32 s1, $0x2  }
0xb8: {  	s3 =	sand.u32 $0x4000, s31;
	s1 =	sadd.s32 s1, s30  }
0xb9: {  	s0 =	sor.u32 s3, s0;
	s1 =	sshll.u32 s1, $0x11  }
0xba: {  	s0 =	sor.u32 s1, s0  }
0xbb: {  	s0 =	sadd.s32 $0x8F2B, s0  }
0xbc: {  	[sflag:s0] =	ssyncadd.remote.s32 $0x1  }
0xbd: {  	_ =	sfence.sel $0xFFFF  }
0xbe: {  	[dreg:$0x0] =	wrdreg $0xFFFFFFFF;
	(pc) =	sbr.abs _section_cstart, $3  }
0xbf: {  	[dreg:$0x1] =	wrdreg $0xFFFFFFFF  }
0xc0: {  	_ =	task.clear_ibuf [dreg:s6], $0x2FFFF;
	_ =	strace $0x9FFFFFFF  }
0xc1: {  	(tm) =	ssettm $0x7FFFFFFF  }
tec
execute0_lowered:
.L_overlay_start_1:
0x0: {  	(tag) =	ssettag $0x1  }
0x1: {  	s6 =	rddreg [dreg:$0x0];
	s1 =	simm.s32 $0x0  }
0x2: {  	[smem:$0x7FF] =	sst s1  }
0x3: {  	s0 =	rddreg [dreg:$0x1];
	v0 =	vimm.f32 $1.000000000e+00;
	_ =	strace $0x8000004A  }
0x4: {  	(xrf0) =	vmax.scan.msk.f32 $0xffff, v0;
	_ =	sdelay $0x5  }
0x5: {  	v0, _, _ =	vpop (xrf0)  }
0x6: {  	(v2sf) =	vpush v0, $0xF;
	_ =	sdelay $0x7  }
0x7: {  	s3 =	srdreg.scid;
	s2 =	stileid.u32  }
0x8: {  	s10 =	simm.s32 $0x1900;
	s11 =	simm.s32 $0x3500;
	s12 =	simm.s32 $0xEF00  }
0x9: {  	s13 =	simm.s32 $0x5100;
	s3 =	sand.u32 $0x1, s3;
	s4 =	sshll.u32 s2, $0x1  }
0xa: {  	s14 =	simm.s32 $0x7880;
	s15 =	simm.s32 $0xA000;
	s4 =	sor.u32 s3, s4  }
0xb: {  	s5 =	sadd.s32 $0x11C00, s6;
	s8 =	ssub.s32 $0x2, s3;
	s7 =	smul.u32 $0x9E0, s4  }
0xc: {  	s3 =	smul.u32 $0xAF000, s4;
	s4 =	sadd.s32 $0xA2DE00, s6;
	s9 =	sshrl.u32 s8, $0x1  }
0xd: {  	s8 =	ssub.s32 s8, s9;
	s9 =	simm.s32 $0x1;
	s7 =	sadd.s32 s7, s6  }
0xe: {  	v1 =	vlaneseq.u32;
	s6 =	sadd.s32 $0x57800, s3;
	s8 =	smax.u32 s8, $0x1;
	s16 =	spop (v2sf)  }
0xf: {  	v2 =	vimm.f32 $0.0e+00;
	vm0 =	vmmov $0xffff;
	s7 =	sadd.s32 $0xCE9E00, s7;
	v0 =	vimm.f32 $-Inf;
	p0 =	sgt.f32 s16, $0.0e+00;
	s16 =	simm.s32 $0x0  }
.LBB2_1:
0x10: {  	s17 =	simm.s32 $0x40;
	s18 =	simm.s32 $0x0  }
.LBB2_2:
0x11: {  	p1 =	sne.s32 s17, $0x9C00;
	[tilespmem:s18+$0x5100] =	vst v0;
	s19 =	smov.u32 s17;
	s17 =	sadd.s32 $0x40, s17  }
.Ltmp0:
0x12: {  	[tilespmem:s18+$0x7880] =	vst v0;
	(pc) =	sbr.rel @p1 .LBB2_2-.Ltmp0, $2  }
0x13: {  	_ =	sdelay $0x2  }
0x14: {  	s18 =	sshra.s32 s19, $0x2  }
.Ltmp1:
0x15: {  	(pc) =	sbr.rel .LBB2_4-.Ltmp1, $3  }
0x16: {  	_ =	sdelay $0x1  }
0x17: {  	[tilespmem:s18+$0x5100] =	vst v0  }
0x18: {  	s17 =	simm.s32 $0x0;
	[tilespmem:s18+$0x7880] =	vst v0;
	s18 =	simm.s32 $0x0  }
.LBB2_11:
0x19: {  	s18 =	sadd.s32 $0x1, s18  }
0x1a: {  	p1 =	sne.s32 s18, $0x32  }
.Ltmp2:
0x1b: {  	_ = 	snop;
	(pc) =	sbr.rel @!p1 .LBB2_12-.Ltmp2, $1  }
0x1c: {  	_ =	sdelay $0x3  }
.LBB2_4:
0x1d: {  	s19 =	smul.u32 $0x320, s18;
	_ =	sdelay $0x1  }
0x1e: {  	s20 =	smul.u32 $0x1C00, s18;
	s19 =	sadd.s32 s5, s19  }
0x1f: {  	[tilespmem:s17], [sflag:$0x1] =	stream.linear.gather [hbm4b:s19+s17], $0x1900, $0x38;
	[tilespmem:$0x11680] =	vst v63  }
0x20: {  	s30 =	sadd.s32 s3, s20;
	_ =	swait.ge [sflag:s9], $0x1900  }
0x21: {  	s19 =	sshrl.u32 s30, $0x3;
	[sflag:s9] =	ssyncset.done $0x0  }
0x22: {  	s19 =	sadd.s32 s4, s19;
	[sflag:s9] =	ssyncadd.s32 $0xFFFFE700  }
0x23: {  	[tilespmem:s10], [sflag:$0x1] =	stream.linear.gather [hbm4b:s19+s17], $0x1C00, $0x38;
	[tilespmem:$0x11680] =	vst v63  }
0x24: {  	s31 =	sadd.s32 s6, s20;
	_ =	swait.ge [sflag:s9], $0x1C00  }
0x25: {  	s19 =	sshrl.u32 s31, $0x3;
	[sflag:s9] =	ssyncset.done $0x0  }
.Ltmp3:
0x26: {  	s19 =	sadd.s32 s4, s19;
	[sflag:s9] =	ssyncadd.s32 $0xFFFFE400;
	(pc) =	sbr.rel .LBB2_5-.Ltmp3, $4  }
0x27: {  	[tilespmem:s11], [sflag:$0x1] =	stream.linear.gather [hbm4b:s19+s17], $0x1C00, $0x38;
	[tilespmem:$0x11680] =	vst v63  }
0x28: {  	_ =	swait.ge [sflag:s9], $0x1C00  }
0x29: {  	[sflag:s9] =	ssyncset.done $0x0  }
0x2a: {  	s19 =	simm.s32 $0x0;
	[sflag:s9] =	ssyncadd.s32 $0xFFFFE400  }
.LBB2_16:
0x2b: {  	_ =	sdelay $0x3  }
0x2c: {  	v6 =	vld.idx.msk [tilespmem:v3+s13+$0x0], $0xffff;
	_ =	sdelay $0x4  }
0x2d: {  	v5 =	vmax.f32 v6, v5  }
0x2e: {  	[tilespmem:v3+s13+$0x0] =	vst.idx.msk $0xffff, v5  }
0x2f: {  	v5 =	vld.idx.msk [tilespmem:v3+s14+$0x0], $0xffff;
	_ =	sdelay $0x4  }
0x30: {  	v4 =	vmax.f32 v5, v4  }
0x31: {  	[tilespmem:v3+s14+$0x0] =	vst.idx.msk $0xffff, v4  }
.LBB2_10:
0x32: {  	s19 =	sadd.s32 $0x1, s19  }
0x33: {  	p1 =	sne.s32 s19, $0x190  }
.Ltmp4:
0x34: {  	_ = 	snop;
	(pc) =	sbr.rel @!p1 .LBB2_11-.Ltmp4, $1  }
0x35: {  	_ =	sdelay $0x3  }
.LBB2_5:
0x36: {  	s20 =	sand.u32 $0xFFFE, s19  }
0x37: {  	s20 =	sshrl.u32 s20, $0x1  }
0x38: {  	s20 =	smul.u32 $0x147B, s20;
	_ =	sdelay $0x1  }
0x39: {  	s22 =	sshll.u32 s19, $0x4;
	s21 =	sshrl.u32 s20, $0x11  }
0x3a: {  	s22 =	sand.u32 $0x3FFFFFF0, s22;
	s21 =	smul.u32 $0x32, s21  }
0x3b: {  	v3 =	vld [tilespmem:s22+$0x0]  }
0x3c: {  	s30 =	sshrl.u32 s20, $0x14;
	s21 =	ssub.s32 s19, s21  }
0x3d: {  	s22 =	smul.u32 $0x1C00, s30;
	s23 =	sshll.u32 s21, $0x7  }
0x3e: {  	s20 =	sshrl.u32 s20, $0xA;
	s23 =	sand.u32 $0x1C00, s23  }
0x3f: {  	s20 =	sand.u32 $0x380, s20;
	s21 =	sshll.u32 s21, $0x4;
	s22 =	sadd.s32 s23, s22  }
0x40: {  	s21 =	sand.u32 $0x70, s21;
	s20 =	sor.u32 s20, s22  }
0x41: {  	s20 =	sor.u32 s21, s20  }
0x42: {  	v5 =	vld [tilespmem:s20+$0x1900]  }
0x43: {  	v4 =	vld [tilespmem:s20+$0x3500];
	[tilespmem:v3+s12+$0x0] =	vst.idx.msk $0xffff, v1  }
0x44: {  	v6 =	vld.idx.msk [tilespmem:v3+s12+$0x0], $0xffff;
	_ =	sdelay $0x4  }
0x45: {  	vm1 =	veq.s32 v6, v1  }
0x46: {  	v6 =	vsel vm1, $0x3F800000, v2  }
0x47: {  	(xrf0) =	vmin.scan.msk.f32 $0xffff, v6;
	_ =	sdelay $0x5  }
0x48: {  	v6, _, _ =	vpop (xrf0)  }
0x49: {  	(v2sf) =	vpush v6, $0xF;
	_ =	sdelay $0xe  }
0x4a: {  	s31 =	spop (v2sf)  }
0x4b: {  	p1 =	sgt.f32 s31, $0.0e+00  }
.Ltmp5:
0x4c: {  	_ = 	snop;
	(pc) =	sbr.rel @p1 .LBB2_16-.Ltmp5, $1  }
0x4d: {  	_ =	sdelay $0x3  }
0x4e: {  	vm1 =	vmmov vm0  }
.Ltmp6:
0x4f: {  	_ = 	snop;
	(pc) =	sbr.rel @!p0 .LBB2_10-.Ltmp6, $1  }
0x50: {  	_ =	sdelay $0x3  }
.LBB2_7:
0x51: {  	v6 =	vld.idx.msk [tilespmem:v3+s13+$0x0], vm1;
	_ =	sdelay $0x4  }
0x52: {  	v6 =	vmax.f32 v6, v5  }
0x53: {  	[tilespmem:v3+s13+$0x0] =	vst.idx.msk vm1, v6  }
0x54: {  	v7 =	vld.idx.msk [tilespmem:v3+s13+$0x0], vm1;
	_ =	sdelay $0x4  }
0x55: {  	vm2 =	vlt.f32 v7, v6  }
0x56: {  	vm1 =	vmand vm1, vm2  }
0x57: {  	v6 =	vsel vm1, $0x3F800000, v2  }
0x58: {  	(xrf0) =	vmax.scan.msk.f32 $0xffff, v6;
	_ =	sdelay $0x5  }
0x59: {  	v6, _, _ =	vpop (xrf0)  }
0x5a: {  	(v2sf) =	vpush v6, $0xF;
	_ =	sdelay $0xe  }
0x5b: {  	s20 =	spop (v2sf)  }
0x5c: {  	p1 =	sgt.f32 s20, $0.0e+00  }
.Ltmp7:
0x5d: {  	_ = 	snop;
	(pc) =	sbr.rel @p1 .LBB2_7-.Ltmp7, $1  }
0x5e: {  	_ =	sdelay $0x3  }
0x5f: {  	vm1 =	vmmov vm0  }
.LBB2_9:
0x60: {  	v5 =	vld.idx.msk [tilespmem:v3+s14+$0x0], vm1;
	_ =	sdelay $0x4  }
0x61: {  	v5 =	vmax.f32 v5, v4  }
0x62: {  	[tilespmem:v3+s14+$0x0] =	vst.idx.msk vm1, v5  }
0x63: {  	v6 =	vld.idx.msk [tilespmem:v3+s14+$0x0], vm1;
	_ =	sdelay $0x4  }
0x64: {  	vm2 =	vlt.f32 v6, v5  }
0x65: {  	vm1 =	vmand vm1, vm2  }
0x66: {  	v5 =	vsel vm1, $0x3F800000, v2  }
0x67: {  	(xrf0) =	vmax.scan.msk.f32 $0xffff, v5;
	_ =	sdelay $0x5  }
0x68: {  	v5, _, _ =	vpop (xrf0)  }
0x69: {  	(v2sf) =	vpush v5, $0xF;
	_ =	sdelay $0xe  }
0x6a: {  	s20 =	spop (v2sf)  }
0x6b: {  	p1 =	sgt.f32 s20, $0.0e+00  }
.Ltmp8:
0x6c: {  	_ = 	snop;
	(pc) =	sbr.rel @p1 .LBB2_9-.Ltmp8, $1  }
0x6d: {  	_ =	sdelay $0x3  }
.Ltmp9:
0x6e: {  	_ = 	snop;
	(pc) =	sbr.rel .LBB2_10-.Ltmp9, $1  }
0x6f: {  	_ =	sdelay $0x3  }
.LBB2_12:
0x70: {  	s17 =	simm.s32 $0x5100  }
0x71: {  	v3 =	vld [tilespmem:s17+$0x0];
	_ =	sdelay $0x3  }
0x72: {  	s18 =	simm.s32 $0x0  }
0x73: {  	s31 =	sand.u32 $0x70, s18;
	s19 =	sand.u32 $0x7F00, s18;
	vm1 =	veq.f32 v3, $-Inf  }
0x74: {  	s19 =	sor.u32 s31, s19;
	v3 =	vsel vm1, $0x0, v3  }
0x75: {  	s17 =	simm.s32 $0x7880;
	[tilespmem:s19+$0xA000] =	vst v3  }
0x76: {  	v3 =	vld [tilespmem:s17+$0x0];
	_ =	sdelay $0x4  }
0x77: {  	vm1 =	veq.f32 v3, $-Inf  }
0x78: {  	v3 =	vsel vm1, $0x0, v3  }
0x79: {  	[tilespmem:s19+$0xA080] =	vst v3;
	s19 =	simm.s32 $0x5110  }
0x7a: {  	s20 =	simm.s32 $0x10;
	s21 =	simm.s32 $0x20;
	v3 =	vld [tilespmem:s19+$0x0]  }
.LBB2_13:
0x7b: {  	p1 =	sne.s32 s21, $0x2700;
	_ =	sdelay $0x2  }
0x7c: {  	s18 =	sadd.s32 $0x20, s18  }
0x7d: {  	s22 =	sand.u32 $0x70, s20;
	s20 =	smov.u32 s21;
	s23 =	sand.u32 $0x7F00, s18;
	vm1 =	veq.f32 v3, $-Inf  }
0x7e: {  	s22 =	sor.u32 s22, s23;
	v3 =	vsel vm1, $0x0, v3  }
0x7f: {  	s17 =	sadd.s32 $0x10, s17;
	[tilespmem:s22+$0xA000] =	vst v3  }
0x80: {  	v3 =	vld [tilespmem:s17+$0x0];
	_ =	sdelay $0x3  }
.Ltmp10:
0x81: {  	(pc) =	sbr.rel @p1 .LBB2_13-.Ltmp10, $4  }
0x82: {  	vm1 =	veq.f32 v3, $-Inf  }
0x83: {  	v3 =	vsel vm1, $0x0, v3  }
0x84: {  	s19 =	sadd.s32 $0x10, s19;
	[tilespmem:s22+$0xA080] =	vst v3  }
0x85: {  	s21 =	sadd.s32 $0x10, s21;
	v3 =	vld [tilespmem:s19+$0x0]  }
0x86: {  	_ =	sdelay $0x2  }
0x87: {  	s18 =	sadd.s32 $0x20, s18  }
0x88: {  	s19 =	sand.u32 $0x70, s20;
	s18 =	sand.u32 $0x7F00, s18;
	vm1 =	veq.f32 v3, $-Inf  }
0x89: {  	s18 =	sor.u32 s19, s18;
	v3 =	vsel vm1, $0x0, v3  }
0x8a: {  	s17 =	sadd.s32 $0x10, s17;
	[tilespmem:s18+$0xA000] =	vst v3  }
0x8b: {  	v3 =	vld [tilespmem:s17+$0x0];
	_ =	sdelay $0x4  }
0x8c: {  	s16 =	sadd.s32 $0x1, s16;
	vm1 =	veq.f32 v3, $-Inf  }
0x8d: {  	p1 =	sne.s32 s16, s8;
	v3 =	vsel vm1, $0x0, v3  }
.Ltmp11:
0x8e: {  	[tilespmem:s18+$0xA080] =	vst v3;
	(pc) =	sbr.rel @p1 .LBB2_1-.Ltmp11, $4  }
0x8f: {  	[hbm4b:s7+s1] =	stream.linear.scatter [tilespmem:s15], [sflag:$0x1], $0x4F00, $0x38;
	[tilespmem:$0x11680] =	vst v63  }
0x90: {  	_ =	swait.ge [sflag:s9], $0x4F00  }
0x91: {  	[sflag:s9] =	ssyncset.done $0x0  }
0x92: {  	[sflag:s9] =	ssyncadd.s32 $0xFFFFB100  }
0x93: {  	_ =	sfence.sel $0x180000  }
0x94: {  	[bflag:$0x0] =	sbarrier.arrive $0xFFFF  }
0x95: {  	p0 =	sne.s32 s2, $0x0;
	_ =	strace $0x9000004A  }
0x96: {  	s0 =	sadd.s32 @!p0 $0x100000, s0;
	[bflag:$0x2] =	sbarrier.arrive $0xFFFF  }
0x97: {  	[sflag:s0] =	ssyncadd.tile.s32 @!p0 $0x1;
	_ =	shalt  }
.Lfunc_end2:
_tile_overlayer_lowered:
.L_overlay_start_2:
0x98: {  	(tag) =	ssettag $0x2  }
0x99: {  	s0 =	rddreg [dreg:$0x0];
	s2 =	stileid.u32  }
0x9a: {  	s1 =	rddreg [dreg:$0x1];
	p0 =	sne.s32 s2, $0x0  }
0x9b: {  	s3 =	rddreg [dreg:$0x2];
	[bflag:$0x3] =	sbarrier.arrive $0xFFFF;
	s2 =	simm.s32 @!p0 $0x1C01  }
0x9c: {  	[timem:s3], [sflag:s2] =	dma.local @!p0 [hbm:s0], s1  }
0x9d: {  	s0 =	simm.s32 @!p0 $0x1  }
0x9e: {  	_ =	swait.ge @!p0 [sflag:s0], s1  }
0x9f: {  	s1 =	ssub.s32 @!p0 $0x0, s1;
	[sflag:s0] =	ssyncset.done @!p0 $0x0  }
0xa0: {  	[sflag:s0] =	ssyncadd.s32 @!p0 s1  }
0xa1: {  	[bflag:$0x3] =	sbarrier.arrive $0xFFFF  }
0xa2: {  	_ =	shalt  }

// kernel: kernel.18.cloned.1.call-start
scs
__scs_entry_jumppad:
0x0: {  	(pc) =	sbr.rel $0x88, $3  }
0x1: {  	(tag) =	ssettag $0x0;
	lr =	simm.s32 $0x1  }
0x2: {  	[smem:$0x3F80] =	sst lr;
	_ =	strace $0xD0000000  }
0x3: {  	_ = 	snop  }
0x4: {  	_ = 	snop  }
0x5: {  	_ = 	snop  }
0x6: {  	_ = 	snop  }
0x7: {  	_ = 	snop  }
__scs_overlays_trampoline_lowered:
0x8: {  	[smem:$0x3F8F] =	sst s0  }
0x9: {  	[smem:$0x3F90] =	sst s1  }
0xa: {  	[smem:$0x3F91] =	sst s2  }
0xb: {  	[smem:$0x3F92] =	sst s3  }
0xc: {  	[smem:$0x3F93] =	sst s4  }
0xd: {  	[smem:$0x3F94] =	sst s5  }
0xe: {  	[smem:$0x3F95] =	sst s6  }
0xf: {  	[smem:$0x3F96] =	sst s7  }
0x10: {  	[smem:$0x3F97] =	sst s8  }
0x11: {  	[smem:$0x3F98] =	sst s9;
	s0 =	simm.s32 @!p0 $0x0  }
0x12: {  	s1 =	sld [smem:$0x3F7E];
	s0 =	simm.s32 @p0 $0x1  }
0x13: {  	[smem:$0x3F99] =	sst s0;
	s0 =	simm.s32 @!p1 $0x0  }
0x14: {  	s2 =	sld [smem:$0x3F7D];
	s0 =	simm.s32 @p1 $0x1  }
0x15: {  	[smem:$0x3F9A] =	sst s0;
	s0 =	simm.s32 @!p2 $0x0  }
0x16: {  	s3 =	sld [smem:$0x3FDB];
	s0 =	simm.s32 @p2 $0x1  }
0x17: {  	s4 =	simm.s32 $0x1BF5;
	[smem:$0x3F9C] =	sst s0  }
0x18: {  	s0 =	sld [smem:$0x3F7F];
	_ =	swait.ge [sflag:s4], $0x0  }
0x19: {  	s7 =	sld [smem:$0x3F80]  }
0x1a: {  	s8 =	sadd.s32 $0xFFFFE003, lr  }
0x1b: {  	s9 =	sadd.s32 $0xFFFFFEF7, lr;
	s5 =	simm.s32 $0xFFFFFFFF;
	p2 =	slt.u32 s8, $0xFFFFF086  }
0x1c: {  	p1 =	slt.u32 s9, $0xF7A;
	s5 =	simm.s32 @!p2 $0x0  }
0x1d: {  	s5 =	simm.s32 @p1 $0x1;
	p0 =	seq.s32 s7, s2  }
0x1e: {  	s7 =	smul.u32 @!p0 $0xF7A, s2;
	p2 =	seq.s32 @!p0 s5, $0x0  }
0x1f: {  	s9 =	smul.u32 $0xF7A, s1;
	s8 =	simm.s32 @!p0 $0x1BF5;
	p2 =	por !p2, p0  }
0x20: {  	[sflag:s8] =	ssyncset.s32 @!p0 $0xFFFFF086;
	s6 =	sadd.s32 @!p0 s3, s7;
	s7 =	simm.s32 @!p0 $0x108  }
0x21: {  	s3 =	sadd.s32 s3, s9;
	s6 =	sadd.s32 @!p0 $0x88, s6;
	s7 =	simm.s32 @p2 $0x1082  }
0x22: {  	[simem:s7], [sflag:s8] =	dma.local @!p0 [hbm:s6], $0xF7A  }
0x23: {  	s9 =	sor.u32 $0xD0000000, s2;
	s6 =	simm.s32 $0x108;
	_ =	swait.ge @!p0 [sflag:s8], $0x0  }
0x24: {  	s3 =	sadd.s32 $0x88, s3;
	s6 =	simm.s32 @!p1 $0x1082;
	[sflag:s4] =	ssyncset.s32 $0xFFFFF086  }
0x25: {  	[simem:s6], [sflag:s4] =	dma.local [hbm:s3], $0xF7A  }
0x26: {  	[smem:$0x3F80] =	sst s1;
	(tag) =	ssettag s2;
	_ =	strace s9  }
0x27: {  	s1 =	sld [smem:$0x3F90]  }
0x28: {  	s2 =	sld [smem:$0x3F91]  }
0x29: {  	s4 =	sld [smem:$0x3F93]  }
0x2a: {  	p0 =	seq.s32 s5, $0x0;
	s5 =	sld [smem:$0x3F94]  }
0x2b: {  	s6 =	sld [smem:$0x3F95]  }
0x2c: {  	s7 =	sld [smem:$0x3F96]  }
0x2d: {  	s3 =	simm.s32 $0x108;
	s8 =	sld [smem:$0x3F97]  }
0x2e: {  	s3 =	simm.s32 @!p0 $0x1082;
	s9 =	sld [smem:$0x3F98]  }
0x2f: {  	lr =	sadd.s32 s0, s3;
	s0 =	sld [smem:$0x3F8F]  }
0x30: {  	s3 =	sld [smem:$0x3F92]  }
0x31: {  	[smem:$0x3F9B] =	sst s10  }
0x32: {  	s10 =	sld [smem:$0x3F99];
	_ =	sdelay $0x3  }
0x33: {  	p0 =	seq.s32 s10, $0x1;
	s10 =	sld [smem:$0x3F9B];
	_ =	sdelay $0x3  }
0x34: {  	[smem:$0x3F9B] =	sst s10  }
0x35: {  	s10 =	sld [smem:$0x3F9A];
	_ =	sdelay $0x3  }
0x36: {  	p1 =	seq.s32 s10, $0x1;
	s10 =	sld [smem:$0x3F9B];
	_ =	sdelay $0x3  }
0x37: {  	[smem:$0x3F9B] =	sst s10  }
0x38: {  	s10 =	sld [smem:$0x3F9C]  }
0x39: {  	_ = 	snop;
	(pc) =	sbr.ind lr, $3  }
0x3a: {  	_ = 	snop  }
0x3b: {  	_ = 	snop  }
0x3c: {  	p2 =	seq.s32 s10, $0x1;
	s10 =	sld [smem:$0x3F9B]  }
0x3d: {  	_ =	shalt  }
0x3e: {  	_ =	shalt  }
0x3f: {  	_ =	shalt  }
0x40: {  	_ =	shalt  }
0x41: {  	_ =	shalt  }
0x42: {  	_ =	shalt  }
0x43: {  	_ =	shalt  }
0x44: {  	_ =	shalt  }
0x45: {  	_ =	shalt  }
0x46: {  	_ =	shalt  }
0x47: {  	_ =	shalt  }
0x48: {  	_ =	shalt  }
0x49: {  	_ =	shalt  }
0x4a: {  	_ =	shalt  }
0x4b: {  	_ =	shalt  }
0x4c: {  	_ =	shalt  }
0x4d: {  	_ =	shalt  }
0x4e: {  	_ =	shalt  }
0x4f: {  	_ =	shalt  }
0x50: {  	_ =	shalt  }
0x51: {  	_ =	shalt  }
0x52: {  	_ =	shalt  }
0x53: {  	_ =	shalt  }
0x54: {  	_ =	shalt  }
0x55: {  	_ =	shalt  }
0x56: {  	_ =	shalt  }
0x57: {  	_ =	shalt  }
0x58: {  	_ =	shalt  }
0x59: {  	_ =	shalt  }
0x5a: {  	_ =	shalt  }
0x5b: {  	_ =	shalt  }
0x5c: {  	_ =	shalt  }
0x5d: {  	_ =	shalt  }
0x5e: {  	_ =	shalt  }
0x5f: {  	_ =	shalt  }
0x60: {  	_ =	shalt  }
0x61: {  	_ =	shalt  }
0x62: {  	_ =	shalt  }
0x63: {  	_ =	shalt  }
0x64: {  	_ =	shalt  }
0x65: {  	_ =	shalt  }
0x66: {  	_ =	shalt  }
0x67: {  	_ =	shalt  }
0x68: {  	_ =	shalt  }
0x69: {  	_ =	shalt  }
0x6a: {  	_ =	shalt  }
0x6b: {  	_ =	shalt  }
0x6c: {  	_ =	shalt  }
0x6d: {  	_ =	shalt  }
0x6e: {  	_ =	shalt  }
0x6f: {  	_ =	shalt  }
0x70: {  	_ =	shalt  }
0x71: {  	_ =	shalt  }
0x72: {  	_ =	shalt  }
0x73: {  	_ =	shalt  }
0x74: {  	_ =	shalt  }
0x75: {  	_ =	shalt  }
0x76: {  	_ =	shalt  }
0x77: {  	_ =	shalt  }
0x78: {  	_ =	shalt  }
0x79: {  	_ =	shalt  }
0x7a: {  	_ =	shalt  }
0x7b: {  	_ =	shalt  }
0x7c: {  	_ =	shalt  }
0x7d: {  	_ =	shalt  }
0x7e: {  	_ =	shalt  }
0x7f: {  	_ =	shalt  }
0x80: {  	_ =	shalt  }
0x81: {  	_ =	shalt  }
0x82: {  	_ =	shalt  }
0x83: {  	_ =	shalt  }
0x84: {  	_ =	shalt  }
0x85: {  	_ =	shalt  }
0x86: {  	_ =	shalt  }
0x87: {  	_ =	shalt  }
.Lfunc_end0:
.L_simem_size_0:
called_computation.2_lowered:
.L_overlay_start_0:
0x88: {  	s2 =	sld [smem:$0x3FD9]  }
0x89: {  	s3 =	sld [smem:$0x3FFE];
	_ =	sdelay $0x1  }
0x8a: {  	s1 =	srdreg.scid  }
0x8b: {  	s0 =	sand.u32 $0x1, s1  }
0x8c: {  	s16 =	sshll.u32 s0, $0xA;
	s2 =	sadd.s32 s3, s2  }
0x8d: {  	s2 =	sadd.s32 s2, s16  }
0x8e: {  	[smem:$0x3FA7] =	sst s2  }
0x8f: {  	_ = 	snop  }
0x90: {  	(tm) =	ssettm $0x1  }
0x91: {  	s17 =	sld [smem:$0x3FFB];
	_ =	sdelay $0x3  }
0x92: {  	_ =	strace s17  }
0x93: {  	s2 =	sld [smem:$0x3FFC];
	_ =	sdelay $0x3  }
0x94: {  	_ =	strace s2  }
0x95: {  	s2 =	sld [smem:$0x3FFD];
	_ =	sdelay $0x3  }
0x96: {  	_ =	strace s2  }
0x97: {  	_ =	strace $0x8FFFFFFF  }
0x98: {  	s18 =	sld [smem:$0x3FDB];
	_ =	sdelay $0x1  }
0x99: {  	s19 =	simm.s32 $_scs_section_size  }
0x9a: {  	s4 =	simm.s32 $_size__tile_overlayer_lowered;
	s5 =	simm.s32 $_tile_overlayer_lowered  }
0x9b: {  	s22 =	simm.s32 $0x1BFF;
	s21 =	sshll.u32 s5, $0x1;
	s2 =	sadd.s32 s19, s18  }
0x9c: {  	s6 =	simm.s32 $0x0;
	s20 =	sshll.u32 s4, $0x1;
	s4 =	sadd.s32 s21, s2  }
0x9d: {  	[timem:s6], [sflag:s22] =	dma.local [hbm:s4], s20  }
0x9e: {  	_ =	swait.ge [sflag:s22], s20  }
0x9f: {  	s3 =	ssub.s32 $0x0, s20;
	[sflag:s22] =	ssyncset.done $0x0  }
0xa0: {  	[sflag:s22] =	ssyncadd.s32 s3;
	_ =	sdelay $0x1  }
0xa1: {  	s23 =	simm.s32 $0x1B8B  }
0xa2: {  	_ =	swait.ge [sflag:s23], $0x1  }
0xa3: {  	[sflag:s23] =	ssyncset.done $0x0  }
0xa4: {  	s25 =	simm.s32 $0x1B8E;
	s24 =	sld [smem:$0x3FFE];
	[sflag:s23] =	ssyncadd.s32 $0xFFFFFFFF  }
0xa5: {  	s26 =	simm.s32 $execute0_lowered;
	[smem:$0x3FD2] =	sst s25  }
0xa6: {  	s4 =	sshll.u32 s26, $0x1;
	_ =	strace $0x8000004C;
	[dreg:$0x1] =	wrdreg $0xFFFFFFFF  }
0xa7: {  	s28 =	simm.s32 $_size_execute0_lowered;
	s2 =	sadd.s32 s2, s4;
	[dreg:$0x0] =	wrdreg $0x0  }
0xa8: {  	s4 =	sshll.u32 s28, $0x1;
	[dreg:$0x2] =	wrdreg s2  }
0xa9: {  	[dreg:$0x3] =	wrdreg s4  }
0xaa: {  	[dreg:$0x4] =	wrdreg $0xC0  }
0xab: {  	_ =	task [dreg:s6], $0x5FFFF  }
0xac: {  	[dreg:$0x1] =	wrdreg $0xFFFFFFFF  }
0xad: {  	[dreg:$0x0] =	wrdreg $0x60  }
0xae: {  	[dreg:$0x2] =	wrdreg s24  }
0xaf: {  	[dreg:$0x3] =	wrdreg $0x9  }
0xb0: {  	_ =	task.clear_ibuf [dreg:s6], $0x4FFFF;
	_ =	strace $0x9000004C  }
0xb1: {  	s29 =	simm.s32 $0x9;
	_ =	strace $0x8000004E  }
0xb2: {  	_ =	swait.ge [sflag:s29], $0x1  }
0xb3: {  	[sflag:s29] =	ssyncadd.s32 $0xFFFFFFFF  }
0xb4: {  	_ =	strace $0x9000004E  }
0xb5: {  	_ =	sfence  }
0xb6: {  	s30 =	sld [smem:$0x0];
	_ =	sdelay $0x2  }
0xb7: {  	s31 =	sshll.u32 s1, $0xD;
	s1 =	sshrl.u32 s1, $0x2  }
0xb8: {  	s3 =	sand.u32 $0x4000, s31;
	s1 =	sadd.s32 s1, s30  }
0xb9: {  	s0 =	sor.u32 s3, s0;
	s1 =	sshll.u32 s1, $0x11  }
0xba: {  	s0 =	sor.u32 s1, s0  }
0xbb: {  	s0 =	sadd.s32 $0x8F2B, s0  }
0xbc: {  	[sflag:s0] =	ssyncadd.remote.s32 $0x1  }
0xbd: {  	_ =	sfence.sel $0xFFFF  }
0xbe: {  	[dreg:$0x0] =	wrdreg $0xFFFFFFFF;
	(pc) =	sbr.abs _section_cstart, $3  }
0xbf: {  	[dreg:$0x1] =	wrdreg $0xFFFFFFFF  }
0xc0: {  	_ =	task.clear_ibuf [dreg:s6], $0x2FFFF;
	_ =	strace $0x9FFFFFFF  }
0xc1: {  	(tm) =	ssettm $0x7FFFFFFF  }
tec
execute0_lowered:
.L_overlay_start_1:
0x0: {  	(tag) =	ssettag $0x1  }
0x1: {  	s4 =	rddreg [dreg:$0x0]  }
0x2: {  	s0 =	rddreg [dreg:$0x1]  }
0x3: {  	s2 =	simm.s32 $0x0;
	s3 =	srdreg.scid;
	s1 =	stileid.u32  }
0x4: {  	[smem:$0x7FF] =	sst s2;
	s5 =	sand.u32 $0x1, s3;
	s3 =	sadd.s32 $0x42C00, s4  }
0x5: {  	s6 =	sshll.u32 s1, $0x5;
	s8 =	sshll.u32 s1, $0xC;
	_ =	strace $0x8000004D  }
0x6: {  	s7 =	ssub.s32 $0x2, s5;
	s6 =	sadd.s32 s6, s4;
	s8 =	sadd.s32 s8, s4  }
0x7: {  	s31 =	sshll.u32 s5, $0x4;
	s10 =	sshll.u32 s5, $0xB;
	s9 =	sshrl.u32 s7, $0x1  }
0x8: {  	s4 =	sshll.u32 s1, $0x1;
	s10 =	sadd.s32 s10, s8;
	s7 =	ssub.s32 s7, s9  }
0x9: {  	s9 =	sadd.s32 s31, s6;
	s8 =	sadd.s32 $0x54BE00, s10;
	s5 =	smax.u32 s7, $0x1  }
0xa: {  	s6 =	sadd.s32 $0x7E00, s9;
	s7 =	sadd.s32 $0x11C00, s9;
	s9 =	sadd.s32 $0x69E00, s10  }
.LBB2_1:
0xb: {  	p0 =	sgt.u32 s4, $0x9C3  }
0xc: {  	s10 =	sadd.s32 @!p0 $0x0, s7;
	s11 =	simm.s32 @!p0 $0x0;
	s14 =	simm.s32 @!p0 $0x4  }
0xd: {  	[tilespmem:s11], [sflag:$0x4] =	stream.linear.gather @!p0 [hbm4b:s10+s11], $0x80, $0x38;
	[tilespmem:$0x8100] =	vst v63  }
0xe: {  	_ =	swait.ge @!p0 [sflag:s14], $0x80;
	p0 =	por p0, p0  }
0xf: {  	[sflag:s14] =	ssyncset.done @!p0 $0x0  }
0x10: {  	s10 =	sadd.s32 @!p0 $0x0, s6;
	s12 =	simm.s32 @!p0 $0x80;
	[sflag:s14] =	ssyncadd.s32 @!p0 $0xFFFFFF80  }
0x11: {  	[tilespmem:s12], [sflag:$0x4] =	stream.linear.gather @!p0 [hbm4b:s10+s11], $0x80, $0x38;
	[tilespmem:$0x8100] =	vst v63  }
0x12: {  	_ =	swait.ge @!p0 [sflag:s14], $0x80  }
0x13: {  	[sflag:s14] =	ssyncset.done @!p0 $0x0  }
0x14: {  	s10 =	simm.s32 @!p0 $0x100;
	[sflag:s14] =	ssyncadd.s32 @!p0 $0xFFFFFF80  }
0x15: {  	[tilespmem:s10], [sflag:$0x1] =	stream.indirect.gather @!p0 [hbm4b:s3+s12], $0x80, s11, s12, $0xb8;
	[tilespmem:$0x8100] =	vst v63  }
0x16: {  	s15 =	simm.s32 @!p0 $0x4100;
	s13 =	simm.s32 @!p0 $0x1  }
0x17: {  	[tilespmem:s15], [sflag:$0x2] =	stream.indirect.gather @!p0 [hbm4b:s3+s12], $0x80, s12, s12, $0xb8;
	[tilespmem:$0x8100] =	vst v63  }
0x18: {  	_ =	swait.ge @!p0 [sflag:s13], $0x4000  }
0x19: {  	[sflag:s13] =	ssyncset.done @!p0 $0x0  }
0x1a: {  	s12 =	simm.s32 @!p0 $0x2;
	[sflag:s13] =	ssyncadd.s32 @!p0 $0xFFFFC000  }
0x1b: {  	_ =	swait.ge @!p0 [sflag:s12], $0x4000  }
0x1c: {  	[sflag:s12] =	ssyncset.done @!p0 $0x0  }
0x1d: {  	[sflag:s12] =	ssyncadd.s32 @!p0 $0xFFFFC000  }
0x1e: {  	[hbm4b:s9+s11] =	stream.linear.scatter @!p0 [tilespmem:s10], [sflag:$0x4], $0x4000, $0x38;
	[tilespmem:$0x8100] =	vst v63  }
0x1f: {  	_ =	swait.ge @!p0 [sflag:s14], $0x4000  }
0x20: {  	[sflag:s14] =	ssyncset.done @!p0 $0x0  }
0x21: {  	s13 =	simm.s32 $0x400;
	s12 =	simm.s32 $0x200;
	[sflag:s14] =	ssyncadd.s32 @!p0 $0xFFFFC000  }
0x22: {  	[hbm4b:s8+s11] =	stream.linear.scatter @!p0 [tilespmem:s15], [sflag:$0x3], $0x4000, $0x38;
	[tilespmem:$0x8100] =	vst v63  }
0x23: {  	s10 =	sadd.s32 $0x10000, s9;
	s14 =	sadd.s32 $0x20, s4;
	s15 =	simm.s32 @!p0 $0x3  }
0x24: {  	p2 =	sgt.u32 s14, $0x9C3;
	s11 =	sadd.s32 $0x10000, s8;
	_ =	swait.ge @!p0 [sflag:s15], $0x4000  }
.LBB2_2:
0x25: {  	s16 =	sadd.s32 @!p2 s12, s7  }
0x26: {  	s17 =	simm.s32 @!p2 $0x0;
	[sflag:s15] =	ssyncset.done @!p0 $0x0;
	s18 =	smov.u32 s13  }
0x27: {  	s13 =	sadd.s32 $0x200, s13;
	s19 =	simm.s32 @!p2 $0x4;
	[sflag:s15] =	ssyncadd.s32 @!p0 $0xFFFFC000  }
0x28: {  	[tilespmem:s17], [sflag:$0x4] =	stream.linear.gather @!p2 [hbm4b:s16+s17], $0x80, $0x38;
	[tilespmem:$0x8100] =	vst v63  }
0x29: {  	p1 =	sne.s32 s13, $0x9E00;
	p0 =	por p2, p2;
	_ =	swait.ge @!p2 [sflag:s19], $0x80  }
0x2a: {  	[sflag:s19] =	ssyncset.done @!p0 $0x0  }
0x2b: {  	s12 =	sadd.s32 @!p0 s12, s6;
	s15 =	simm.s32 @!p0 $0x80;
	[sflag:s19] =	ssyncadd.s32 @!p0 $0xFFFFFF80  }
0x2c: {  	[tilespmem:s15], [sflag:$0x4] =	stream.linear.gather @!p0 [hbm4b:s12+s17], $0x80, $0x38;
	[tilespmem:$0x8100] =	vst v63  }
0x2d: {  	s12 =	smov.u32 s18;
	_ =	swait.ge @!p0 [sflag:s19], $0x80  }
0x2e: {  	[sflag:s19] =	ssyncset.done @!p0 $0x0  }
0x2f: {  	s16 =	simm.s32 @!p0 $0x100;
	[sflag:s19] =	ssyncadd.s32 @!p0 $0xFFFFFF80  }
0x30: {  	[tilespmem:s16], [sflag:$0x1] =	stream.indirect.gather @!p0 [hbm4b:s3+s15], $0x80, s17, s15, $0xb8;
	[tilespmem:$0x8100] =	vst v63  }
0x31: {  	s20 =	simm.s32 @!p0 $0x1;
	s18 =	simm.s32 @!p0 $0x4100  }
0x32: {  	[tilespmem:s18], [sflag:$0x2] =	stream.indirect.gather @!p0 [hbm4b:s3+s15], $0x80, s15, s15, $0xb8;
	[tilespmem:$0x8100] =	vst v63  }
0x33: {  	_ =	swait.ge @!p0 [sflag:s20], $0x4000  }
0x34: {  	[sflag:s20] =	ssyncset.done @!p0 $0x0  }
0x35: {  	s15 =	simm.s32 @!p0 $0x2;
	[sflag:s20] =	ssyncadd.s32 @!p0 $0xFFFFC000  }
0x36: {  	_ =	swait.ge @!p0 [sflag:s15], $0x4000  }
0x37: {  	[sflag:s15] =	ssyncset.done @!p0 $0x0  }
0x38: {  	[sflag:s15] =	ssyncadd.s32 @!p0 $0xFFFFC000  }
0x39: {  	[hbm4b:s10+s17] =	stream.linear.scatter @!p0 [tilespmem:s16], [sflag:$0x4], $0x4000, $0x38;
	[tilespmem:$0x8100] =	vst v63  }
.Ltmp0:
0x3a: {  	_ =	swait.ge @!p0 [sflag:s19], $0x4000;
	(pc) =	sbr.rel @p1 .LBB2_2-.Ltmp0, $4  }
0x3b: {  	s10 =	sadd.s32 $0x10000, s10;
	[sflag:s19] =	ssyncset.done @!p0 $0x0  }
0x3c: {  	s14 =	sadd.s32 $0x20, s14;
	s15 =	simm.s32 @!p0 $0x3;
	[sflag:s19] =	ssyncadd.s32 @!p0 $0xFFFFC000  }
0x3d: {  	[hbm4b:s11+s17] =	stream.linear.scatter @!p0 [tilespmem:s18], [sflag:$0x3], $0x4000, $0x38;
	[tilespmem:$0x8100] =	vst v63  }
0x3e: {  	p2 =	sgt.u32 s14, $0x9C3;
	s11 =	sadd.s32 $0x10000, s11;
	_ =	swait.ge @!p0 [sflag:s15], $0x4000  }
0x3f: {  	s13 =	sadd.s32 @!p2 s12, s7;
	[sflag:s15] =	ssyncset.done @!p0 $0x0  }
0x40: {  	s14 =	simm.s32 @!p2 $0x0;
	s16 =	simm.s32 @!p2 $0x4;
	[sflag:s15] =	ssyncadd.s32 @!p0 $0xFFFFC000  }
0x41: {  	[tilespmem:s14], [sflag:$0x4] =	stream.linear.gather @!p2 [hbm4b:s13+s14], $0x80, $0x38;
	[tilespmem:$0x8100] =	vst v63  }
0x42: {  	p0 =	por p2, p2;
	_ =	swait.ge @!p2 [sflag:s16], $0x80  }
0x43: {  	[sflag:s16] =	ssyncset.done @!p0 $0x0  }
0x44: {  	s12 =	sadd.s32 @!p0 s12, s6;
	s13 =	simm.s32 @!p0 $0x80;
	[sflag:s16] =	ssyncadd.s32 @!p0 $0xFFFFFF80  }
0x45: {  	[tilespmem:s13], [sflag:$0x4] =	stream.linear.gather @!p0 [hbm4b:s12+s14], $0x80, $0x38;
	[tilespmem:$0x8100] =	vst v63  }
0x46: {  	_ =	swait.ge @!p0 [sflag:s16], $0x80  }
0x47: {  	[sflag:s16] =	ssyncset.done @!p0 $0x0  }
0x48: {  	s12 =	simm.s32 @!p0 $0x100;
	[sflag:s16] =	ssyncadd.s32 @!p0 $0xFFFFFF80  }
0x49: {  	[tilespmem:s12], [sflag:$0x1] =	stream.indirect.gather @!p0 [hbm4b:s3+s13], $0x80, s14, s13, $0xb8;
	[tilespmem:$0x8100] =	vst v63  }
0x4a: {  	s15 =	simm.s32 @!p0 $0x4100;
	s17 =	simm.s32 @!p0 $0x1  }
0x4b: {  	[tilespmem:s15], [sflag:$0x2] =	stream.indirect.gather @!p0 [hbm4b:s3+s13], $0x80, s13, s13, $0xb8;
	[tilespmem:$0x8100] =	vst v63  }
0x4c: {  	_ =	swait.ge @!p0 [sflag:s17], $0x4000  }
0x4d: {  	[sflag:s17] =	ssyncset.done @!p0 $0x0  }
0x4e: {  	s13 =	simm.s32 @!p0 $0x2;
	[sflag:s17] =	ssyncadd.s32 @!p0 $0xFFFFC000  }
0x4f: {  	_ =	swait.ge @!p0 [sflag:s13], $0x4000  }
0x50: {  	[sflag:s13] =	ssyncset.done @!p0 $0x0  }
0x51: {  	[sflag:s13] =	ssyncadd.s32 @!p0 $0xFFFFC000  }
0x52: {  	[hbm4b:s10+s14] =	stream.linear.scatter @!p0 [tilespmem:s12], [sflag:$0x4], $0x4000, $0x38;
	[tilespmem:$0x8100] =	vst v63  }
0x53: {  	s2 =	sadd.s32 $0x1, s2;
	_ =	swait.ge @!p0 [sflag:s16], $0x4000  }
0x54: {  	p1 =	sne.s32 s2, s5;
	[sflag:s16] =	ssyncset.done @!p0 $0x0  }
.Ltmp1:
0x55: {  	s10 =	simm.s32 @!p0 $0x3;
	[sflag:s16] =	ssyncadd.s32 @!p0 $0xFFFFC000;
	(pc) =	sbr.rel @p1 .LBB2_1-.Ltmp1, $4  }
0x56: {  	[hbm4b:s11+s14] =	stream.linear.scatter @!p0 [tilespmem:s15], [sflag:$0x3], $0x4000, $0x38;
	[tilespmem:$0x8100] =	vst v63  }
0x57: {  	_ =	swait.ge @!p0 [sflag:s10], $0x4000  }
0x58: {  	[sflag:s10] =	ssyncset.done @!p0 $0x0  }
0x59: {  	[sflag:s10] =	ssyncadd.s32 @!p0 $0xFFFFC000  }
0x5a: {  	_ =	sfence.sel $0x180000  }
0x5b: {  	[bflag:$0x0] =	sbarrier.arrive $0xFFFF  }
0x5c: {  	p0 =	sne.s32 s1, $0x0;
	_ =	strace $0x9000004D  }
0x5d: {  	s0 =	sadd.s32 @!p0 $0x100000, s0;
	[bflag:$0x2] =	sbarrier.arrive $0xFFFF  }
0x5e: {  	[sflag:s0] =	ssyncadd.tile.s32 @!p0 $0x1;
	_ =	shalt  }
.Lfunc_end2:
_tile_overlayer_lowered:
.L_overlay_start_2:
0x5f: {  	(tag) =	ssettag $0x2  }
0x60: {  	s0 =	rddreg [dreg:$0x0];
	s2 =	stileid.u32  }
0x61: {  	s1 =	rddreg [dreg:$0x1];
	p0 =	sne.s32 s2, $0x0  }
0x62: {  	s3 =	rddreg [dreg:$0x2];
	[bflag:$0x3] =	sbarrier.arrive $0xFFFF;
	s2 =	simm.s32 @!p0 $0x1C03  }
0x63: {  	[timem:s3], [sflag:s2] =	dma.local @!p0 [hbm:s0], s1  }
0x64: {  	s0 =	simm.s32 @!p0 $0x3  }
0x65: {  	_ =	swait.ge @!p0 [sflag:s0], s1  }
0x66: {  	s1 =	ssub.s32 @!p0 $0x0, s1;
	[sflag:s0] =	ssyncset.done @!p0 $0x0  }
0x67: {  	[sflag:s0] =	ssyncadd.s32 @!p0 s1  }
0x68: {  	[bflag:$0x3] =	sbarrier.arrive $0xFFFF  }
0x69: {  	_ =	shalt  }

// kernel: kernel.21.cloned.1.call-start
scs
__scs_entry_jumppad:
0x0: {  	(pc) =	sbr.rel $0x88, $3  }
0x1: {  	(tag) =	ssettag $0x0;
	lr =	simm.s32 $0x1  }
0x2: {  	[smem:$0x3F80] =	sst lr;
	_ =	strace $0xD0000000  }
0x3: {  	_ = 	snop  }
0x4: {  	_ = 	snop  }
0x5: {  	_ = 	snop  }
0x6: {  	_ = 	snop  }
0x7: {  	_ = 	snop  }
__scs_overlays_trampoline_lowered:
0x8: {  	[smem:$0x3F8F] =	sst s0  }
0x9: {  	[smem:$0x3F90] =	sst s1  }
0xa: {  	[smem:$0x3F91] =	sst s2  }
0xb: {  	[smem:$0x3F92] =	sst s3  }
0xc: {  	[smem:$0x3F93] =	sst s4  }
0xd: {  	[smem:$0x3F94] =	sst s5  }
0xe: {  	[smem:$0x3F95] =	sst s6  }
0xf: {  	[smem:$0x3F96] =	sst s7  }
0x10: {  	[smem:$0x3F97] =	sst s8  }
0x11: {  	[smem:$0x3F98] =	sst s9;
	s0 =	simm.s32 @!p0 $0x0  }
0x12: {  	s1 =	sld [smem:$0x3F7E];
	s0 =	simm.s32 @p0 $0x1  }
0x13: {  	[smem:$0x3F99] =	sst s0;
	s0 =	simm.s32 @!p1 $0x0  }
0x14: {  	s2 =	sld [smem:$0x3F7D];
	s0 =	simm.s32 @p1 $0x1  }
0x15: {  	[smem:$0x3F9A] =	sst s0;
	s0 =	simm.s32 @!p2 $0x0  }
0x16: {  	s3 =	sld [smem:$0x3FDB];
	s0 =	simm.s32 @p2 $0x1  }
0x17: {  	s4 =	simm.s32 $0x1BF5;
	[smem:$0x3F9C] =	sst s0  }
0x18: {  	s0 =	sld [smem:$0x3F7F];
	_ =	swait.ge [sflag:s4], $0x0  }
0x19: {  	s7 =	sld [smem:$0x3F80]  }
0x1a: {  	s8 =	sadd.s32 $0xFFFFE003, lr  }
0x1b: {  	s9 =	sadd.s32 $0xFFFFFEF7, lr;
	s5 =	simm.s32 $0xFFFFFFFF;
	p2 =	slt.u32 s8, $0xFFFFF086  }
0x1c: {  	p1 =	slt.u32 s9, $0xF7A;
	s5 =	simm.s32 @!p2 $0x0  }
0x1d: {  	s5 =	simm.s32 @p1 $0x1;
	p0 =	seq.s32 s7, s2  }
0x1e: {  	s7 =	smul.u32 @!p0 $0xF7A, s2;
	p2 =	seq.s32 @!p0 s5, $0x0  }
0x1f: {  	s9 =	smul.u32 $0xF7A, s1;
	s8 =	simm.s32 @!p0 $0x1BF5;
	p2 =	por !p2, p0  }
0x20: {  	[sflag:s8] =	ssyncset.s32 @!p0 $0xFFFFF086;
	s6 =	sadd.s32 @!p0 s3, s7;
	s7 =	simm.s32 @!p0 $0x108  }
0x21: {  	s3 =	sadd.s32 s3, s9;
	s6 =	sadd.s32 @!p0 $0x88, s6;
	s7 =	simm.s32 @p2 $0x1082  }
0x22: {  	[simem:s7], [sflag:s8] =	dma.local @!p0 [hbm:s6], $0xF7A  }
0x23: {  	s9 =	sor.u32 $0xD0000000, s2;
	s6 =	simm.s32 $0x108;
	_ =	swait.ge @!p0 [sflag:s8], $0x0  }
0x24: {  	s3 =	sadd.s32 $0x88, s3;
	s6 =	simm.s32 @!p1 $0x1082;
	[sflag:s4] =	ssyncset.s32 $0xFFFFF086  }
0x25: {  	[simem:s6], [sflag:s4] =	dma.local [hbm:s3], $0xF7A  }
0x26: {  	[smem:$0x3F80] =	sst s1;
	(tag) =	ssettag s2;
	_ =	strace s9  }
0x27: {  	s1 =	sld [smem:$0x3F90]  }
0x28: {  	s2 =	sld [smem:$0x3F91]  }
0x29: {  	s4 =	sld [smem:$0x3F93]  }
0x2a: {  	p0 =	seq.s32 s5, $0x0;
	s5 =	sld [smem:$0x3F94]  }
0x2b: {  	s6 =	sld [smem:$0x3F95]  }
0x2c: {  	s7 =	sld [smem:$0x3F96]  }
0x2d: {  	s3 =	simm.s32 $0x108;
	s8 =	sld [smem:$0x3F97]  }
0x2e: {  	s3 =	simm.s32 @!p0 $0x1082;
	s9 =	sld [smem:$0x3F98]  }
0x2f: {  	lr =	sadd.s32 s0, s3;
	s0 =	sld [smem:$0x3F8F]  }
0x30: {  	s3 =	sld [smem:$0x3F92]  }
0x31: {  	[smem:$0x3F9B] =	sst s10  }
0x32: {  	s10 =	sld [smem:$0x3F99];
	_ =	sdelay $0x3  }
0x33: {  	p0 =	seq.s32 s10, $0x1;
	s10 =	sld [smem:$0x3F9B];
	_ =	sdelay $0x3  }
0x34: {  	[smem:$0x3F9B] =	sst s10  }
0x35: {  	s10 =	sld [smem:$0x3F9A];
	_ =	sdelay $0x3  }
0x36: {  	p1 =	seq.s32 s10, $0x1;
	s10 =	sld [smem:$0x3F9B];
	_ =	sdelay $0x3  }
0x37: {  	[smem:$0x3F9B] =	sst s10  }
0x38: {  	s10 =	sld [smem:$0x3F9C]  }
0x39: {  	_ = 	snop;
	(pc) =	sbr.ind lr, $3  }
0x3a: {  	_ = 	snop  }
0x3b: {  	_ = 	snop  }
0x3c: {  	p2 =	seq.s32 s10, $0x1;
	s10 =	sld [smem:$0x3F9B]  }
0x3d: {  	_ =	shalt  }
0x3e: {  	_ =	shalt  }
0x3f: {  	_ =	shalt  }
0x40: {  	_ =	shalt  }
0x41: {  	_ =	shalt  }
0x42: {  	_ =	shalt  }
0x43: {  	_ =	shalt  }
0x44: {  	_ =	shalt  }
0x45: {  	_ =	shalt  }
0x46: {  	_ =	shalt  }
0x47: {  	_ =	shalt  }
0x48: {  	_ =	shalt  }
0x49: {  	_ =	shalt  }
0x4a: {  	_ =	shalt  }
0x4b: {  	_ =	shalt  }
0x4c: {  	_ =	shalt  }
0x4d: {  	_ =	shalt  }
0x4e: {  	_ =	shalt  }
0x4f: {  	_ =	shalt  }
0x50: {  	_ =	shalt  }
0x51: {  	_ =	shalt  }
0x52: {  	_ =	shalt  }
0x53: {  	_ =	shalt  }
0x54: {  	_ =	shalt  }
0x55: {  	_ =	shalt  }
0x56: {  	_ =	shalt  }
0x57: {  	_ =	shalt  }
0x58: {  	_ =	shalt  }
0x59: {  	_ =	shalt  }
0x5a: {  	_ =	shalt  }
0x5b: {  	_ =	shalt  }
0x5c: {  	_ =	shalt  }
0x5d: {  	_ =	shalt  }
0x5e: {  	_ =	shalt  }
0x5f: {  	_ =	shalt  }
0x60: {  	_ =	shalt  }
0x61: {  	_ =	shalt  }
0x62: {  	_ =	shalt  }
0x63: {  	_ =	shalt  }
0x64: {  	_ =	shalt  }
0x65: {  	_ =	shalt  }
0x66: {  	_ =	shalt  }
0x67: {  	_ =	shalt  }
0x68: {  	_ =	shalt  }
0x69: {  	_ =	shalt  }
0x6a: {  	_ =	shalt  }
0x6b: {  	_ =	shalt  }
0x6c: {  	_ =	shalt  }
0x6d: {  	_ =	shalt  }
0x6e: {  	_ =	shalt  }
0x6f: {  	_ =	shalt  }
0x70: {  	_ =	shalt  }
0x71: {  	_ =	shalt  }
0x72: {  	_ =	shalt  }
0x73: {  	_ =	shalt  }
0x74: {  	_ =	shalt  }
0x75: {  	_ =	shalt  }
0x76: {  	_ =	shalt  }
0x77: {  	_ =	shalt  }
0x78: {  	_ =	shalt  }
0x79: {  	_ =	shalt  }
0x7a: {  	_ =	shalt  }
0x7b: {  	_ =	shalt  }
0x7c: {  	_ =	shalt  }
0x7d: {  	_ =	shalt  }
0x7e: {  	_ =	shalt  }
0x7f: {  	_ =	shalt  }
0x80: {  	_ =	shalt  }
0x81: {  	_ =	shalt  }
0x82: {  	_ =	shalt  }
0x83: {  	_ =	shalt  }
0x84: {  	_ =	shalt  }
0x85: {  	_ =	shalt  }
0x86: {  	_ =	shalt  }
0x87: {  	_ =	shalt  }
.Lfunc_end0:
.L_simem_size_0:
called_computation.3_lowered:
.L_overlay_start_0:
0x88: {  	s2 =	sld [smem:$0x3FD9]  }
0x89: {  	s3 =	sld [smem:$0x3FFE];
	_ =	sdelay $0x1  }
0x8a: {  	s1 =	srdreg.scid  }
0x8b: {  	s0 =	sand.u32 $0x1, s1  }
0x8c: {  	s16 =	sshll.u32 s0, $0xA;
	s2 =	sadd.s32 s3, s2  }
0x8d: {  	s2 =	sadd.s32 s2, s16  }
0x8e: {  	[smem:$0x3FA7] =	sst s2  }
0x8f: {  	_ = 	snop  }
0x90: {  	(tm) =	ssettm $0x1  }
0x91: {  	s17 =	sld [smem:$0x3FFB];
	_ =	sdelay $0x3  }
0x92: {  	_ =	strace s17  }
0x93: {  	s2 =	sld [smem:$0x3FFC];
	_ =	sdelay $0x3  }
0x94: {  	_ =	strace s2  }
0x95: {  	s2 =	sld [smem:$0x3FFD];
	_ =	sdelay $0x3  }
0x96: {  	_ =	strace s2  }
0x97: {  	_ =	strace $0x8FFFFFFF  }
0x98: {  	s18 =	sld [smem:$0x3FDB];
	_ =	sdelay $0x1  }
0x99: {  	s19 =	simm.s32 $_scs_section_size  }
0x9a: {  	s4 =	simm.s32 $_size__tile_overlayer_lowered;
	s5 =	simm.s32 $_tile_overlayer_lowered  }
0x9b: {  	s22 =	simm.s32 $0x1BFF;
	s21 =	sshll.u32 s5, $0x1;
	s2 =	sadd.s32 s19, s18  }
0x9c: {  	s6 =	simm.s32 $0x0;
	s20 =	sshll.u32 s4, $0x1;
	s4 =	sadd.s32 s21, s2  }
0x9d: {  	[timem:s6], [sflag:s22] =	dma.local [hbm:s4], s20  }
0x9e: {  	_ =	swait.ge [sflag:s22], s20  }
0x9f: {  	s3 =	ssub.s32 $0x0, s20;
	[sflag:s22] =	ssyncset.done $0x0  }
0xa0: {  	[sflag:s22] =	ssyncadd.s32 s3;
	_ =	sdelay $0x1  }
0xa1: {  	s23 =	simm.s32 $0x1B8B  }
0xa2: {  	_ =	swait.ge [sflag:s23], $0x1  }
0xa3: {  	[sflag:s23] =	ssyncset.done $0x0  }
0xa4: {  	s25 =	simm.s32 $0x1B8E;
	s24 =	sld [smem:$0x3FFE];
	[sflag:s23] =	ssyncadd.s32 $0xFFFFFFFF  }
0xa5: {  	s26 =	simm.s32 $execute0_lowered;
	[smem:$0x3FD2] =	sst s25  }
0xa6: {  	s4 =	sshll.u32 s26, $0x1;
	_ =	strace $0x8000004F;
	[dreg:$0x1] =	wrdreg $0xFFFFFFFF  }
0xa7: {  	s28 =	simm.s32 $_size_execute0_lowered;
	s2 =	sadd.s32 s2, s4;
	[dreg:$0x0] =	wrdreg $0x0  }
0xa8: {  	s4 =	sshll.u32 s28, $0x1;
	[dreg:$0x2] =	wrdreg s2  }
0xa9: {  	[dreg:$0x3] =	wrdreg s4  }
0xaa: {  	[dreg:$0x4] =	wrdreg $0xC0  }
0xab: {  	_ =	task [dreg:s6], $0x5FFFF  }
0xac: {  	[dreg:$0x1] =	wrdreg $0xFFFFFFFF  }
0xad: {  	[dreg:$0x0] =	wrdreg $0x60  }
0xae: {  	[dreg:$0x2] =	wrdreg s24  }
0xaf: {  	[dreg:$0x3] =	wrdreg $0x9  }
0xb0: {  	_ =	task.clear_ibuf [dreg:s6], $0x4FFFF;
	_ =	strace $0x9000004F  }
0xb1: {  	s29 =	simm.s32 $0x9;
	_ =	strace $0x80000051  }
0xb2: {  	_ =	swait.ge [sflag:s29], $0x1  }
0xb3: {  	[sflag:s29] =	ssyncadd.s32 $0xFFFFFFFF  }
0xb4: {  	_ =	strace $0x90000051  }
0xb5: {  	_ =	sfence  }
0xb6: {  	s30 =	sld [smem:$0x0];
	_ =	sdelay $0x2  }
0xb7: {  	s31 =	sshll.u32 s1, $0xD;
	s1 =	sshrl.u32 s1, $0x2  }
0xb8: {  	s3 =	sand.u32 $0x4000, s31;
	s1 =	sadd.s32 s1, s30  }
0xb9: {  	s0 =	sor.u32 s3, s0;
	s1 =	sshll.u32 s1, $0x11  }
0xba: {  	s0 =	sor.u32 s1, s0  }
0xbb: {  	s0 =	sadd.s32 $0x8F2B, s0  }
0xbc: {  	[sflag:s0] =	ssyncadd.remote.s32 $0x1  }
0xbd: {  	_ =	sfence.sel $0xFFFF  }
0xbe: {  	[dreg:$0x0] =	wrdreg $0xFFFFFFFF;
	(pc) =	sbr.abs _section_cstart, $3  }
0xbf: {  	[dreg:$0x1] =	wrdreg $0xFFFFFFFF  }
0xc0: {  	_ =	task.clear_ibuf [dreg:s6], $0x2FFFF;
	_ =	strace $0x9FFFFFFF  }
0xc1: {  	(tm) =	ssettm $0x7FFFFFFF  }
tec
execute0_lowered:
.L_overlay_start_1:
0x0: {  	(tag) =	ssettag $0x1  }
0x1: {  	s6 =	rddreg [dreg:$0x0];
	s1 =	simm.s32 $0x0  }
0x2: {  	[smem:$0x7FF] =	sst s1  }
0x3: {  	s0 =	rddreg [dreg:$0x1];
	v0 =	vimm.f32 $1.000000000e+00;
	_ =	strace $0x80000050  }
0x4: {  	(xrf0) =	vmax.scan.msk.f32 $0xffff, v0;
	_ =	sdelay $0x5  }
0x5: {  	v0, _, _ =	vpop (xrf0)  }
0x6: {  	(v2sf) =	vpush v0, $0xF;
	_ =	sdelay $0x7  }
0x7: {  	s3 =	srdreg.scid;
	s2 =	stileid.u32  }
0x8: {  	s10 =	simm.s32 $0x1900;
	s11 =	simm.s32 $0x3500;
	s12 =	simm.s32 $0xEF00  }
0x9: {  	s13 =	simm.s32 $0x5100;
	s3 =	sand.u32 $0x1, s3;
	s4 =	sshll.u32 s2, $0x1  }
0xa: {  	s14 =	simm.s32 $0x7880;
	s15 =	simm.s32 $0xA000;
	s4 =	sor.u32 s3, s4  }
0xb: {  	s5 =	sadd.s32 $0x11C00, s6;
	s8 =	ssub.s32 $0x2, s3;
	s7 =	smul.u32 $0x9E0, s4  }
0xc: {  	s3 =	smul.u32 $0xAF000, s4;
	s4 =	sadd.s32 $0xA2DE00, s6;
	s9 =	sshrl.u32 s8, $0x1  }
0xd: {  	s8 =	ssub.s32 s8, s9;
	s9 =	simm.s32 $0x1;
	s7 =	sadd.s32 s7, s6  }
0xe: {  	v1 =	vlaneseq.u32;
	s6 =	sadd.s32 $0x57800, s3;
	s8 =	smax.u32 s8, $0x1;
	s16 =	spop (v2sf)  }
0xf: {  	v2 =	vimm.f32 $0.0e+00;
	vm0 =	vmmov $0xffff;
	s7 =	sadd.s32 $0x42C00, s7;
	v0 =	vimm.f32 $-Inf;
	p0 =	sgt.f32 s16, $0.0e+00;
	s16 =	simm.s32 $0x0  }
.LBB2_1:
0x10: {  	s17 =	simm.s32 $0x40;
	s18 =	simm.s32 $0x0  }
.LBB2_2:
0x11: {  	p1 =	sne.s32 s17, $0x9C00;
	[tilespmem:s18+$0x5100] =	vst v0;
	s19 =	smov.u32 s17;
	s17 =	sadd.s32 $0x40, s17  }
.Ltmp0:
0x12: {  	[tilespmem:s18+$0x7880] =	vst v0;
	(pc) =	sbr.rel @p1 .LBB2_2-.Ltmp0, $2  }
0x13: {  	_ =	sdelay $0x2  }
0x14: {  	s18 =	sshra.s32 s19, $0x2  }
.Ltmp1:
0x15: {  	(pc) =	sbr.rel .LBB2_4-.Ltmp1, $3  }
0x16: {  	_ =	sdelay $0x1  }
0x17: {  	[tilespmem:s18+$0x5100] =	vst v0  }
0x18: {  	s17 =	simm.s32 $0x0;
	[tilespmem:s18+$0x7880] =	vst v0;
	s18 =	simm.s32 $0x0  }
.LBB2_11:
0x19: {  	s18 =	sadd.s32 $0x1, s18  }
0x1a: {  	p1 =	sne.s32 s18, $0x32  }
.Ltmp2:
0x1b: {  	_ = 	snop;
	(pc) =	sbr.rel @!p1 .LBB2_12-.Ltmp2, $1  }
0x1c: {  	_ =	sdelay $0x3  }
.LBB2_4:
0x1d: {  	s19 =	smul.u32 $0x320, s18;
	_ =	sdelay $0x1  }
0x1e: {  	s20 =	smul.u32 $0x1C00, s18;
	s19 =	sadd.s32 s5, s19  }
0x1f: {  	[tilespmem:s17], [sflag:$0x1] =	stream.linear.gather [hbm4b:s19+s17], $0x1900, $0x38;
	[tilespmem:$0x11680] =	vst v63  }
0x20: {  	s30 =	sadd.s32 s3, s20;
	_ =	swait.ge [sflag:s9], $0x1900  }
0x21: {  	s19 =	sshrl.u32 s30, $0x3;
	[sflag:s9] =	ssyncset.done $0x0  }
0x22: {  	s19 =	sadd.s32 s4, s19;
	[sflag:s9] =	ssyncadd.s32 $0xFFFFE700  }
0x23: {  	[tilespmem:s10], [sflag:$0x1] =	stream.linear.gather [hbm4b:s19+s17], $0x1C00, $0x38;
	[tilespmem:$0x11680] =	vst v63  }
0x24: {  	s31 =	sadd.s32 s6, s20;
	_ =	swait.ge [sflag:s9], $0x1C00  }
0x25: {  	s19 =	sshrl.u32 s31, $0x3;
	[sflag:s9] =	ssyncset.done $0x0  }
.Ltmp3:
0x26: {  	s19 =	sadd.s32 s4, s19;
	[sflag:s9] =	ssyncadd.s32 $0xFFFFE400;
	(pc) =	sbr.rel .LBB2_5-.Ltmp3, $4  }
0x27: {  	[tilespmem:s11], [sflag:$0x1] =	stream.linear.gather [hbm4b:s19+s17], $0x1C00, $0x38;
	[tilespmem:$0x11680] =	vst v63  }
0x28: {  	_ =	swait.ge [sflag:s9], $0x1C00  }
0x29: {  	[sflag:s9] =	ssyncset.done $0x0  }
0x2a: {  	s19 =	simm.s32 $0x0;
	[sflag:s9] =	ssyncadd.s32 $0xFFFFE400  }
.LBB2_16:
0x2b: {  	_ =	sdelay $0x3  }
0x2c: {  	v6 =	vld.idx.msk [tilespmem:v3+s13+$0x0], $0xffff;
	_ =	sdelay $0x4  }
0x2d: {  	v5 =	vmax.f32 v6, v5  }
0x2e: {  	[tilespmem:v3+s13+$0x0] =	vst.idx.msk $0xffff, v5  }
0x2f: {  	v5 =	vld.idx.msk [tilespmem:v3+s14+$0x0], $0xffff;
	_ =	sdelay $0x4  }
0x30: {  	v4 =	vmax.f32 v5, v4  }
0x31: {  	[tilespmem:v3+s14+$0x0] =	vst.idx.msk $0xffff, v4  }
.LBB2_10:
0x32: {  	s19 =	sadd.s32 $0x1, s19  }
0x33: {  	p1 =	sne.s32 s19, $0x190  }
.Ltmp4:
0x34: {  	_ = 	snop;
	(pc) =	sbr.rel @!p1 .LBB2_11-.Ltmp4, $1  }
0x35: {  	_ =	sdelay $0x3  }
.LBB2_5:
0x36: {  	s20 =	sand.u32 $0xFFFE, s19  }
0x37: {  	s20 =	sshrl.u32 s20, $0x1  }
0x38: {  	s20 =	smul.u32 $0x147B, s20;
	_ =	sdelay $0x1  }
0x39: {  	s22 =	sshll.u32 s19, $0x4;
	s21 =	sshrl.u32 s20, $0x11  }
0x3a: {  	s22 =	sand.u32 $0x3FFFFFF0, s22;
	s21 =	smul.u32 $0x32, s21  }
0x3b: {  	v3 =	vld [tilespmem:s22+$0x0]  }
0x3c: {  	s30 =	sshrl.u32 s20, $0x14;
	s21 =	ssub.s32 s19, s21  }
0x3d: {  	s22 =	smul.u32 $0x1C00, s30;
	s23 =	sshll.u32 s21, $0x7  }
0x3e: {  	s20 =	sshrl.u32 s20, $0xA;
	s23 =	sand.u32 $0x1C00, s23  }
0x3f: {  	s20 =	sand.u32 $0x380, s20;
	s21 =	sshll.u32 s21, $0x4;
	s22 =	sadd.s32 s23, s22  }
0x40: {  	s21 =	sand.u32 $0x70, s21;
	s20 =	sor.u32 s20, s22  }
0x41: {  	s20 =	sor.u32 s21, s20  }
0x42: {  	v5 =	vld [tilespmem:s20+$0x1900]  }
0x43: {  	v4 =	vld [tilespmem:s20+$0x3500];
	[tilespmem:v3+s12+$0x0] =	vst.idx.msk $0xffff, v1  }
0x44: {  	v6 =	vld.idx.msk [tilespmem:v3+s12+$0x0], $0xffff;
	_ =	sdelay $0x4  }
0x45: {  	vm1 =	veq.s32 v6, v1  }
0x46: {  	v6 =	vsel vm1, $0x3F800000, v2  }
0x47: {  	(xrf0) =	vmin.scan.msk.f32 $0xffff, v6;
	_ =	sdelay $0x5  }
0x48: {  	v6, _, _ =	vpop (xrf0)  }
0x49: {  	(v2sf) =	vpush v6, $0xF;
	_ =	sdelay $0xe  }
0x4a: {  	s31 =	spop (v2sf)  }
0x4b: {  	p1 =	sgt.f32 s31, $0.0e+00  }
.Ltmp5:
0x4c: {  	_ = 	snop;
	(pc) =	sbr.rel @p1 .LBB2_16-.Ltmp5, $1  }
0x4d: {  	_ =	sdelay $0x3  }
0x4e: {  	vm1 =	vmmov vm0  }
.Ltmp6:
0x4f: {  	_ = 	snop;
	(pc) =	sbr.rel @!p0 .LBB2_10-.Ltmp6, $1  }
0x50: {  	_ =	sdelay $0x3  }
.LBB2_7:
0x51: {  	v6 =	vld.idx.msk [tilespmem:v3+s13+$0x0], vm1;
	_ =	sdelay $0x4  }
0x52: {  	v6 =	vmax.f32 v6, v5  }
0x53: {  	[tilespmem:v3+s13+$0x0] =	vst.idx.msk vm1, v6  }
0x54: {  	v7 =	vld.idx.msk [tilespmem:v3+s13+$0x0], vm1;
	_ =	sdelay $0x4  }
0x55: {  	vm2 =	vlt.f32 v7, v6  }
0x56: {  	vm1 =	vmand vm1, vm2  }
0x57: {  	v6 =	vsel vm1, $0x3F800000, v2  }
0x58: {  	(xrf0) =	vmax.scan.msk.f32 $0xffff, v6;
	_ =	sdelay $0x5  }
0x59: {  	v6, _, _ =	vpop (xrf0)  }
0x5a: {  	(v2sf) =	vpush v6, $0xF;
	_ =	sdelay $0xe  }
0x5b: {  	s20 =	spop (v2sf)  }
0x5c: {  	p1 =	sgt.f32 s20, $0.0e+00  }
.Ltmp7:
0x5d: {  	_ = 	snop;
	(pc) =	sbr.rel @p1 .LBB2_7-.Ltmp7, $1  }
0x5e: {  	_ =	sdelay $0x3  }
0x5f: {  	vm1 =	vmmov vm0  }
.LBB2_9:
0x60: {  	v5 =	vld.idx.msk [tilespmem:v3+s14+$0x0], vm1;
	_ =	sdelay $0x4  }
0x61: {  	v5 =	vmax.f32 v5, v4  }
0x62: {  	[tilespmem:v3+s14+$0x0] =	vst.idx.msk vm1, v5  }
0x63: {  	v6 =	vld.idx.msk [tilespmem:v3+s14+$0x0], vm1;
	_ =	sdelay $0x4  }
0x64: {  	vm2 =	vlt.f32 v6, v5  }
0x65: {  	vm1 =	vmand vm1, vm2  }
0x66: {  	v5 =	vsel vm1, $0x3F800000, v2  }
0x67: {  	(xrf0) =	vmax.scan.msk.f32 $0xffff, v5;
	_ =	sdelay $0x5  }
0x68: {  	v5, _, _ =	vpop (xrf0)  }
0x69: {  	(v2sf) =	vpush v5, $0xF;
	_ =	sdelay $0xe  }
0x6a: {  	s20 =	spop (v2sf)  }
0x6b: {  	p1 =	sgt.f32 s20, $0.0e+00  }
.Ltmp8:
0x6c: {  	_ = 	snop;
	(pc) =	sbr.rel @p1 .LBB2_9-.Ltmp8, $1  }
0x6d: {  	_ =	sdelay $0x3  }
.Ltmp9:
0x6e: {  	_ = 	snop;
	(pc) =	sbr.rel .LBB2_10-.Ltmp9, $1  }
0x6f: {  	_ =	sdelay $0x3  }
.LBB2_12:
0x70: {  	s17 =	simm.s32 $0x5100  }
0x71: {  	v3 =	vld [tilespmem:s17+$0x0];
	_ =	sdelay $0x3  }
0x72: {  	s18 =	simm.s32 $0x0  }
0x73: {  	s31 =	sand.u32 $0x70, s18;
	s19 =	sand.u32 $0x7F00, s18;
	vm1 =	veq.f32 v3, $-Inf  }
0x74: {  	s19 =	sor.u32 s31, s19;
	v3 =	vsel vm1, $0x0, v3  }
0x75: {  	s17 =	simm.s32 $0x7880;
	[tilespmem:s19+$0xA000] =	vst v3  }
0x76: {  	v3 =	vld [tilespmem:s17+$0x0];
	_ =	sdelay $0x4  }
0x77: {  	vm1 =	veq.f32 v3, $-Inf  }
0x78: {  	v3 =	vsel vm1, $0x0, v3  }
0x79: {  	[tilespmem:s19+$0xA080] =	vst v3;
	s19 =	simm.s32 $0x5110  }
0x7a: {  	s20 =	simm.s32 $0x10;
	s21 =	simm.s32 $0x20;
	v3 =	vld [tilespmem:s19+$0x0]  }
.LBB2_13:
0x7b: {  	p1 =	sne.s32 s21, $0x2700;
	_ =	sdelay $0x2  }
0x7c: {  	s18 =	sadd.s32 $0x20, s18  }
0x7d: {  	s22 =	sand.u32 $0x70, s20;
	s20 =	smov.u32 s21;
	s23 =	sand.u32 $0x7F00, s18;
	vm1 =	veq.f32 v3, $-Inf  }
0x7e: {  	s22 =	sor.u32 s22, s23;
	v3 =	vsel vm1, $0x0, v3  }
0x7f: {  	s17 =	sadd.s32 $0x10, s17;
	[tilespmem:s22+$0xA000] =	vst v3  }
0x80: {  	v3 =	vld [tilespmem:s17+$0x0];
	_ =	sdelay $0x3  }
.Ltmp10:
0x81: {  	(pc) =	sbr.rel @p1 .LBB2_13-.Ltmp10, $4  }
0x82: {  	vm1 =	veq.f32 v3, $-Inf  }
0x83: {  	v3 =	vsel vm1, $0x0, v3  }
0x84: {  	s19 =	sadd.s32 $0x10, s19;
	[tilespmem:s22+$0xA080] =	vst v3  }
0x85: {  	s21 =	sadd.s32 $0x10, s21;
	v3 =	vld [tilespmem:s19+$0x0]  }
0x86: {  	_ =	sdelay $0x2  }
0x87: {  	s18 =	sadd.s32 $0x20, s18  }
0x88: {  	s19 =	sand.u32 $0x70, s20;
	s18 =	sand.u32 $0x7F00, s18;
	vm1 =	veq.f32 v3, $-Inf  }
0x89: {  	s18 =	sor.u32 s19, s18;
	v3 =	vsel vm1, $0x0, v3  }
0x8a: {  	s17 =	sadd.s32 $0x10, s17;
	[tilespmem:s18+$0xA000] =	vst v3  }
0x8b: {  	v3 =	vld [tilespmem:s17+$0x0];
	_ =	sdelay $0x4  }
0x8c: {  	s16 =	sadd.s32 $0x1, s16;
	vm1 =	veq.f32 v3, $-Inf  }
0x8d: {  	p1 =	sne.s32 s16, s8;
	v3 =	vsel vm1, $0x0, v3  }
.Ltmp11:
0x8e: {  	[tilespmem:s18+$0xA080] =	vst v3;
	(pc) =	sbr.rel @p1 .LBB2_1-.Ltmp11, $4  }
0x8f: {  	[hbm4b:s7+s1] =	stream.linear.scatter [tilespmem:s15], [sflag:$0x1], $0x4F00, $0x38;
	[tilespmem:$0x11680] =	vst v63  }
0x90: {  	_ =	swait.ge [sflag:s9], $0x4F00  }
0x91: {  	[sflag:s9] =	ssyncset.done $0x0  }
0x92: {  	[sflag:s9] =	ssyncadd.s32 $0xFFFFB100  }
0x93: {  	_ =	sfence.sel $0x180000  }
0x94: {  	[bflag:$0x0] =	sbarrier.arrive $0xFFFF  }
0x95: {  	p0 =	sne.s32 s2, $0x0;
	_ =	strace $0x90000050  }
0x96: {  	s0 =	sadd.s32 @!p0 $0x100000, s0;
	[bflag:$0x2] =	sbarrier.arrive $0xFFFF  }
0x97: {  	[sflag:s0] =	ssyncadd.tile.s32 @!p0 $0x1;
	_ =	shalt  }
.Lfunc_end2:
_tile_overlayer_lowered:
.L_overlay_start_2:
0x98: {  	(tag) =	ssettag $0x2  }
0x99: {  	s0 =	rddreg [dreg:$0x0];
	s2 =	stileid.u32  }
0x9a: {  	s1 =	rddreg [dreg:$0x1];
	p0 =	sne.s32 s2, $0x0  }
0x9b: {  	s3 =	rddreg [dreg:$0x2];
	[bflag:$0x3] =	sbarrier.arrive $0xFFFF;
	s2 =	simm.s32 @!p0 $0x1C01  }
0x9c: {  	[timem:s3], [sflag:s2] =	dma.local @!p0 [hbm:s0], s1  }
0x9d: {  	s0 =	simm.s32 @!p0 $0x1  }
0x9e: {  	_ =	swait.ge @!p0 [sflag:s0], s1  }
0x9f: {  	s1 =	ssub.s32 @!p0 $0x0, s1;
	[sflag:s0] =	ssyncset.done @!p0 $0x0  }
0xa0: {  	[sflag:s0] =	ssyncadd.s32 @!p0 s1  }
0xa1: {  	[bflag:$0x3] =	sbarrier.arrive $0xFFFF  }
0xa2: {  	_ =	shalt  }

</sc_bundles>
